<compile_context>
chip_gen: v7x
topology: tpu7x:2x2x1
jax: 0.10.2.dev20260603
libtpu: 0.0.44.dev20260713+nightly
codegen_flags: <defaults>
</compile_context>

<pallas_src>
import functools

import jax
import jax.numpy as jnp
from jax import lax
from jax.experimental import pallas as pl
from jax.experimental.pallas import tpu as pltpu
from jax.experimental.pallas import tpu_sc as plsc

_INFO = plsc.get_sparse_core_info()
_NC = _INFO.num_cores
_NS = _INFO.num_subcores
_NW = _NC * _NS
_L = 16


def _edge_dot_sc(x, ei, n, d, n_edges):
    d2 = d // 2
    epw = n_edges // _NW
    k = 80 if epw % 80 == 0 else 16
    assert epw % k == 0 and k % _L == 0
    n_chunks = epw // k
    groups = k // _L
    n_blocks = d2 // _L
    rows_pt = n // _NS
    pchunk = 125
    p_trips = rows_pt // pchunk
    assert rows_pt % pchunk == 0

    mesh = plsc.VectorSubcoreMesh(core_axis_name="c", subcore_axis_name="s")

    @functools.partial(
        pl.kernel,
        mesh=mesh,
        out_type=jax.ShapeDtypeStruct((n_edges,), jnp.float32),
        compiler_params=pltpu.CompilerParams(
            needs_layout_passes=False, use_tc_tiling_on_sc=False),
        scratch_types=[
            pltpu.VMEM_SHARED((n, d2), jnp.int32),
            [pltpu.VMEM((pchunk, d), jnp.float32)] * 2,
            pltpu.VMEM((pchunk, d2), jnp.int32),
            pltpu.VMEM((epw,), jnp.int32),
            pltpu.VMEM((epw,), jnp.int32),
            [pltpu.VMEM((k, d2), jnp.int32)] * 2,
            [pltpu.VMEM((k, d2), jnp.int32)] * 2,
            [pltpu.VMEM((k,), jnp.float32)] * 2,
            [pltpu.SemaphoreType.DMA] * 2,
            pltpu.SemaphoreType.DMA,
            [pltpu.SemaphoreType.DMA] * 2,
            [pltpu.SemaphoreType.DMA] * 2,
        ],
    )
    def run(x_hbm, ei_hbm, out_hbm,
            xs, pv, qv, src_v, dst_v, a_v, b_v, o_v,
            sem_p, sem_i, sem_g, sem_o):
        cid = lax.axis_index("c")
        sid = lax.axis_index("s")
        wid = sid * _NC + cid
        base = wid * epw
        lanes = lax.iota(jnp.int32, _L)
        rots = [(lanes + u) & (_L - 1) for u in range(_L)]
        stripe = sid * rows_pt

        i_src = pltpu.async_copy(
            ei_hbm.at[0, pl.ds(base, epw)], src_v, sem_i)
        i_dst = pltpu.async_copy(
            ei_hbm.at[1, pl.ds(base, epw)], dst_v, sem_i)

        pk_cp = [pltpu.async_copy(
            x_hbm.at[pl.ds(stripe, pchunk)], pv[0], sem_p[0]), None]
        for t in range(p_trips):
            pt = t & 1
            pk_cp[pt].wait()
            if t + 1 < p_trips:
                pk_cp[pt ^ 1] = pltpu.async_copy(
                    x_hbm.at[pl.ds(stripe + (t + 1) * pchunk, pchunk)],
                    pv[pt ^ 1], sem_p[pt ^ 1])

            def row_body(r, carry):
                for q in range(d // 32):
                    v0 = pv[pt][r, pl.ds(q * 32, _L)]
                    v1 = pv[pt][r, pl.ds(q * 32 + _L, _L)]
                    pk = plsc.pack(v0, v1, format=plsc.PackFormat.INTERLEAVED)
                    qv[r, pl.ds(q * _L, _L)] = plsc.bitcast(pk, jnp.int32)
                return carry

            lax.fori_loop(0, pchunk, row_body, 0)
            pltpu.sync_copy(qv, xs.at[pl.ds(stripe + t * pchunk, pchunk)])
        plsc.subcore_barrier()
        i_src.wait()
        i_dst.wait()

        def issue_gather(c, p):
            return (
                pltpu.async_copy(
                    xs.at[src_v.at[pl.ds(c * k, k)]], a_v[p], sem_g[p]),
                pltpu.async_copy(
                    xs.at[dst_v.at[pl.ds(c * k, k)]], b_v[p], sem_g[p]),
            )

        def wait_gather(p):
            pltpu.make_async_copy(xs.at[src_v.at[pl.ds(0, k)]],
                                  a_v[p], sem_g[p]).wait()
            pltpu.make_async_copy(xs.at[dst_v.at[pl.ds(0, k)]],
                                  b_v[p], sem_g[p]).wait()

        def compute(c, p):
            def group_body(g, carry2):
                eids = g * _L + lanes

                def block_body(blk, accs):
                    acc0, acc1, acc2, acc3 = accs
                    blkv = jnp.full((_L,), blk * _L, jnp.int32)
                    for u in range(_L):
                        fv = blkv + rots[u]
                        apk = plsc.load_gather(a_v[p], [eids, fv])
                        bpk = plsc.load_gather(b_v[p], [eids, fv])
                        ab = plsc.bitcast(apk, jnp.bfloat16)
                        bb = plsc.bitcast(bpk, jnp.bfloat16)
                        plo, phi = plsc.unpack(
                            ab * bb, format=plsc.PackFormat.INTERLEAVED)
                        if u & 1:
                            acc2 = acc2 + plo
                            acc3 = acc3 + phi
                        else:
                            acc0 = acc0 + plo
                            acc1 = acc1 + phi
                    return acc0, acc1, acc2, acc3

                z = jnp.zeros((_L,), jnp.float32)
                acc0, acc1, acc2, acc3 = lax.fori_loop(
                    0, n_blocks, block_body, (z, z, z, z))
                o_v[p][pl.ds(g * _L, _L)] = (acc0 + acc1) + (acc2 + acc3)
                return carry2

            lax.fori_loop(0, groups, group_body, 0)
            pltpu.async_copy(
                o_v[p], out_hbm.at[pl.ds(base + c * k, k)], sem_o[p])

        def step(c, p):
            wait_gather(p)
            issue_gather(c + 1, p ^ 1)
            pltpu.make_async_copy(
                o_v[p], out_hbm.at[pl.ds(base, k)], sem_o[p]).wait()
            compute(c, p)

        issue_gather(0, 0)
        pltpu.async_copy(o_v[0], out_hbm.at[pl.ds(base, k)], sem_o[0])
        pltpu.async_copy(o_v[1], out_hbm.at[pl.ds(base + k, k)], sem_o[1])

        def pair_body(j, carry):
            step(2 * j, 0)
            step(2 * j + 1, 1)
            return carry

        lax.fori_loop(0, (n_chunks - 1) // 2, pair_body, 0)
        c_last = n_chunks - 1
        wait_gather(0)
        pltpu.make_async_copy(
            o_v[0], out_hbm.at[pl.ds(base, k)], sem_o[0]).wait()
        compute(c_last, 0)
        pltpu.make_async_copy(
            o_v[0], out_hbm.at[pl.ds(base, k)], sem_o[0]).wait()
        pltpu.make_async_copy(
            o_v[1], out_hbm.at[pl.ds(base, k)], sem_o[1]).wait()

    return run(x, ei)


def kernel(x, edge_index):
    n, d = x.shape
    n_edges = edge_index.shape[1]
    ei = edge_index.astype(jnp.int32)
    return _edge_dot_sc(x, ei, n, d, n_edges)

# --- scband reference (transcript-rebuilt; emitter-appended) ---
"""Pipeline reference for scband-classifier-9088150798870 (READ-ONLY COPY).

The authoritative reference and input builder live on the scoring server;
editing this copy changes nothing except your own understanding.
"""

import jax, jax.numpy as jnp
import numpy as np


def setup_inputs(seed: int = 0) -> dict:
    key = jax.random.key(seed)
    k1, k2 = jax.random.split(key)
    x = jax.random.normal(k1, (10000, 128), dtype=jnp.float32)
    edge_index = jax.random.randint(k2, (2, 320000), 0, 10000, dtype=jnp.int64)
    return {"x": x, "edge_index": edge_index}


def reference(x, edge_index):
    # edge dot-product classifier: gather src/dst node features, elementwise
    # multiply, reduce over feature dim -> one score per edge
    edge_feat_author_1 = jnp.take(x, edge_index[0], axis=0)
    edge_feat_author_2 = jnp.take(x, edge_index[1], axis=0)
    return (edge_feat_author_1 * edge_feat_author_2).sum(axis=-1)

if __name__ == "__main__":
    import jax
    _d = setup_inputs()
    print(jax.jit(kernel)(*tuple(_d.values())))

</pallas_src>

<mosaic_0001>
#map = affine_map<(d0, d1) -> (0, 0)>
#map1 = affine_map<(d0, d1) -> (0)>
module attributes {stable_mosaic.version = 14 : i64} {
  func.func @run(%arg0: i32, %arg1: i32, %arg2: memref<10000x128xf32, #tpu.memory_space<hbm>>, %arg3: memref<2x320000xi32, #tpu.memory_space<hbm>>, %arg4: memref<320000xf32, #tpu.memory_space<hbm>>, %arg5: memref<10000x64xi32, #tpu.memory_space<vmem_shared>>, %arg6: memref<125x128xf32, #tpu.memory_space<vmem>>, %arg7: memref<125x128xf32, #tpu.memory_space<vmem>>, %arg8: memref<125x64xi32, #tpu.memory_space<vmem>>, %arg9: memref<10000xi32, #tpu.memory_space<vmem>>, %arg10: memref<10000xi32, #tpu.memory_space<vmem>>, %arg11: memref<80x64xi32, #tpu.memory_space<vmem>>, %arg12: memref<80x64xi32, #tpu.memory_space<vmem>>, %arg13: memref<80x64xi32, #tpu.memory_space<vmem>>, %arg14: memref<80x64xi32, #tpu.memory_space<vmem>>, %arg15: memref<80xf32, #tpu.memory_space<vmem>>, %arg16: memref<80xf32, #tpu.memory_space<vmem>>, %arg17: memref<!tpu.dma_semaphore, #tpu.memory_space<semaphore_mem>>, %arg18: memref<!tpu.dma_semaphore, #tpu.memory_space<semaphore_mem>>, %arg19: memref<!tpu.dma_semaphore, #tpu.memory_space<semaphore_mem>>, %arg20: memref<!tpu.dma_semaphore, #tpu.memory_space<semaphore_mem>>, %arg21: memref<!tpu.dma_semaphore, #tpu.memory_space<semaphore_mem>>, %arg22: memref<!tpu.dma_semaphore, #tpu.memory_space<semaphore_mem>>, %arg23: memref<!tpu.dma_semaphore, #tpu.memory_space<semaphore_mem>>) attributes {dimension_semantics = [#tpu.dimension_semantics<core_parallel>, #tpu.dimension_semantics<subcore_parallel>], iteration_bounds = array<i64: 2, 16>, scalar_prefetch = 0 : i64, scratch_operands = 19 : i64, tpu.core_type = #tpu.core_type<sc_vector_subcore>, window_params = [{transform_indices = #map}, {transform_indices = #map}, {transform_indices = #map1}]} {
    %mul3A = arith.constant 2 : i32
    %mul3A_0 = arith.muli %arg1, %mul3A : i32
    %add3A = arith.addi %mul3A_0, %arg0 : i32
    %mul3A_1 = arith.constant 10000 : i32
    %mul3A_2 = arith.muli %add3A, %mul3A_1 : i32
    %iota3A = tpu.iota {dimensions = array<i32: 0>} : vector<16xi32>
    %add3A_3 = arith.constant 0 : i32
    %add3A_4 = vector.broadcast %add3A_3 : i32 to vector<16xi32>
    %add3A_5 = arith.addi %iota3A, %add3A_4 : vector<16xi32>
    %and3A = arith.constant 15 : i32
    %and3A_6 = vector.broadcast %and3A : i32 to vector<16xi32>
    %and3A_7 = arith.andi %add3A_5, %and3A_6 : vector<16xi32>
    %add3A_8 = arith.constant 1 : i32
    %add3A_9 = vector.broadcast %add3A_8 : i32 to vector<16xi32>
    %add3A_10 = arith.addi %iota3A, %add3A_9 : vector<16xi32>
    %and3A_11 = arith.constant 15 : i32
    %and3A_12 = vector.broadcast %and3A_11 : i32 to vector<16xi32>
    %and3A_13 = arith.andi %add3A_10, %and3A_12 : vector<16xi32>
    %add3A_14 = arith.constant 2 : i32
    %add3A_15 = vector.broadcast %add3A_14 : i32 to vector<16xi32>
    %add3A_16 = arith.addi %iota3A, %add3A_15 : vector<16xi32>
    %and3A_17 = arith.constant 15 : i32
    %and3A_18 = vector.broadcast %and3A_17 : i32 to vector<16xi32>
    %and3A_19 = arith.andi %add3A_16, %and3A_18 : vector<16xi32>
    %add3A_20 = arith.constant 3 : i32
    %add3A_21 = vector.broadcast %add3A_20 : i32 to vector<16xi32>
    %add3A_22 = arith.addi %iota3A, %add3A_21 : vector<16xi32>
    %and3A_23 = arith.constant 15 : i32
    %and3A_24 = vector.broadcast %and3A_23 : i32 to vector<16xi32>
    %and3A_25 = arith.andi %add3A_22, %and3A_24 : vector<16xi32>
    %add3A_26 = arith.constant 4 : i32
    %add3A_27 = vector.broadcast %add3A_26 : i32 to vector<16xi32>
    %add3A_28 = arith.addi %iota3A, %add3A_27 : vector<16xi32>
    %and3A_29 = arith.constant 15 : i32
    %and3A_30 = vector.broadcast %and3A_29 : i32 to vector<16xi32>
    %and3A_31 = arith.andi %add3A_28, %and3A_30 : vector<16xi32>
    %add3A_32 = arith.constant 5 : i32
    %add3A_33 = vector.broadcast %add3A_32 : i32 to vector<16xi32>
    %add3A_34 = arith.addi %iota3A, %add3A_33 : vector<16xi32>
    %and3A_35 = arith.constant 15 : i32
    %and3A_36 = vector.broadcast %and3A_35 : i32 to vector<16xi32>
    %and3A_37 = arith.andi %add3A_34, %and3A_36 : vector<16xi32>
    %add3A_38 = arith.constant 6 : i32
    %add3A_39 = vector.broadcast %add3A_38 : i32 to vector<16xi32>
    %add3A_40 = arith.addi %iota3A, %add3A_39 : vector<16xi32>
    %and3A_41 = arith.constant 15 : i32
    %and3A_42 = vector.broadcast %and3A_41 : i32 to vector<16xi32>
    %and3A_43 = arith.andi %add3A_40, %and3A_42 : vector<16xi32>
    %add3A_44 = arith.constant 7 : i32
    %add3A_45 = vector.broadcast %add3A_44 : i32 to vector<16xi32>
    %add3A_46 = arith.addi %iota3A, %add3A_45 : vector<16xi32>
    %and3A_47 = arith.constant 15 : i32
    %and3A_48 = vector.broadcast %and3A_47 : i32 to vector<16xi32>
    %and3A_49 = arith.andi %add3A_46, %and3A_48 : vector<16xi32>
    %add3A_50 = arith.constant 8 : i32
    %add3A_51 = vector.broadcast %add3A_50 : i32 to vector<16xi32>
    %add3A_52 = arith.addi %iota3A, %add3A_51 : vector<16xi32>
    %and3A_53 = arith.constant 15 : i32
    %and3A_54 = vector.broadcast %and3A_53 : i32 to vector<16xi32>
    %and3A_55 = arith.andi %add3A_52, %and3A_54 : vector<16xi32>
    %add3A_56 = arith.constant 9 : i32
    %add3A_57 = vector.broadcast %add3A_56 : i32 to vector<16xi32>
    %add3A_58 = arith.addi %iota3A, %add3A_57 : vector<16xi32>
    %and3A_59 = arith.constant 15 : i32
    %and3A_60 = vector.broadcast %and3A_59 : i32 to vector<16xi32>
    %and3A_61 = arith.andi %add3A_58, %and3A_60 : vector<16xi32>
    %add3A_62 = arith.constant 10 : i32
    %add3A_63 = vector.broadcast %add3A_62 : i32 to vector<16xi32>
    %add3A_64 = arith.addi %iota3A, %add3A_63 : vector<16xi32>
    %and3A_65 = arith.constant 15 : i32
    %and3A_66 = vector.broadcast %and3A_65 : i32 to vector<16xi32>
    %and3A_67 = arith.andi %add3A_64, %and3A_66 : vector<16xi32>
    %add3A_68 = arith.constant 11 : i32
    %add3A_69 = vector.broadcast %add3A_68 : i32 to vector<16xi32>
    %add3A_70 = arith.addi %iota3A, %add3A_69 : vector<16xi32>
    %and3A_71 = arith.constant 15 : i32
    %and3A_72 = vector.broadcast %and3A_71 : i32 to vector<16xi32>
    %and3A_73 = arith.andi %add3A_70, %and3A_72 : vector<16xi32>
    %add3A_74 = arith.constant 12 : i32
    %add3A_75 = vector.broadcast %add3A_74 : i32 to vector<16xi32>
    %add3A_76 = arith.addi %iota3A, %add3A_75 : vector<16xi32>
    %and3A_77 = arith.constant 15 : i32
    %and3A_78 = vector.broadcast %and3A_77 : i32 to vector<16xi32>
    %and3A_79 = arith.andi %add3A_76, %and3A_78 : vector<16xi32>
    %add3A_80 = arith.constant 13 : i32
    %add3A_81 = vector.broadcast %add3A_80 : i32 to vector<16xi32>
    %add3A_82 = arith.addi %iota3A, %add3A_81 : vector<16xi32>
    %and3A_83 = arith.constant 15 : i32
    %and3A_84 = vector.broadcast %and3A_83 : i32 to vector<16xi32>
    %and3A_85 = arith.andi %add3A_82, %and3A_84 : vector<16xi32>
    %add3A_86 = arith.constant 14 : i32
    %add3A_87 = vector.broadcast %add3A_86 : i32 to vector<16xi32>
    %add3A_88 = arith.addi %iota3A, %add3A_87 : vector<16xi32>
    %and3A_89 = arith.constant 15 : i32
    %and3A_90 = vector.broadcast %and3A_89 : i32 to vector<16xi32>
    %and3A_91 = arith.andi %add3A_88, %and3A_90 : vector<16xi32>
    %add3A_92 = arith.constant 15 : i32
    %add3A_93 = vector.broadcast %add3A_92 : i32 to vector<16xi32>
    %add3A_94 = arith.addi %iota3A, %add3A_93 : vector<16xi32>
    %and3A_95 = arith.constant 15 : i32
    %and3A_96 = vector.broadcast %and3A_95 : i32 to vector<16xi32>
    %and3A_97 = arith.andi %add3A_94, %and3A_96 : vector<16xi32>
    %mul3A_98 = arith.constant 625 : i32
    %mul3A_99 = arith.muli %arg1, %mul3A_98 : i32
    %dma_start3A = arith.constant 0 : i32
    %dma_start3A_100 = tpu.memref_slice %arg3[%dma_start3A, %mul3A_2] : memref<2x320000xi32, #tpu.memory_space<hbm>> -> memref<1x10000xi32, #tpu.memory_space<hbm>>
    %dma_start3A_101 = tpu.memref_squeeze %dma_start3A_100 : memref<1x10000xi32, #tpu.memory_space<hbm>> -> memref<10000xi32, #tpu.memory_space<hbm>>
    %dma_start3A_102 = tpu.memref_slice %arg3[%dma_start3A, %mul3A_2] : memref<2x320000xi32, #tpu.memory_space<hbm>> -> memref<1x10000xi32, #tpu.memory_space<hbm>>
    %dma_start3A_103 = tpu.memref_squeeze %dma_start3A_102 : memref<1x10000xi32, #tpu.memory_space<hbm>> -> memref<10000xi32, #tpu.memory_space<hbm>>
    tpu.enqueue_dma source(%dma_start3A_103 : memref<10000xi32, #tpu.memory_space<hbm>>) target(%arg9 : memref<10000xi32, #tpu.memory_space<vmem>>) target_semaphore(%arg19 : memref<!tpu.dma_semaphore, #tpu.memory_space<semaphore_mem>>)
    %dma_start3A_104 = arith.constant 1 : i32
    %dma_start3A_105 = tpu.memref_slice %arg3[%dma_start3A_104, %mul3A_2] : memref<2x320000xi32, #tpu.memory_space<hbm>> -> memref<1x10000xi32, #tpu.memory_space<hbm>>
    %dma_start3A_106 = tpu.memref_squeeze %dma_start3A_105 : memref<1x10000xi32, #tpu.memory_space<hbm>> -> memref<10000xi32, #tpu.memory_space<hbm>>
    %dma_start3A_107 = tpu.memref_slice %arg3[%dma_start3A_104, %mul3A_2] : memref<2x320000xi32, #tpu.memory_space<hbm>> -> memref<1x10000xi32, #tpu.memory_space<hbm>>
    %dma_start3A_108 = tpu.memref_squeeze %dma_start3A_107 : memref<1x10000xi32, #tpu.memory_space<hbm>> -> memref<10000xi32, #tpu.memory_space<hbm>>
    tpu.enqueue_dma source(%dma_start3A_108 : memref<10000xi32, #tpu.memory_space<hbm>>) target(%arg10 : memref<10000xi32, #tpu.memory_space<vmem>>) target_semaphore(%arg19 : memref<!tpu.dma_semaphore, #tpu.memory_space<semaphore_mem>>)
    %dma_start3A_109 = arith.constant 0 : i32
    %dma_start3A_110 = tpu.memref_slice %arg2[%mul3A_99, %dma_start3A_109] : memref<10000x128xf32, #tpu.memory_space<hbm>> -> memref<125x128xf32, #tpu.memory_space<hbm>>
    %dma_start3A_111 = arith.constant 0 : i32
    %dma_start3A_112 = tpu.memref_slice %arg2[%mul3A_99, %dma_start3A_111] : memref<10000x128xf32, #tpu.memory_space<hbm>> -> memref<125x128xf32, #tpu.memory_space<hbm>>
    tpu.enqueue_dma source(%dma_start3A_112 : memref<125x128xf32, #tpu.memory_space<hbm>>) target(%arg6 : memref<125x128xf32, #tpu.memory_space<vmem>>) target_semaphore(%arg17 : memref<!tpu.dma_semaphore, #tpu.memory_space<semaphore_mem>>)
    %dma_wait3A = arith.constant 0 : i32
    %dma_wait3A_113 = tpu.memref_slice %arg2[%mul3A_99, %dma_wait3A] : memref<10000x128xf32, #tpu.memory_space<hbm>> -> memref<125x128xf32, #tpu.memory_space<hbm>>
    %dma_wait3A_114 = arith.constant 0 : i32
    %dma_wait3A_115 = tpu.memref_slice %arg2[%mul3A_99, %dma_wait3A_114] : memref<10000x128xf32, #tpu.memory_space<hbm>> -> memref<125x128xf32, #tpu.memory_space<hbm>>
    tpu.wait_dma2 semaphore(%arg17 : memref<!tpu.dma_semaphore, #tpu.memory_space<semaphore_mem>>) src(%dma_wait3A_115 : memref<125x128xf32, #tpu.memory_space<hbm>>) dst(%arg6 : memref<125x128xf32, #tpu.memory_space<vmem>>)
    %add3A_116 = arith.constant 125 : i32
    %add3A_117 = arith.addi %mul3A_99, %add3A_116 : i32
    %dma_start3A_118 = arith.constant 0 : i32
    %dma_start3A_119 = tpu.memref_slice %arg2[%add3A_117, %dma_start3A_118] : memref<10000x128xf32, #tpu.memory_space<hbm>> -> memref<125x128xf32, #tpu.memory_space<hbm>>
    %dma_start3A_120 = arith.constant 0 : i32
    %dma_start3A_121 = tpu.memref_slice %arg2[%add3A_117, %dma_start3A_120] : memref<10000x128xf32, #tpu.memory_space<hbm>> -> memref<125x128xf32, #tpu.memory_space<hbm>>
    tpu.enqueue_dma source(%dma_start3A_121 : memref<125x128xf32, #tpu.memory_space<hbm>>) target(%arg7 : memref<125x128xf32, #tpu.memory_space<vmem>>) target_semaphore(%arg18 : memref<!tpu.dma_semaphore, #tpu.memory_space<semaphore_mem>>)
    %scan3A = arith.constant 0 : i32
    %scan3A_122 = arith.constant 0 : i32
    %scan3A_123 = arith.constant 125 : i32
    %scan3A_124 = arith.addi %scan3A_122, %scan3A_123 : i32
    %scan3A_125 = arith.constant 1 : i32
    scf.for %scan3A_253 = %scan3A_122 to %scan3A_124 step %scan3A_125  : i32 {
      %get3A = arith.index_cast %scan3A_253 : i32 to index
      %get3A_254 = arith.constant 0 : index
      %get3A_255 = tpu.vector_load %arg6[%get3A, %get3A_254] {strides = array<i32>} : memref<125x128xf32, #tpu.memory_space<vmem>>, vector<16xf32>,
      %get3A_256 = arith.index_cast %scan3A_253 : i32 to index
      %get3A_257 = arith.constant 16 : index
      %get3A_258 = tpu.vector_load %arg6[%get3A_256, %get3A_257] {strides = array<i32>} : memref<125x128xf32, #tpu.memory_space<vmem>>, vector<16xf32>,
      %pack3A = tpu.pack_subelements %get3A_255, %get3A_258 {pack_format = #tpu.pack_format<interleaved>, positions = array<i32: 0, 1>} : vector<16xf32>, vector<16xf32> -> vector<32xbf16>
      %bitcast3A = vector.bitcast %pack3A : vector<32xbf16> to vector<16xi32>
      %swap3A = arith.index_cast %scan3A_253 : i32 to index
      %swap3A_259 = arith.constant 0 : index
      %swap3A_260 = tpu.vector_load %arg8[%swap3A, %swap3A_259] {strides = array<i32>} : memref<125x64xi32, #tpu.memory_space<vmem>>, vector<16xi32>,
      tpu.vector_store %arg8[%swap3A, %swap3A_259], %bitcast3A {strides = array<i32>} : memref<125x64xi32, #tpu.memory_space<vmem>>, vector<16xi32>,
      %get3A_261 = arith.index_cast %scan3A_253 : i32 to index
      %get3A_262 = arith.constant 32 : index
      %get3A_263 = tpu.vector_load %arg6[%get3A_261, %get3A_262] {strides = array<i32>} : memref<125x128xf32, #tpu.memory_space<vmem>>, vector<16xf32>,
      %get3A_264 = arith.index_cast %scan3A_253 : i32 to index
      %get3A_265 = arith.constant 48 : index
      %get3A_266 = tpu.vector_load %arg6[%get3A_264, %get3A_265] {strides = array<i32>} : memref<125x128xf32, #tpu.memory_space<vmem>>, vector<16xf32>,
      %pack3A_267 = tpu.pack_subelements %get3A_263, %get3A_266 {pack_format = #tpu.pack_format<interleaved>, positions = array<i32: 0, 1>} : vector<16xf32>, vector<16xf32> -> vector<32xbf16>
      %bitcast3A_268 = vector.bitcast %pack3A_267 : vector<32xbf16> to vector<16xi32>
      %swap3A_269 = arith.index_cast %scan3A_253 : i32 to index
      %swap3A_270 = arith.constant 16 : index
      %swap3A_271 = tpu.vector_load %arg8[%swap3A_269, %swap3A_270] {strides = array<i32>} : memref<125x64xi32, #tpu.memory_space<vmem>>, vector<16xi32>,
      tpu.vector_store %arg8[%swap3A_269, %swap3A_270], %bitcast3A_268 {strides = array<i32>} : memref<125x64xi32, #tpu.memory_space<vmem>>, vector<16xi32>,
      %get3A_272 = arith.index_cast %scan3A_253 : i32 to index
      %get3A_273 = arith.constant 64 : index
      %get3A_274 = tpu.vector_load %arg6[%get3A_272, %get3A_273] {strides = array<i32>} : memref<125x128xf32, #tpu.memory_space<vmem>>, vector<16xf32>,
      %get3A_275 = arith.index_cast %scan3A_253 : i32 to index
      %get3A_276 = arith.constant 80 : index
      %get3A_277 = tpu.vector_load %arg6[%get3A_275, %get3A_276] {strides = array<i32>} : memref<125x128xf32, #tpu.memory_space<vmem>>, vector<16xf32>,
      %pack3A_278 = tpu.pack_subelements %get3A_274, %get3A_277 {pack_format = #tpu.pack_format<interleaved>, positions = array<i32: 0, 1>} : vector<16xf32>, vector<16xf32> -> vector<32xbf16>
      %bitcast3A_279 = vector.bitcast %pack3A_278 : vector<32xbf16> to vector<16xi32>
      %swap3A_280 = arith.index_cast %scan3A_253 : i32 to index
      %swap3A_281 = arith.constant 32 : index
      %swap3A_282 = tpu.vector_load %arg8[%swap3A_280, %swap3A_281] {strides = array<i32>} : memref<125x64xi32, #tpu.memory_space<vmem>>, vector<16xi32>,
      tpu.vector_store %arg8[%swap3A_280, %swap3A_281], %bitcast3A_279 {strides = array<i32>} : memref<125x64xi32, #tpu.memory_space<vmem>>, vector<16xi32>,
      %get3A_283 = arith.index_cast %scan3A_253 : i32 to index
      %get3A_284 = arith.constant 96 : index
      %get3A_285 = tpu.vector_load %arg6[%get3A_283, %get3A_284] {strides = array<i32>} : memref<125x128xf32, #tpu.memory_space<vmem>>, vector<16xf32>,
      %get3A_286 = arith.index_cast %scan3A_253 : i32 to index
      %get3A_287 = arith.constant 112 : index
      %get3A_288 = tpu.vector_load %arg6[%get3A_286, %get3A_287] {strides = array<i32>} : memref<125x128xf32, #tpu.memory_space<vmem>>, vector<16xf32>,
      %pack3A_289 = tpu.pack_subelements %get3A_285, %get3A_288 {pack_format = #tpu.pack_format<interleaved>, positions = array<i32: 0, 1>} : vector<16xf32>, vector<16xf32> -> vector<32xbf16>
      %bitcast3A_290 = vector.bitcast %pack3A_289 : vector<32xbf16> to vector<16xi32>
      %swap3A_291 = arith.index_cast %scan3A_253 : i32 to index
      %swap3A_292 = arith.constant 48 : index
      %swap3A_293 = tpu.vector_load %arg8[%swap3A_291, %swap3A_292] {strides = array<i32>} : memref<125x64xi32, #tpu.memory_space<vmem>>, vector<16xi32>,
      tpu.vector_store %arg8[%swap3A_291, %swap3A_292], %bitcast3A_290 {strides = array<i32>} : memref<125x64xi32, #tpu.memory_space<vmem>>, vector<16xi32>,
    }
    %scan3A_126 = arith.constant 125 : i32
    %add3A_127 = arith.constant 0 : i32
    %add3A_128 = arith.addi %mul3A_99, %add3A_127 : i32
    "tpu.region"() ({
      %run_scoped3A = tpu.sem_alloc : memref<!tpu.dma_semaphore, #tpu.memory_space<semaphore_mem>>
      %dma_start3A_253 = arith.constant 0 : i32
      %dma_start3A_254 = tpu.memref_slice %arg5[%add3A_128, %dma_start3A_253] : memref<10000x64xi32, #tpu.memory_space<vmem_shared>> -> memref<125x64xi32, #tpu.memory_space<vmem_shared>>
      %dma_start3A_255 = arith.constant 0 : i32
      %dma_start3A_256 = tpu.memref_slice %arg5[%add3A_128, %dma_start3A_255] : memref<10000x64xi32, #tpu.memory_space<vmem_shared>> -> memref<125x64xi32, #tpu.memory_space<vmem_shared>>
      tpu.enqueue_dma source(%arg8 : memref<125x64xi32, #tpu.memory_space<vmem>>) target(%dma_start3A_256 : memref<125x64xi32, #tpu.memory_space<vmem_shared>>) target_semaphore(%run_scoped3A : memref<!tpu.dma_semaphore, #tpu.memory_space<semaphore_mem>>)
      %dma_wait3A_257 = arith.constant 0 : i32
      %dma_wait3A_258 = tpu.memref_slice %arg5[%add3A_128, %dma_wait3A_257] : memref<10000x64xi32, #tpu.memory_space<vmem_shared>> -> memref<125x64xi32, #tpu.memory_space<vmem_shared>>
      %dma_wait3A_259 = arith.constant 0 : i32
      %dma_wait3A_260 = tpu.memref_slice %arg5[%add3A_128, %dma_wait3A_259] : memref<10000x64xi32, #tpu.memory_space<vmem_shared>> -> memref<125x64xi32, #tpu.memory_space<vmem_shared>>
      tpu.wait_dma2 semaphore(%run_scoped3A : memref<!tpu.dma_semaphore, #tpu.memory_space<semaphore_mem>>) src(%arg8 : memref<125x64xi32, #tpu.memory_space<vmem>>) dst(%dma_wait3A_260 : memref<125x64xi32, #tpu.memory_space<vmem_shared>>)
      tpu.yield
    }) : () -> ()
    %dma_wait3A_129 = arith.constant 0 : i32
    %dma_wait3A_130 = tpu.memref_slice %arg2[%add3A_117, %dma_wait3A_129] : memref<10000x128xf32, #tpu.memory_space<hbm>> -> memref<125x128xf32, #tpu.memory_space<hbm>>
    %dma_wait3A_131 = arith.constant 0 : i32
    %dma_wait3A_132 = tpu.memref_slice %arg2[%add3A_117, %dma_wait3A_131] : memref<10000x128xf32, #tpu.memory_space<hbm>> -> memref<125x128xf32, #tpu.memory_space<hbm>>
    tpu.wait_dma2 semaphore(%arg18 : memref<!tpu.dma_semaphore, #tpu.memory_space<semaphore_mem>>) src(%dma_wait3A_132 : memref<125x128xf32, #tpu.memory_space<hbm>>) dst(%arg7 : memref<125x128xf32, #tpu.memory_space<vmem>>)
    %add3A_133 = arith.constant 250 : i32
    %add3A_134 = arith.addi %mul3A_99, %add3A_133 : i32
    %dma_start3A_135 = arith.constant 0 : i32
    %dma_start3A_136 = tpu.memref_slice %arg2[%add3A_134, %dma_start3A_135] : memref<10000x128xf32, #tpu.memory_space<hbm>> -> memref<125x128xf32, #tpu.memory_space<hbm>>
    %dma_start3A_137 = arith.constant 0 : i32
    %dma_start3A_138 = tpu.memref_slice %arg2[%add3A_134, %dma_start3A_137] : memref<10000x128xf32, #tpu.memory_space<hbm>> -> memref<125x128xf32, #tpu.memory_space<hbm>>
    tpu.enqueue_dma source(%dma_start3A_138 : memref<125x128xf32, #tpu.memory_space<hbm>>) target(%arg6 : memref<125x128xf32, #tpu.memory_space<vmem>>) target_semaphore(%arg17 : memref<!tpu.dma_semaphore, #tpu.memory_space<semaphore_mem>>)
    %scan3A_139 = arith.constant 0 : i32
    %scan3A_140 = arith.constant 0 : i32
    %scan3A_141 = arith.constant 125 : i32
    %scan3A_142 = arith.addi %scan3A_140, %scan3A_141 : i32
    %scan3A_143 = arith.constant 1 : i32
    scf.for %scan3A_253 = %scan3A_140 to %scan3A_142 step %scan3A_143  : i32 {
      %get3A = arith.index_cast %scan3A_253 : i32 to index
      %get3A_254 = arith.constant 0 : index
      %get3A_255 = tpu.vector_load %arg7[%get3A, %get3A_254] {strides = array<i32>} : memref<125x128xf32, #tpu.memory_space<vmem>>, vector<16xf32>,
      %get3A_256 = arith.index_cast %scan3A_253 : i32 to index
      %get3A_257 = arith.constant 16 : index
      %get3A_258 = tpu.vector_load %arg7[%get3A_256, %get3A_257] {strides = array<i32>} : memref<125x128xf32, #tpu.memory_space<vmem>>, vector<16xf32>,
      %pack3A = tpu.pack_subelements %get3A_255, %get3A_258 {pack_format = #tpu.pack_format<interleaved>, positions = array<i32: 0, 1>} : vector<16xf32>, vector<16xf32> -> vector<32xbf16>
      %bitcast3A = vector.bitcast %pack3A : vector<32xbf16> to vector<16xi32>
      %swap3A = arith.index_cast %scan3A_253 : i32 to index
      %swap3A_259 = arith.constant 0 : index
      %swap3A_260 = tpu.vector_load %arg8[%swap3A, %swap3A_259] {strides = array<i32>} : memref<125x64xi32, #tpu.memory_space<vmem>>, vector<16xi32>,
      tpu.vector_store %arg8[%swap3A, %swap3A_259], %bitcast3A {strides = array<i32>} : memref<125x64xi32, #tpu.memory_space<vmem>>, vector<16xi32>,
      %get3A_261 = arith.index_cast %scan3A_253 : i32 to index
      %get3A_262 = arith.constant 32 : index
      %get3A_263 = tpu.vector_load %arg7[%get3A_261, %get3A_262] {strides = array<i32>} : memref<125x128xf32, #tpu.memory_space<vmem>>, vector<16xf32>,
      %get3A_264 = arith.index_cast %scan3A_253 : i32 to index
      %get3A_265 = arith.constant 48 : index
      %get3A_266 = tpu.vector_load %arg7[%get3A_264, %get3A_265] {strides = array<i32>} : memref<125x128xf32, #tpu.memory_space<vmem>>, vector<16xf32>,
      %pack3A_267 = tpu.pack_subelements %get3A_263, %get3A_266 {pack_format = #tpu.pack_format<interleaved>, positions = array<i32: 0, 1>} : vector<16xf32>, vector<16xf32> -> vector<32xbf16>
      %bitcast3A_268 = vector.bitcast %pack3A_267 : vector<32xbf16> to vector<16xi32>
      %swap3A_269 = arith.index_cast %scan3A_253 : i32 to index
      %swap3A_270 = arith.constant 16 : index
      %swap3A_271 = tpu.vector_load %arg8[%swap3A_269, %swap3A_270] {strides = array<i32>} : memref<125x64xi32, #tpu.memory_space<vmem>>, vector<16xi32>,
      tpu.vector_store %arg8[%swap3A_269, %swap3A_270], %bitcast3A_268 {strides = array<i32>} : memref<125x64xi32, #tpu.memory_space<vmem>>, vector<16xi32>,
      %get3A_272 = arith.index_cast %scan3A_253 : i32 to index
      %get3A_273 = arith.constant 64 : index
      %get3A_274 = tpu.vector_load %arg7[%get3A_272, %get3A_273] {strides = array<i32>} : memref<125x128xf32, #tpu.memory_space<vmem>>, vector<16xf32>,
      %get3A_275 = arith.index_cast %scan3A_253 : i32 to index
      %get3A_276 = arith.constant 80 : index
      %get3A_277 = tpu.vector_load %arg7[%get3A_275, %get3A_276] {strides = array<i32>} : memref<125x128xf32, #tpu.memory_space<vmem>>, vector<16xf32>,
      %pack3A_278 = tpu.pack_subelements %get3A_274, %get3A_277 {pack_format = #tpu.pack_format<interleaved>, positions = array<i32: 0, 1>} : vector<16xf32>, vector<16xf32> -> vector<32xbf16>
      %bitcast3A_279 = vector.bitcast %pack3A_278 : vector<32xbf16> to vector<16xi32>
      %swap3A_280 = arith.index_cast %scan3A_253 : i32 to index
      %swap3A_281 = arith.constant 32 : index
      %swap3A_282 = tpu.vector_load %arg8[%swap3A_280, %swap3A_281] {strides = array<i32>} : memref<125x64xi32, #tpu.memory_space<vmem>>, vector<16xi32>,
      tpu.vector_store %arg8[%swap3A_280, %swap3A_281], %bitcast3A_279 {strides = array<i32>} : memref<125x64xi32, #tpu.memory_space<vmem>>, vector<16xi32>,
      %get3A_283 = arith.index_cast %scan3A_253 : i32 to index
      %get3A_284 = arith.constant 96 : index
      %get3A_285 = tpu.vector_load %arg7[%get3A_283, %get3A_284] {strides = array<i32>} : memref<125x128xf32, #tpu.memory_space<vmem>>, vector<16xf32>,
      %get3A_286 = arith.index_cast %scan3A_253 : i32 to index
      %get3A_287 = arith.constant 112 : index
      %get3A_288 = tpu.vector_load %arg7[%get3A_286, %get3A_287] {strides = array<i32>} : memref<125x128xf32, #tpu.memory_space<vmem>>, vector<16xf32>,
      %pack3A_289 = tpu.pack_subelements %get3A_285, %get3A_288 {pack_format = #tpu.pack_format<interleaved>, positions = array<i32: 0, 1>} : vector<16xf32>, vector<16xf32> -> vector<32xbf16>
      %bitcast3A_290 = vector.bitcast %pack3A_289 : vector<32xbf16> to vector<16xi32>
      %swap3A_291 = arith.index_cast %scan3A_253 : i32 to index
      %swap3A_292 = arith.constant 48 : index
      %swap3A_293 = tpu.vector_load %arg8[%swap3A_291, %swap3A_292] {strides = array<i32>} : memref<125x64xi32, #tpu.memory_space<vmem>>, vector<16xi32>,
      tpu.vector_store %arg8[%swap3A_291, %swap3A_292], %bitcast3A_290 {strides = array<i32>} : memref<125x64xi32, #tpu.memory_space<vmem>>, vector<16xi32>,
    }
    %scan3A_144 = arith.constant 125 : i32
    %add3A_145 = arith.constant 125 : i32
    %add3A_146 = arith.addi %mul3A_99, %add3A_145 : i32
    "tpu.region"() ({
      %run_scoped3A = tpu.sem_alloc : memref<!tpu.dma_semaphore, #tpu.memory_space<semaphore_mem>>
      %dma_start3A_253 = arith.constant 0 : i32
      %dma_start3A_254 = tpu.memref_slice %arg5[%add3A_146, %dma_start3A_253] : memref<10000x64xi32, #tpu.memory_space<vmem_shared>> -> memref<125x64xi32, #tpu.memory_space<vmem_shared>>
      %dma_start3A_255 = arith.constant 0 : i32
      %dma_start3A_256 = tpu.memref_slice %arg5[%add3A_146, %dma_start3A_255] : memref<10000x64xi32, #tpu.memory_space<vmem_shared>> -> memref<125x64xi32, #tpu.memory_space<vmem_shared>>
      tpu.enqueue_dma source(%arg8 : memref<125x64xi32, #tpu.memory_space<vmem>>) target(%dma_start3A_256 : memref<125x64xi32, #tpu.memory_space<vmem_shared>>) target_semaphore(%run_scoped3A : memref<!tpu.dma_semaphore, #tpu.memory_space<semaphore_mem>>)
      %dma_wait3A_257 = arith.constant 0 : i32
      %dma_wait3A_258 = tpu.memref_slice %arg5[%add3A_146, %dma_wait3A_257] : memref<10000x64xi32, #tpu.memory_space<vmem_shared>> -> memref<125x64xi32, #tpu.memory_space<vmem_shared>>
      %dma_wait3A_259 = arith.constant 0 : i32
      %dma_wait3A_260 = tpu.memref_slice %arg5[%add3A_146, %dma_wait3A_259] : memref<10000x64xi32, #tpu.memory_space<vmem_shared>> -> memref<125x64xi32, #tpu.memory_space<vmem_shared>>
      tpu.wait_dma2 semaphore(%run_scoped3A : memref<!tpu.dma_semaphore, #tpu.memory_space<semaphore_mem>>) src(%arg8 : memref<125x64xi32, #tpu.memory_space<vmem>>) dst(%dma_wait3A_260 : memref<125x64xi32, #tpu.memory_space<vmem_shared>>)
      tpu.yield
    }) : () -> ()
    %dma_wait3A_147 = arith.constant 0 : i32
    %dma_wait3A_148 = tpu.memref_slice %arg2[%add3A_134, %dma_wait3A_147] : memref<10000x128xf32, #tpu.memory_space<hbm>> -> memref<125x128xf32, #tpu.memory_space<hbm>>
    %dma_wait3A_149 = arith.constant 0 : i32
    %dma_wait3A_150 = tpu.memref_slice %arg2[%add3A_134, %dma_wait3A_149] : memref<10000x128xf32, #tpu.memory_space<hbm>> -> memref<125x128xf32, #tpu.memory_space<hbm>>
    tpu.wait_dma2 semaphore(%arg17 : memref<!tpu.dma_semaphore, #tpu.memory_space<semaphore_mem>>) src(%dma_wait3A_150 : memref<125x128xf32, #tpu.memory_space<hbm>>) dst(%arg6 : memref<125x128xf32, #tpu.memory_space<vmem>>)
    %add3A_151 = arith.constant 375 : i32
    %add3A_152 = arith.addi %mul3A_99, %add3A_151 : i32
    %dma_start3A_153 = arith.constant 0 : i32
    %dma_start3A_154 = tpu.memref_slice %arg2[%add3A_152, %dma_start3A_153] : memref<10000x128xf32, #tpu.memory_space<hbm>> -> memref<125x128xf32, #tpu.memory_space<hbm>>
    %dma_start3A_155 = arith.constant 0 : i32
    %dma_start3A_156 = tpu.memref_slice %arg2[%add3A_152, %dma_start3A_155] : memref<10000x128xf32, #tpu.memory_space<hbm>> -> memref<125x128xf32, #tpu.memory_space<hbm>>
    tpu.enqueue_dma source(%dma_start3A_156 : memref<125x128xf32, #tpu.memory_space<hbm>>) target(%arg7 : memref<125x128xf32, #tpu.memory_space<vmem>>) target_semaphore(%arg18 : memref<!tpu.dma_semaphore, #tpu.memory_space<semaphore_mem>>)
    %scan3A_157 = arith.constant 0 : i32
    %scan3A_158 = arith.constant 0 : i32
    %scan3A_159 = arith.constant 125 : i32
    %scan3A_160 = arith.addi %scan3A_158, %scan3A_159 : i32
    %scan3A_161 = arith.constant 1 : i32
    scf.for %scan3A_253 = %scan3A_158 to %scan3A_160 step %scan3A_161  : i32 {
      %get3A = arith.index_cast %scan3A_253 : i32 to index
      %get3A_254 = arith.constant 0 : index
      %get3A_255 = tpu.vector_load %arg6[%get3A, %get3A_254] {strides = array<i32>} : memref<125x128xf32, #tpu.memory_space<vmem>>, vector<16xf32>,
      %get3A_256 = arith.index_cast %scan3A_253 : i32 to index
      %get3A_257 = arith.constant 16 : index
      %get3A_258 = tpu.vector_load %arg6[%get3A_256, %get3A_257] {strides = array<i32>} : memref<125x128xf32, #tpu.memory_space<vmem>>, vector<16xf32>,
      %pack3A = tpu.pack_subelements %get3A_255, %get3A_258 {pack_format = #tpu.pack_format<interleaved>, positions = array<i32: 0, 1>} : vector<16xf32>, vector<16xf32> -> vector<32xbf16>
      %bitcast3A = vector.bitcast %pack3A : vector<32xbf16> to vector<16xi32>
      %swap3A = arith.index_cast %scan3A_253 : i32 to index
      %swap3A_259 = arith.constant 0 : index
      %swap3A_260 = tpu.vector_load %arg8[%swap3A, %swap3A_259] {strides = array<i32>} : memref<125x64xi32, #tpu.memory_space<vmem>>, vector<16xi32>,
      tpu.vector_store %arg8[%swap3A, %swap3A_259], %bitcast3A {strides = array<i32>} : memref<125x64xi32, #tpu.memory_space<vmem>>, vector<16xi32>,
      %get3A_261 = arith.index_cast %scan3A_253 : i32 to index
      %get3A_262 = arith.constant 32 : index
      %get3A_263 = tpu.vector_load %arg6[%get3A_261, %get3A_262] {strides = array<i32>} : memref<125x128xf32, #tpu.memory_space<vmem>>, vector<16xf32>,
      %get3A_264 = arith.index_cast %scan3A_253 : i32 to index
      %get3A_265 = arith.constant 48 : index
      %get3A_266 = tpu.vector_load %arg6[%get3A_264, %get3A_265] {strides = array<i32>} : memref<125x128xf32, #tpu.memory_space<vmem>>, vector<16xf32>,
      %pack3A_267 = tpu.pack_subelements %get3A_263, %get3A_266 {pack_format = #tpu.pack_format<interleaved>, positions = array<i32: 0, 1>} : vector<16xf32>, vector<16xf32> -> vector<32xbf16>
      %bitcast3A_268 = vector.bitcast %pack3A_267 : vector<32xbf16> to vector<16xi32>
      %swap3A_269 = arith.index_cast %scan3A_253 : i32 to index
      %swap3A_270 = arith.constant 16 : index
      %swap3A_271 = tpu.vector_load %arg8[%swap3A_269, %swap3A_270] {strides = array<i32>} : memref<125x64xi32, #tpu.memory_space<vmem>>, vector<16xi32>,
      tpu.vector_store %arg8[%swap3A_269, %swap3A_270], %bitcast3A_268 {strides = array<i32>} : memref<125x64xi32, #tpu.memory_space<vmem>>, vector<16xi32>,
      %get3A_272 = arith.index_cast %scan3A_253 : i32 to index
      %get3A_273 = arith.constant 64 : index
      %get3A_274 = tpu.vector_load %arg6[%get3A_272, %get3A_273] {strides = array<i32>} : memref<125x128xf32, #tpu.memory_space<vmem>>, vector<16xf32>,
      %get3A_275 = arith.index_cast %scan3A_253 : i32 to index
      %get3A_276 = arith.constant 80 : index
      %get3A_277 = tpu.vector_load %arg6[%get3A_275, %get3A_276] {strides = array<i32>} : memref<125x128xf32, #tpu.memory_space<vmem>>, vector<16xf32>,
      %pack3A_278 = tpu.pack_subelements %get3A_274, %get3A_277 {pack_format = #tpu.pack_format<interleaved>, positions = array<i32: 0, 1>} : vector<16xf32>, vector<16xf32> -> vector<32xbf16>
      %bitcast3A_279 = vector.bitcast %pack3A_278 : vector<32xbf16> to vector<16xi32>
      %swap3A_280 = arith.index_cast %scan3A_253 : i32 to index
      %swap3A_281 = arith.constant 32 : index
      %swap3A_282 = tpu.vector_load %arg8[%swap3A_280, %swap3A_281] {strides = array<i32>} : memref<125x64xi32, #tpu.memory_space<vmem>>, vector<16xi32>,
      tpu.vector_store %arg8[%swap3A_280, %swap3A_281], %bitcast3A_279 {strides = array<i32>} : memref<125x64xi32, #tpu.memory_space<vmem>>, vector<16xi32>,
      %get3A_283 = arith.index_cast %scan3A_253 : i32 to index
      %get3A_284 = arith.constant 96 : index
      %get3A_285 = tpu.vector_load %arg6[%get3A_283, %get3A_284] {strides = array<i32>} : memref<125x128xf32, #tpu.memory_space<vmem>>, vector<16xf32>,
      %get3A_286 = arith.index_cast %scan3A_253 : i32 to index
      %get3A_287 = arith.constant 112 : index
      %get3A_288 = tpu.vector_load %arg6[%get3A_286, %get3A_287] {strides = array<i32>} : memref<125x128xf32, #tpu.memory_space<vmem>>, vector<16xf32>,
      %pack3A_289 = tpu.pack_subelements %get3A_285, %get3A_288 {pack_format = #tpu.pack_format<interleaved>, positions = array<i32: 0, 1>} : vector<16xf32>, vector<16xf32> -> vector<32xbf16>
      %bitcast3A_290 = vector.bitcast %pack3A_289 : vector<32xbf16> to vector<16xi32>
      %swap3A_291 = arith.index_cast %scan3A_253 : i32 to index
      %swap3A_292 = arith.constant 48 : index
      %swap3A_293 = tpu.vector_load %arg8[%swap3A_291, %swap3A_292] {strides = array<i32>} : memref<125x64xi32, #tpu.memory_space<vmem>>, vector<16xi32>,
      tpu.vector_store %arg8[%swap3A_291, %swap3A_292], %bitcast3A_290 {strides = array<i32>} : memref<125x64xi32, #tpu.memory_space<vmem>>, vector<16xi32>,
    }
    %scan3A_162 = arith.constant 125 : i32
    %add3A_163 = arith.constant 250 : i32
    %add3A_164 = arith.addi %mul3A_99, %add3A_163 : i32
    "tpu.region"() ({
      %run_scoped3A = tpu.sem_alloc : memref<!tpu.dma_semaphore, #tpu.memory_space<semaphore_mem>>
      %dma_start3A_253 = arith.constant 0 : i32
      %dma_start3A_254 = tpu.memref_slice %arg5[%add3A_164, %dma_start3A_253] : memref<10000x64xi32, #tpu.memory_space<vmem_shared>> -> memref<125x64xi32, #tpu.memory_space<vmem_shared>>
      %dma_start3A_255 = arith.constant 0 : i32
      %dma_start3A_256 = tpu.memref_slice %arg5[%add3A_164, %dma_start3A_255] : memref<10000x64xi32, #tpu.memory_space<vmem_shared>> -> memref<125x64xi32, #tpu.memory_space<vmem_shared>>
      tpu.enqueue_dma source(%arg8 : memref<125x64xi32, #tpu.memory_space<vmem>>) target(%dma_start3A_256 : memref<125x64xi32, #tpu.memory_space<vmem_shared>>) target_semaphore(%run_scoped3A : memref<!tpu.dma_semaphore, #tpu.memory_space<semaphore_mem>>)
      %dma_wait3A_257 = arith.constant 0 : i32
      %dma_wait3A_258 = tpu.memref_slice %arg5[%add3A_164, %dma_wait3A_257] : memref<10000x64xi32, #tpu.memory_space<vmem_shared>> -> memref<125x64xi32, #tpu.memory_space<vmem_shared>>
      %dma_wait3A_259 = arith.constant 0 : i32
      %dma_wait3A_260 = tpu.memref_slice %arg5[%add3A_164, %dma_wait3A_259] : memref<10000x64xi32, #tpu.memory_space<vmem_shared>> -> memref<125x64xi32, #tpu.memory_space<vmem_shared>>
      tpu.wait_dma2 semaphore(%run_scoped3A : memref<!tpu.dma_semaphore, #tpu.memory_space<semaphore_mem>>) src(%arg8 : memref<125x64xi32, #tpu.memory_space<vmem>>) dst(%dma_wait3A_260 : memref<125x64xi32, #tpu.memory_space<vmem_shared>>)
      tpu.yield
    }) : () -> ()
    %dma_wait3A_165 = arith.constant 0 : i32
    %dma_wait3A_166 = tpu.memref_slice %arg2[%add3A_152, %dma_wait3A_165] : memref<10000x128xf32, #tpu.memory_space<hbm>> -> memref<125x128xf32, #tpu.memory_space<hbm>>
    %dma_wait3A_167 = arith.constant 0 : i32
    %dma_wait3A_168 = tpu.memref_slice %arg2[%add3A_152, %dma_wait3A_167] : memref<10000x128xf32, #tpu.memory_space<hbm>> -> memref<125x128xf32, #tpu.memory_space<hbm>>
    tpu.wait_dma2 semaphore(%arg18 : memref<!tpu.dma_semaphore, #tpu.memory_space<semaphore_mem>>) src(%dma_wait3A_168 : memref<125x128xf32, #tpu.memory_space<hbm>>) dst(%arg7 : memref<125x128xf32, #tpu.memory_space<vmem>>)
    %add3A_169 = arith.constant 500 : i32
    %add3A_170 = arith.addi %mul3A_99, %add3A_169 : i32
    %dma_start3A_171 = arith.constant 0 : i32
    %dma_start3A_172 = tpu.memref_slice %arg2[%add3A_170, %dma_start3A_171] : memref<10000x128xf32, #tpu.memory_space<hbm>> -> memref<125x128xf32, #tpu.memory_space<hbm>>
    %dma_start3A_173 = arith.constant 0 : i32
    %dma_start3A_174 = tpu.memref_slice %arg2[%add3A_170, %dma_start3A_173] : memref<10000x128xf32, #tpu.memory_space<hbm>> -> memref<125x128xf32, #tpu.memory_space<hbm>>
    tpu.enqueue_dma source(%dma_start3A_174 : memref<125x128xf32, #tpu.memory_space<hbm>>) target(%arg6 : memref<125x128xf32, #tpu.memory_space<vmem>>) target_semaphore(%arg17 : memref<!tpu.dma_semaphore, #tpu.memory_space<semaphore_mem>>)
    %scan3A_175 = arith.constant 0 : i32
    %scan3A_176 = arith.constant 0 : i32
    %scan3A_177 = arith.constant 125 : i32
    %scan3A_178 = arith.addi %scan3A_176, %scan3A_177 : i32
    %scan3A_179 = arith.constant 1 : i32
    scf.for %scan3A_253 = %scan3A_176 to %scan3A_178 step %scan3A_179  : i32 {
      %get3A = arith.index_cast %scan3A_253 : i32 to index
      %get3A_254 = arith.constant 0 : index
      %get3A_255 = tpu.vector_load %arg7[%get3A, %get3A_254] {strides = array<i32>} : memref<125x128xf32, #tpu.memory_space<vmem>>, vector<16xf32>,
      %get3A_256 = arith.index_cast %scan3A_253 : i32 to index
      %get3A_257 = arith.constant 16 : index
      %get3A_258 = tpu.vector_load %arg7[%get3A_256, %get3A_257] {strides = array<i32>} : memref<125x128xf32, #tpu.memory_space<vmem>>, vector<16xf32>,
      %pack3A = tpu.pack_subelements %get3A_255, %get3A_258 {pack_format = #tpu.pack_format<interleaved>, positions = array<i32: 0, 1>} : vector<16xf32>, vector<16xf32> -> vector<32xbf16>
      %bitcast3A = vector.bitcast %pack3A : vector<32xbf16> to vector<16xi32>
      %swap3A = arith.index_cast %scan3A_253 : i32 to index
      %swap3A_259 = arith.constant 0 : index
      %swap3A_260 = tpu.vector_load %arg8[%swap3A, %swap3A_259] {strides = array<i32>} : memref<125x64xi32, #tpu.memory_space<vmem>>, vector<16xi32>,
      tpu.vector_store %arg8[%swap3A, %swap3A_259], %bitcast3A {strides = array<i32>} : memref<125x64xi32, #tpu.memory_space<vmem>>, vector<16xi32>,
      %get3A_261 = arith.index_cast %scan3A_253 : i32 to index
      %get3A_262 = arith.constant 32 : index
      %get3A_263 = tpu.vector_load %arg7[%get3A_261, %get3A_262] {strides = array<i32>} : memref<125x128xf32, #tpu.memory_space<vmem>>, vector<16xf32>,
      %get3A_264 = arith.index_cast %scan3A_253 : i32 to index
      %get3A_265 = arith.constant 48 : index
      %get3A_266 = tpu.vector_load %arg7[%get3A_264, %get3A_265] {strides = array<i32>} : memref<125x128xf32, #tpu.memory_space<vmem>>, vector<16xf32>,
      %pack3A_267 = tpu.pack_subelements %get3A_263, %get3A_266 {pack_format = #tpu.pack_format<interleaved>, positions = array<i32: 0, 1>} : vector<16xf32>, vector<16xf32> -> vector<32xbf16>
      %bitcast3A_268 = vector.bitcast %pack3A_267 : vector<32xbf16> to vector<16xi32>
      %swap3A_269 = arith.index_cast %scan3A_253 : i32 to index
      %swap3A_270 = arith.constant 16 : index
      %swap3A_271 = tpu.vector_load %arg8[%swap3A_269, %swap3A_270] {strides = array<i32>} : memref<125x64xi32, #tpu.memory_space<vmem>>, vector<16xi32>,
      tpu.vector_store %arg8[%swap3A_269, %swap3A_270], %bitcast3A_268 {strides = array<i32>} : memref<125x64xi32, #tpu.memory_space<vmem>>, vector<16xi32>,
      %get3A_272 = arith.index_cast %scan3A_253 : i32 to index
      %get3A_273 = arith.constant 64 : index
      %get3A_274 = tpu.vector_load %arg7[%get3A_272, %get3A_273] {strides = array<i32>} : memref<125x128xf32, #tpu.memory_space<vmem>>, vector<16xf32>,
      %get3A_275 = arith.index_cast %scan3A_253 : i32 to index
      %get3A_276 = arith.constant 80 : index
      %get3A_277 = tpu.vector_load %arg7[%get3A_275, %get3A_276] {strides = array<i32>} : memref<125x128xf32, #tpu.memory_space<vmem>>, vector<16xf32>,
      %pack3A_278 = tpu.pack_subelements %get3A_274, %get3A_277 {pack_format = #tpu.pack_format<interleaved>, positions = array<i32: 0, 1>} : vector<16xf32>, vector<16xf32> -> vector<32xbf16>
      %bitcast3A_279 = vector.bitcast %pack3A_278 : vector<32xbf16> to vector<16xi32>
      %swap3A_280 = arith.index_cast %scan3A_253 : i32 to index
      %swap3A_281 = arith.constant 32 : index
      %swap3A_282 = tpu.vector_load %arg8[%swap3A_280, %swap3A_281] {strides = array<i32>} : memref<125x64xi32, #tpu.memory_space<vmem>>, vector<16xi32>,
      tpu.vector_store %arg8[%swap3A_280, %swap3A_281], %bitcast3A_279 {strides = array<i32>} : memref<125x64xi32, #tpu.memory_space<vmem>>, vector<16xi32>,
      %get3A_283 = arith.index_cast %scan3A_253 : i32 to index
      %get3A_284 = arith.constant 96 : index
      %get3A_285 = tpu.vector_load %arg7[%get3A_283, %get3A_284] {strides = array<i32>} : memref<125x128xf32, #tpu.memory_space<vmem>>, vector<16xf32>,
      %get3A_286 = arith.index_cast %scan3A_253 : i32 to index
      %get3A_287 = arith.constant 112 : index
      %get3A_288 = tpu.vector_load %arg7[%get3A_286, %get3A_287] {strides = array<i32>} : memref<125x128xf32, #tpu.memory_space<vmem>>, vector<16xf32>,
      %pack3A_289 = tpu.pack_subelements %get3A_285, %get3A_288 {pack_format = #tpu.pack_format<interleaved>, positions = array<i32: 0, 1>} : vector<16xf32>, vector<16xf32> -> vector<32xbf16>
      %bitcast3A_290 = vector.bitcast %pack3A_289 : vector<32xbf16> to vector<16xi32>
      %swap3A_291 = arith.index_cast %scan3A_253 : i32 to index
      %swap3A_292 = arith.constant 48 : index
      %swap3A_293 = tpu.vector_load %arg8[%swap3A_291, %swap3A_292] {strides = array<i32>} : memref<125x64xi32, #tpu.memory_space<vmem>>, vector<16xi32>,
      tpu.vector_store %arg8[%swap3A_291, %swap3A_292], %bitcast3A_290 {strides = array<i32>} : memref<125x64xi32, #tpu.memory_space<vmem>>, vector<16xi32>,
    }
    %scan3A_180 = arith.constant 125 : i32
    %add3A_181 = arith.constant 375 : i32
    %add3A_182 = arith.addi %mul3A_99, %add3A_181 : i32
    "tpu.region"() ({
      %run_scoped3A = tpu.sem_alloc : memref<!tpu.dma_semaphore, #tpu.memory_space<semaphore_mem>>
      %dma_start3A_253 = arith.constant 0 : i32
      %dma_start3A_254 = tpu.memref_slice %arg5[%add3A_182, %dma_start3A_253] : memref<10000x64xi32, #tpu.memory_space<vmem_shared>> -> memref<125x64xi32, #tpu.memory_space<vmem_shared>>
      %dma_start3A_255 = arith.constant 0 : i32
      %dma_start3A_256 = tpu.memref_slice %arg5[%add3A_182, %dma_start3A_255] : memref<10000x64xi32, #tpu.memory_space<vmem_shared>> -> memref<125x64xi32, #tpu.memory_space<vmem_shared>>
      tpu.enqueue_dma source(%arg8 : memref<125x64xi32, #tpu.memory_space<vmem>>) target(%dma_start3A_256 : memref<125x64xi32, #tpu.memory_space<vmem_shared>>) target_semaphore(%run_scoped3A : memref<!tpu.dma_semaphore, #tpu.memory_space<semaphore_mem>>)
      %dma_wait3A_257 = arith.constant 0 : i32
      %dma_wait3A_258 = tpu.memref_slice %arg5[%add3A_182, %dma_wait3A_257] : memref<10000x64xi32, #tpu.memory_space<vmem_shared>> -> memref<125x64xi32, #tpu.memory_space<vmem_shared>>
      %dma_wait3A_259 = arith.constant 0 : i32
      %dma_wait3A_260 = tpu.memref_slice %arg5[%add3A_182, %dma_wait3A_259] : memref<10000x64xi32, #tpu.memory_space<vmem_shared>> -> memref<125x64xi32, #tpu.memory_space<vmem_shared>>
      tpu.wait_dma2 semaphore(%run_scoped3A : memref<!tpu.dma_semaphore, #tpu.memory_space<semaphore_mem>>) src(%arg8 : memref<125x64xi32, #tpu.memory_space<vmem>>) dst(%dma_wait3A_260 : memref<125x64xi32, #tpu.memory_space<vmem_shared>>)
      tpu.yield
    }) : () -> ()
    %dma_wait3A_183 = arith.constant 0 : i32
    %dma_wait3A_184 = tpu.memref_slice %arg2[%add3A_170, %dma_wait3A_183] : memref<10000x128xf32, #tpu.memory_space<hbm>> -> memref<125x128xf32, #tpu.memory_space<hbm>>
    %dma_wait3A_185 = arith.constant 0 : i32
    %dma_wait3A_186 = tpu.memref_slice %arg2[%add3A_170, %dma_wait3A_185] : memref<10000x128xf32, #tpu.memory_space<hbm>> -> memref<125x128xf32, #tpu.memory_space<hbm>>
    tpu.wait_dma2 semaphore(%arg17 : memref<!tpu.dma_semaphore, #tpu.memory_space<semaphore_mem>>) src(%dma_wait3A_186 : memref<125x128xf32, #tpu.memory_space<hbm>>) dst(%arg6 : memref<125x128xf32, #tpu.memory_space<vmem>>)
    %scan3A_187 = arith.constant 0 : i32
    %scan3A_188 = arith.constant 0 : i32
    %scan3A_189 = arith.constant 125 : i32
    %scan3A_190 = arith.addi %scan3A_188, %scan3A_189 : i32
    %scan3A_191 = arith.constant 1 : i32
    scf.for %scan3A_253 = %scan3A_188 to %scan3A_190 step %scan3A_191  : i32 {
      %get3A = arith.index_cast %scan3A_253 : i32 to index
      %get3A_254 = arith.constant 0 : index
      %get3A_255 = tpu.vector_load %arg6[%get3A, %get3A_254] {strides = array<i32>} : memref<125x128xf32, #tpu.memory_space<vmem>>, vector<16xf32>,
      %get3A_256 = arith.index_cast %scan3A_253 : i32 to index
      %get3A_257 = arith.constant 16 : index
      %get3A_258 = tpu.vector_load %arg6[%get3A_256, %get3A_257] {strides = array<i32>} : memref<125x128xf32, #tpu.memory_space<vmem>>, vector<16xf32>,
      %pack3A = tpu.pack_subelements %get3A_255, %get3A_258 {pack_format = #tpu.pack_format<interleaved>, positions = array<i32: 0, 1>} : vector<16xf32>, vector<16xf32> -> vector<32xbf16>
      %bitcast3A = vector.bitcast %pack3A : vector<32xbf16> to vector<16xi32>
      %swap3A = arith.index_cast %scan3A_253 : i32 to index
      %swap3A_259 = arith.constant 0 : index
      %swap3A_260 = tpu.vector_load %arg8[%swap3A, %swap3A_259] {strides = array<i32>} : memref<125x64xi32, #tpu.memory_space<vmem>>, vector<16xi32>,
      tpu.vector_store %arg8[%swap3A, %swap3A_259], %bitcast3A {strides = array<i32>} : memref<125x64xi32, #tpu.memory_space<vmem>>, vector<16xi32>,
      %get3A_261 = arith.index_cast %scan3A_253 : i32 to index
      %get3A_262 = arith.constant 32 : index
      %get3A_263 = tpu.vector_load %arg6[%get3A_261, %get3A_262] {strides = array<i32>} : memref<125x128xf32, #tpu.memory_space<vmem>>, vector<16xf32>,
      %get3A_264 = arith.index_cast %scan3A_253 : i32 to index
      %get3A_265 = arith.constant 48 : index
      %get3A_266 = tpu.vector_load %arg6[%get3A_264, %get3A_265] {strides = array<i32>} : memref<125x128xf32, #tpu.memory_space<vmem>>, vector<16xf32>,
      %pack3A_267 = tpu.pack_subelements %get3A_263, %get3A_266 {pack_format = #tpu.pack_format<interleaved>, positions = array<i32: 0, 1>} : vector<16xf32>, vector<16xf32> -> vector<32xbf16>
      %bitcast3A_268 = vector.bitcast %pack3A_267 : vector<32xbf16> to vector<16xi32>
      %swap3A_269 = arith.index_cast %scan3A_253 : i32 to index
      %swap3A_270 = arith.constant 16 : index
      %swap3A_271 = tpu.vector_load %arg8[%swap3A_269, %swap3A_270] {strides = array<i32>} : memref<125x64xi32, #tpu.memory_space<vmem>>, vector<16xi32>,
      tpu.vector_store %arg8[%swap3A_269, %swap3A_270], %bitcast3A_268 {strides = array<i32>} : memref<125x64xi32, #tpu.memory_space<vmem>>, vector<16xi32>,
      %get3A_272 = arith.index_cast %scan3A_253 : i32 to index
      %get3A_273 = arith.constant 64 : index
      %get3A_274 = tpu.vector_load %arg6[%get3A_272, %get3A_273] {strides = array<i32>} : memref<125x128xf32, #tpu.memory_space<vmem>>, vector<16xf32>,
      %get3A_275 = arith.index_cast %scan3A_253 : i32 to index
      %get3A_276 = arith.constant 80 : index
      %get3A_277 = tpu.vector_load %arg6[%get3A_275, %get3A_276] {strides = array<i32>} : memref<125x128xf32, #tpu.memory_space<vmem>>, vector<16xf32>,
      %pack3A_278 = tpu.pack_subelements %get3A_274, %get3A_277 {pack_format = #tpu.pack_format<interleaved>, positions = array<i32: 0, 1>} : vector<16xf32>, vector<16xf32> -> vector<32xbf16>
      %bitcast3A_279 = vector.bitcast %pack3A_278 : vector<32xbf16> to vector<16xi32>
      %swap3A_280 = arith.index_cast %scan3A_253 : i32 to index
      %swap3A_281 = arith.constant 32 : index
      %swap3A_282 = tpu.vector_load %arg8[%swap3A_280, %swap3A_281] {strides = array<i32>} : memref<125x64xi32, #tpu.memory_space<vmem>>, vector<16xi32>,
      tpu.vector_store %arg8[%swap3A_280, %swap3A_281], %bitcast3A_279 {strides = array<i32>} : memref<125x64xi32, #tpu.memory_space<vmem>>, vector<16xi32>,
      %get3A_283 = arith.index_cast %scan3A_253 : i32 to index
      %get3A_284 = arith.constant 96 : index
      %get3A_285 = tpu.vector_load %arg6[%get3A_283, %get3A_284] {strides = array<i32>} : memref<125x128xf32, #tpu.memory_space<vmem>>, vector<16xf32>,
      %get3A_286 = arith.index_cast %scan3A_253 : i32 to index
      %get3A_287 = arith.constant 112 : index
      %get3A_288 = tpu.vector_load %arg6[%get3A_286, %get3A_287] {strides = array<i32>} : memref<125x128xf32, #tpu.memory_space<vmem>>, vector<16xf32>,
      %pack3A_289 = tpu.pack_subelements %get3A_285, %get3A_288 {pack_format = #tpu.pack_format<interleaved>, positions = array<i32: 0, 1>} : vector<16xf32>, vector<16xf32> -> vector<32xbf16>
      %bitcast3A_290 = vector.bitcast %pack3A_289 : vector<32xbf16> to vector<16xi32>
      %swap3A_291 = arith.index_cast %scan3A_253 : i32 to index
      %swap3A_292 = arith.constant 48 : index
      %swap3A_293 = tpu.vector_load %arg8[%swap3A_291, %swap3A_292] {strides = array<i32>} : memref<125x64xi32, #tpu.memory_space<vmem>>, vector<16xi32>,
      tpu.vector_store %arg8[%swap3A_291, %swap3A_292], %bitcast3A_290 {strides = array<i32>} : memref<125x64xi32, #tpu.memory_space<vmem>>, vector<16xi32>,
    }
    %scan3A_192 = arith.constant 125 : i32
    %add3A_193 = arith.constant 500 : i32
    %add3A_194 = arith.addi %mul3A_99, %add3A_193 : i32
    "tpu.region"() ({
      %run_scoped3A = tpu.sem_alloc : memref<!tpu.dma_semaphore, #tpu.memory_space<semaphore_mem>>
      %dma_start3A_253 = arith.constant 0 : i32
      %dma_start3A_254 = tpu.memref_slice %arg5[%add3A_194, %dma_start3A_253] : memref<10000x64xi32, #tpu.memory_space<vmem_shared>> -> memref<125x64xi32, #tpu.memory_space<vmem_shared>>
      %dma_start3A_255 = arith.constant 0 : i32
      %dma_start3A_256 = tpu.memref_slice %arg5[%add3A_194, %dma_start3A_255] : memref<10000x64xi32, #tpu.memory_space<vmem_shared>> -> memref<125x64xi32, #tpu.memory_space<vmem_shared>>
      tpu.enqueue_dma source(%arg8 : memref<125x64xi32, #tpu.memory_space<vmem>>) target(%dma_start3A_256 : memref<125x64xi32, #tpu.memory_space<vmem_shared>>) target_semaphore(%run_scoped3A : memref<!tpu.dma_semaphore, #tpu.memory_space<semaphore_mem>>)
      %dma_wait3A_257 = arith.constant 0 : i32
      %dma_wait3A_258 = tpu.memref_slice %arg5[%add3A_194, %dma_wait3A_257] : memref<10000x64xi32, #tpu.memory_space<vmem_shared>> -> memref<125x64xi32, #tpu.memory_space<vmem_shared>>
      %dma_wait3A_259 = arith.constant 0 : i32
      %dma_wait3A_260 = tpu.memref_slice %arg5[%add3A_194, %dma_wait3A_259] : memref<10000x64xi32, #tpu.memory_space<vmem_shared>> -> memref<125x64xi32, #tpu.memory_space<vmem_shared>>
      tpu.wait_dma2 semaphore(%run_scoped3A : memref<!tpu.dma_semaphore, #tpu.memory_space<semaphore_mem>>) src(%arg8 : memref<125x64xi32, #tpu.memory_space<vmem>>) dst(%dma_wait3A_260 : memref<125x64xi32, #tpu.memory_space<vmem_shared>>)
      tpu.yield
    }) : () -> ()
    %barrier3A = arith.constant 0 : index
    tpu.barrier barrier_id(%barrier3A)
    %dma_wait3A_195 = arith.constant 0 : i32
    %dma_wait3A_196 = tpu.memref_slice %arg3[%dma_wait3A_195, %mul3A_2] : memref<2x320000xi32, #tpu.memory_space<hbm>> -> memref<1x10000xi32, #tpu.memory_space<hbm>>
    %dma_wait3A_197 = tpu.memref_squeeze %dma_wait3A_196 : memref<1x10000xi32, #tpu.memory_space<hbm>> -> memref<10000xi32, #tpu.memory_space<hbm>>
    %dma_wait3A_198 = tpu.memref_slice %arg3[%dma_wait3A_195, %mul3A_2] : memref<2x320000xi32, #tpu.memory_space<hbm>> -> memref<1x10000xi32, #tpu.memory_space<hbm>>
    %dma_wait3A_199 = tpu.memref_squeeze %dma_wait3A_198 : memref<1x10000xi32, #tpu.memory_space<hbm>> -> memref<10000xi32, #tpu.memory_space<hbm>>
    tpu.wait_dma2 semaphore(%arg19 : memref<!tpu.dma_semaphore, #tpu.memory_space<semaphore_mem>>) src(%dma_wait3A_199 : memref<10000xi32, #tpu.memory_space<hbm>>) dst(%arg9 : memref<10000xi32, #tpu.memory_space<vmem>>)
    %dma_wait3A_200 = arith.constant 1 : i32
    %dma_wait3A_201 = tpu.memref_slice %arg3[%dma_wait3A_200, %mul3A_2] : memref<2x320000xi32, #tpu.memory_space<hbm>> -> memref<1x10000xi32, #tpu.memory_space<hbm>>
    %dma_wait3A_202 = tpu.memref_squeeze %dma_wait3A_201 : memref<1x10000xi32, #tpu.memory_space<hbm>> -> memref<10000xi32, #tpu.memory_space<hbm>>
    %dma_wait3A_203 = tpu.memref_slice %arg3[%dma_wait3A_200, %mul3A_2] : memref<2x320000xi32, #tpu.memory_space<hbm>> -> memref<1x10000xi32, #tpu.memory_space<hbm>>
    %dma_wait3A_204 = tpu.memref_squeeze %dma_wait3A_203 : memref<1x10000xi32, #tpu.memory_space<hbm>> -> memref<10000xi32, #tpu.memory_space<hbm>>
    tpu.wait_dma2 semaphore(%arg19 : memref<!tpu.dma_semaphore, #tpu.memory_space<semaphore_mem>>) src(%dma_wait3A_204 : memref<10000xi32, #tpu.memory_space<hbm>>) dst(%arg10 : memref<10000xi32, #tpu.memory_space<vmem>>)
    %dma_start3A_205 = arith.constant 0 : i32
    %dma_start3A_206 = tpu.memref_slice %arg9[%dma_start3A_205] : memref<10000xi32, #tpu.memory_space<vmem>> -> memref<80xi32, #tpu.memory_space<vmem>>
    %dma_start3A_207 = arith.constant 0 : i32
    %dma_start3A_208 = arith.constant 0 : i32
    %dma_start3A_209 = tpu.memref_slice %arg5[%dma_start3A_207, %dma_start3A_208] : memref<10000x64xi32, #tpu.memory_space<vmem_shared>> -> memref<10000x64xi32, #tpu.memory_space<vmem_shared>>
    tpu.enqueue_indirect_dma source(%dma_start3A_209 : memref<10000x64xi32, #tpu.memory_space<vmem_shared>>) target(%arg11 : memref<80x64xi32, #tpu.memory_space<vmem>>) offsets(%dma_start3A_206 : memref<80xi32, #tpu.memory_space<vmem>>) semaphore(%arg20 : memref<!tpu.dma_semaphore, #tpu.memory_space<semaphore_mem>>)
    %dma_start3A_210 = arith.constant 0 : i32
    %dma_start3A_211 = tpu.memref_slice %arg10[%dma_start3A_210] : memref<10000xi32, #tpu.memory_space<vmem>> -> memref<80xi32, #tpu.memory_space<vmem>>
    %dma_start3A_212 = arith.constant 0 : i32
    %dma_start3A_213 = arith.constant 0 : i32
    %dma_start3A_214 = tpu.memref_slice %arg5[%dma_start3A_212, %dma_start3A_213] : memref<10000x64xi32, #tpu.memory_space<vmem_shared>> -> memref<10000x64xi32, #tpu.memory_space<vmem_shared>>
    tpu.enqueue_indirect_dma source(%dma_start3A_214 : memref<10000x64xi32, #tpu.memory_space<vmem_shared>>) target(%arg13 : memref<80x64xi32, #tpu.memory_space<vmem>>) offsets(%dma_start3A_211 : memref<80xi32, #tpu.memory_space<vmem>>) semaphore(%arg20 : memref<!tpu.dma_semaphore, #tpu.memory_space<semaphore_mem>>)
    %dma_start3A_215 = tpu.memref_slice %arg4[%mul3A_2] : memref<320000xf32, #tpu.memory_space<hbm>> -> memref<80xf32, #tpu.memory_space<hbm>>
    %dma_start3A_216 = tpu.memref_slice %arg4[%mul3A_2] : memref<320000xf32, #tpu.memory_space<hbm>> -> memref<80xf32, #tpu.memory_space<hbm>>
    tpu.enqueue_dma source(%arg15 : memref<80xf32, #tpu.memory_space<vmem>>) target(%dma_start3A_216 : memref<80xf32, #tpu.memory_space<hbm>>) target_semaphore(%arg22 : memref<!tpu.dma_semaphore, #tpu.memory_space<semaphore_mem>>)
    %add3A_217 = arith.constant 80 : i32
    %add3A_218 = arith.addi %mul3A_2, %add3A_217 : i32
    %dma_start3A_219 = tpu.memref_slice %arg4[%add3A_218] : memref<320000xf32, #tpu.memory_space<hbm>> -> memref<80xf32, #tpu.memory_space<hbm>>
    %dma_start3A_220 = tpu.memref_slice %arg4[%add3A_218] : memref<320000xf32, #tpu.memory_space<hbm>> -> memref<80xf32, #tpu.memory_space<hbm>>
    tpu.enqueue_dma source(%arg16 : memref<80xf32, #tpu.memory_space<vmem>>) target(%dma_start3A_220 : memref<80xf32, #tpu.memory_space<hbm>>) target_semaphore(%arg23 : memref<!tpu.dma_semaphore, #tpu.memory_space<semaphore_mem>>)
    %scan3A_221 = arith.constant 0 : i32
    %scan3A_222 = arith.constant 0 : i32
    %scan3A_223 = arith.constant 62 : i32
    %scan3A_224 = arith.addi %scan3A_222, %scan3A_223 : i32
    %scan3A_225 = arith.constant 1 : i32
    scf.for %scan3A_253 = %scan3A_222 to %scan3A_224 step %scan3A_225  : i32 {
      %mul3A_254 = arith.constant 2 : i32
      %mul3A_255 = arith.muli %mul3A_254, %scan3A_253 : i32
      %dma_wait3A_256 = arith.constant 0 : i32
      %dma_wait3A_257 = tpu.memref_slice %arg9[%dma_wait3A_256] : memref<10000xi32, #tpu.memory_space<vmem>> -> memref<80xi32, #tpu.memory_space<vmem>>
      %dma_wait3A_258 = arith.constant 0 : i32
      %dma_wait3A_259 = arith.constant 0 : i32
      %dma_wait3A_260 = tpu.memref_slice %arg5[%dma_wait3A_258, %dma_wait3A_259] : memref<10000x64xi32, #tpu.memory_space<vmem_shared>> -> memref<10000x64xi32, #tpu.memory_space<vmem_shared>>
      tpu.wait_indirect_dma semaphore(%arg20 : memref<!tpu.dma_semaphore, #tpu.memory_space<semaphore_mem>>) src(%dma_wait3A_260 : memref<10000x64xi32, #tpu.memory_space<vmem_shared>>) dst(%arg11 : memref<80x64xi32, #tpu.memory_space<vmem>>)
      %dma_wait3A_261 = arith.constant 0 : i32
      %dma_wait3A_262 = tpu.memref_slice %arg10[%dma_wait3A_261] : memref<10000xi32, #tpu.memory_space<vmem>> -> memref<80xi32, #tpu.memory_space<vmem>>
      %dma_wait3A_263 = arith.constant 0 : i32
      %dma_wait3A_264 = arith.constant 0 : i32
      %dma_wait3A_265 = tpu.memref_slice %arg5[%dma_wait3A_263, %dma_wait3A_264] : memref<10000x64xi32, #tpu.memory_space<vmem_shared>> -> memref<10000x64xi32, #tpu.memory_space<vmem_shared>>
      tpu.wait_indirect_dma semaphore(%arg20 : memref<!tpu.dma_semaphore, #tpu.memory_space<semaphore_mem>>) src(%dma_wait3A_265 : memref<10000x64xi32, #tpu.memory_space<vmem_shared>>) dst(%arg13 : memref<80x64xi32, #tpu.memory_space<vmem>>)
      %add3A_266 = arith.constant 1 : i32
      %add3A_267 = arith.addi %mul3A_255, %add3A_266 : i32
      %mul3A_268 = arith.constant 80 : i32
      %mul3A_269 = arith.muli %add3A_267, %mul3A_268 : i32
      %dma_start3A_270 = tpu.memref_slice %arg9[%mul3A_269] : memref<10000xi32, #tpu.memory_space<vmem>> -> memref<80xi32, #tpu.memory_space<vmem>>
      %dma_start3A_271 = arith.constant 0 : i32
      %dma_start3A_272 = arith.constant 0 : i32
      %dma_start3A_273 = tpu.memref_slice %arg5[%dma_start3A_271, %dma_start3A_272] : memref<10000x64xi32, #tpu.memory_space<vmem_shared>> -> memref<10000x64xi32, #tpu.memory_space<vmem_shared>>
      tpu.enqueue_indirect_dma source(%dma_start3A_273 : memref<10000x64xi32, #tpu.memory_space<vmem_shared>>) target(%arg12 : memref<80x64xi32, #tpu.memory_space<vmem>>) offsets(%dma_start3A_270 : memref<80xi32, #tpu.memory_space<vmem>>) semaphore(%arg21 : memref<!tpu.dma_semaphore, #tpu.memory_space<semaphore_mem>>)
      %mul3A_274 = arith.constant 80 : i32
      %mul3A_275 = arith.muli %add3A_267, %mul3A_274 : i32
      %dma_start3A_276 = tpu.memref_slice %arg10[%mul3A_275] : memref<10000xi32, #tpu.memory_space<vmem>> -> memref<80xi32, #tpu.memory_space<vmem>>
      %dma_start3A_277 = arith.constant 0 : i32
      %dma_start3A_278 = arith.constant 0 : i32
      %dma_start3A_279 = tpu.memref_slice %arg5[%dma_start3A_277, %dma_start3A_278] : memref<10000x64xi32, #tpu.memory_space<vmem_shared>> -> memref<10000x64xi32, #tpu.memory_space<vmem_shared>>
      tpu.enqueue_indirect_dma source(%dma_start3A_279 : memref<10000x64xi32, #tpu.memory_space<vmem_shared>>) target(%arg14 : memref<80x64xi32, #tpu.memory_space<vmem>>) offsets(%dma_start3A_276 : memref<80xi32, #tpu.memory_space<vmem>>) semaphore(%arg21 : memref<!tpu.dma_semaphore, #tpu.memory_space<semaphore_mem>>)
      %dma_wait3A_280 = tpu.memref_slice %arg4[%mul3A_2] : memref<320000xf32, #tpu.memory_space<hbm>> -> memref<80xf32, #tpu.memory_space<hbm>>
      %dma_wait3A_281 = tpu.memref_slice %arg4[%mul3A_2] : memref<320000xf32, #tpu.memory_space<hbm>> -> memref<80xf32, #tpu.memory_space<hbm>>
      tpu.wait_dma2 semaphore(%arg22 : memref<!tpu.dma_semaphore, #tpu.memory_space<semaphore_mem>>) src(%arg15 : memref<80xf32, #tpu.memory_space<vmem>>) dst(%dma_wait3A_281 : memref<80xf32, #tpu.memory_space<hbm>>)
      %scan3A_282 = arith.constant 0 : i32
      %scan3A_283 = arith.constant 0 : i32
      %scan3A_284 = arith.constant 5 : i32
      %scan3A_285 = arith.addi %scan3A_283, %scan3A_284 : i32
      %scan3A_286 = arith.constant 1 : i32
      scf.for %scan3A_334 = %scan3A_283 to %scan3A_285 step %scan3A_286  : i32 {
        %mul3A_335 = arith.constant 16 : i32
        %mul3A_336 = arith.muli %scan3A_334, %mul3A_335 : i32
        %add3A_337 = vector.broadcast %mul3A_336 : i32 to vector<16xi32>
        %add3A_338 = arith.addi %add3A_337, %iota3A : vector<16xi32>
        %broadcast_in_dim3A = arith.constant 0.000000e+00 : f32
        %broadcast_in_dim3A_339 = vector.broadcast %broadcast_in_dim3A : f32 to vector<16xf32>
        %scan3A_340 = arith.constant 0 : i32
        %scan3A_341 = arith.constant 4 : i32
        %scan3A_342 = arith.addi %scan3A_340, %scan3A_341 : i32
        %scan3A_343 = arith.constant 1 : i32
        %scan3A_344:4 = scf.for %scan3A_352 = %scan3A_340 to %scan3A_342 step %scan3A_343 iter_args(%scan3A_353 = %broadcast_in_dim3A_339, %scan3A_354 = %broadcast_in_dim3A_339, %scan3A_355 = %broadcast_in_dim3A_339, %scan3A_356 = %broadcast_in_dim3A_339) -> (vector<16xf32>, vector<16xf32>, vector<16xf32>, vector<16xf32>)  : i32 {
          %mul3A_357 = arith.constant 16 : i32
          %mul3A_358 = arith.muli %scan3A_352, %mul3A_357 : i32
          %broadcast_in_dim3A_359 = vector.broadcast %mul3A_358 : i32 to vector<16xi32>
          %add3A_360 = arith.addi %broadcast_in_dim3A_359, %and3A_7 : vector<16xi32>
          %gather3A = tpu.vector_load_idx %arg11[%add3A_338, %add3A_360] : memref<80x64xi32, #tpu.memory_space<vmem>>[vector<16xi32>, vector<16xi32>], vector<16xi32>,
          %gather3A_361 = tpu.vector_load_idx %arg13[%add3A_338, %add3A_360] : memref<80x64xi32, #tpu.memory_space<vmem>>[vector<16xi32>, vector<16xi32>], vector<16xi32>,
          %bitcast3A = vector.bitcast %gather3A : vector<16xi32> to vector<32xbf16>
          %bitcast3A_362 = vector.bitcast %gather3A_361 : vector<16xi32> to vector<32xbf16>
          %mul3A_363 = arith.mulf %bitcast3A, %bitcast3A_362 : vector<32xbf16>
          %unpack3A = tpu.unpack_subelements %mul3A_363, 0 {pack_format = #tpu.pack_format<interleaved>} : vector<32xbf16> -> vector<16xf32>
          %unpack3A_364 = tpu.unpack_subelements %mul3A_363, 1 {pack_format = #tpu.pack_format<interleaved>} : vector<32xbf16> -> vector<16xf32>
          %add3A_365 = arith.addf %scan3A_353, %unpack3A : vector<16xf32>
          %add3A_366 = arith.addf %scan3A_354, %unpack3A_364 : vector<16xf32>
          %add3A_367 = arith.addi %broadcast_in_dim3A_359, %and3A_13 : vector<16xi32>
          %gather3A_368 = tpu.vector_load_idx %arg11[%add3A_338, %add3A_367] : memref<80x64xi32, #tpu.memory_space<vmem>>[vector<16xi32>, vector<16xi32>], vector<16xi32>,
          %gather3A_369 = tpu.vector_load_idx %arg13[%add3A_338, %add3A_367] : memref<80x64xi32, #tpu.memory_space<vmem>>[vector<16xi32>, vector<16xi32>], vector<16xi32>,
          %bitcast3A_370 = vector.bitcast %gather3A_368 : vector<16xi32> to vector<32xbf16>
          %bitcast3A_371 = vector.bitcast %gather3A_369 : vector<16xi32> to vector<32xbf16>
          %mul3A_372 = arith.mulf %bitcast3A_370, %bitcast3A_371 : vector<32xbf16>
          %unpack3A_373 = tpu.unpack_subelements %mul3A_372, 0 {pack_format = #tpu.pack_format<interleaved>} : vector<32xbf16> -> vector<16xf32>
          %unpack3A_374 = tpu.unpack_subelements %mul3A_372, 1 {pack_format = #tpu.pack_format<interleaved>} : vector<32xbf16> -> vector<16xf32>
          %add3A_375 = arith.addf %scan3A_355, %unpack3A_373 : vector<16xf32>
          %add3A_376 = arith.addf %scan3A_356, %unpack3A_374 : vector<16xf32>
          %add3A_377 = arith.addi %broadcast_in_dim3A_359, %and3A_19 : vector<16xi32>
          %gather3A_378 = tpu.vector_load_idx %arg11[%add3A_338, %add3A_377] : memref<80x64xi32, #tpu.memory_space<vmem>>[vector<16xi32>, vector<16xi32>], vector<16xi32>,
          %gather3A_379 = tpu.vector_load_idx %arg13[%add3A_338, %add3A_377] : memref<80x64xi32, #tpu.memory_space<vmem>>[vector<16xi32>, vector<16xi32>], vector<16xi32>,
          %bitcast3A_380 = vector.bitcast %gather3A_378 : vector<16xi32> to vector<32xbf16>
          %bitcast3A_381 = vector.bitcast %gather3A_379 : vector<16xi32> to vector<32xbf16>
          %mul3A_382 = arith.mulf %bitcast3A_380, %bitcast3A_381 : vector<32xbf16>
          %unpack3A_383 = tpu.unpack_subelements %mul3A_382, 0 {pack_format = #tpu.pack_format<interleaved>} : vector<32xbf16> -> vector<16xf32>
          %unpack3A_384 = tpu.unpack_subelements %mul3A_382, 1 {pack_format = #tpu.pack_format<interleaved>} : vector<32xbf16> -> vector<16xf32>
          %add3A_385 = arith.addf %add3A_365, %unpack3A_383 : vector<16xf32>
          %add3A_386 = arith.addf %add3A_366, %unpack3A_384 : vector<16xf32>
          %add3A_387 = arith.addi %broadcast_in_dim3A_359, %and3A_25 : vector<16xi32>
          %gather3A_388 = tpu.vector_load_idx %arg11[%add3A_338, %add3A_387] : memref<80x64xi32, #tpu.memory_space<vmem>>[vector<16xi32>, vector<16xi32>], vector<16xi32>,
          %gather3A_389 = tpu.vector_load_idx %arg13[%add3A_338, %add3A_387] : memref<80x64xi32, #tpu.memory_space<vmem>>[vector<16xi32>, vector<16xi32>], vector<16xi32>,
          %bitcast3A_390 = vector.bitcast %gather3A_388 : vector<16xi32> to vector<32xbf16>
          %bitcast3A_391 = vector.bitcast %gather3A_389 : vector<16xi32> to vector<32xbf16>
          %mul3A_392 = arith.mulf %bitcast3A_390, %bitcast3A_391 : vector<32xbf16>
          %unpack3A_393 = tpu.unpack_subelements %mul3A_392, 0 {pack_format = #tpu.pack_format<interleaved>} : vector<32xbf16> -> vector<16xf32>
          %unpack3A_394 = tpu.unpack_subelements %mul3A_392, 1 {pack_format = #tpu.pack_format<interleaved>} : vector<32xbf16> -> vector<16xf32>
          %add3A_395 = arith.addf %add3A_375, %unpack3A_393 : vector<16xf32>
          %add3A_396 = arith.addf %add3A_376, %unpack3A_394 : vector<16xf32>
          %add3A_397 = arith.addi %broadcast_in_dim3A_359, %and3A_31 : vector<16xi32>
          %gather3A_398 = tpu.vector_load_idx %arg11[%add3A_338, %add3A_397] : memref<80x64xi32, #tpu.memory_space<vmem>>[vector<16xi32>, vector<16xi32>], vector<16xi32>,
          %gather3A_399 = tpu.vector_load_idx %arg13[%add3A_338, %add3A_397] : memref<80x64xi32, #tpu.memory_space<vmem>>[vector<16xi32>, vector<16xi32>], vector<16xi32>,
          %bitcast3A_400 = vector.bitcast %gather3A_398 : vector<16xi32> to vector<32xbf16>
          %bitcast3A_401 = vector.bitcast %gather3A_399 : vector<16xi32> to vector<32xbf16>
          %mul3A_402 = arith.mulf %bitcast3A_400, %bitcast3A_401 : vector<32xbf16>
          %unpack3A_403 = tpu.unpack_subelements %mul3A_402, 0 {pack_format = #tpu.pack_format<interleaved>} : vector<32xbf16> -> vector<16xf32>
          %unpack3A_404 = tpu.unpack_subelements %mul3A_402, 1 {pack_format = #tpu.pack_format<interleaved>} : vector<32xbf16> -> vector<16xf32>
          %add3A_405 = arith.addf %add3A_385, %unpack3A_403 : vector<16xf32>
          %add3A_406 = arith.addf %add3A_386, %unpack3A_404 : vector<16xf32>
          %add3A_407 = arith.addi %broadcast_in_dim3A_359, %and3A_37 : vector<16xi32>
          %gather3A_408 = tpu.vector_load_idx %arg11[%add3A_338, %add3A_407] : memref<80x64xi32, #tpu.memory_space<vmem>>[vector<16xi32>, vector<16xi32>], vector<16xi32>,
          %gather3A_409 = tpu.vector_load_idx %arg13[%add3A_338, %add3A_407] : memref<80x64xi32, #tpu.memory_space<vmem>>[vector<16xi32>, vector<16xi32>], vector<16xi32>,
          %bitcast3A_410 = vector.bitcast %gather3A_408 : vector<16xi32> to vector<32xbf16>
          %bitcast3A_411 = vector.bitcast %gather3A_409 : vector<16xi32> to vector<32xbf16>
          %mul3A_412 = arith.mulf %bitcast3A_410, %bitcast3A_411 : vector<32xbf16>
          %unpack3A_413 = tpu.unpack_subelements %mul3A_412, 0 {pack_format = #tpu.pack_format<interleaved>} : vector<32xbf16> -> vector<16xf32>
          %unpack3A_414 = tpu.unpack_subelements %mul3A_412, 1 {pack_format = #tpu.pack_format<interleaved>} : vector<32xbf16> -> vector<16xf32>
          %add3A_415 = arith.addf %add3A_395, %unpack3A_413 : vector<16xf32>
          %add3A_416 = arith.addf %add3A_396, %unpack3A_414 : vector<16xf32>
          %add3A_417 = arith.addi %broadcast_in_dim3A_359, %and3A_43 : vector<16xi32>
          %gather3A_418 = tpu.vector_load_idx %arg11[%add3A_338, %add3A_417] : memref<80x64xi32, #tpu.memory_space<vmem>>[vector<16xi32>, vector<16xi32>], vector<16xi32>,
          %gather3A_419 = tpu.vector_load_idx %arg13[%add3A_338, %add3A_417] : memref<80x64xi32, #tpu.memory_space<vmem>>[vector<16xi32>, vector<16xi32>], vector<16xi32>,
          %bitcast3A_420 = vector.bitcast %gather3A_418 : vector<16xi32> to vector<32xbf16>
          %bitcast3A_421 = vector.bitcast %gather3A_419 : vector<16xi32> to vector<32xbf16>
          %mul3A_422 = arith.mulf %bitcast3A_420, %bitcast3A_421 : vector<32xbf16>
          %unpack3A_423 = tpu.unpack_subelements %mul3A_422, 0 {pack_format = #tpu.pack_format<interleaved>} : vector<32xbf16> -> vector<16xf32>
          %unpack3A_424 = tpu.unpack_subelements %mul3A_422, 1 {pack_format = #tpu.pack_format<interleaved>} : vector<32xbf16> -> vector<16xf32>
          %add3A_425 = arith.addf %add3A_405, %unpack3A_423 : vector<16xf32>
          %add3A_426 = arith.addf %add3A_406, %unpack3A_424 : vector<16xf32>
          %add3A_427 = arith.addi %broadcast_in_dim3A_359, %and3A_49 : vector<16xi32>
          %gather3A_428 = tpu.vector_load_idx %arg11[%add3A_338, %add3A_427] : memref<80x64xi32, #tpu.memory_space<vmem>>[vector<16xi32>, vector<16xi32>], vector<16xi32>,
          %gather3A_429 = tpu.vector_load_idx %arg13[%add3A_338, %add3A_427] : memref<80x64xi32, #tpu.memory_space<vmem>>[vector<16xi32>, vector<16xi32>], vector<16xi32>,
          %bitcast3A_430 = vector.bitcast %gather3A_428 : vector<16xi32> to vector<32xbf16>
          %bitcast3A_431 = vector.bitcast %gather3A_429 : vector<16xi32> to vector<32xbf16>
          %mul3A_432 = arith.mulf %bitcast3A_430, %bitcast3A_431 : vector<32xbf16>
          %unpack3A_433 = tpu.unpack_subelements %mul3A_432, 0 {pack_format = #tpu.pack_format<interleaved>} : vector<32xbf16> -> vector<16xf32>
          %unpack3A_434 = tpu.unpack_subelements %mul3A_432, 1 {pack_format = #tpu.pack_format<interleaved>} : vector<32xbf16> -> vector<16xf32>
          %add3A_435 = arith.addf %add3A_415, %unpack3A_433 : vector<16xf32>
          %add3A_436 = arith.addf %add3A_416, %unpack3A_434 : vector<16xf32>
          %add3A_437 = arith.addi %broadcast_in_dim3A_359, %and3A_55 : vector<16xi32>
          %gather3A_438 = tpu.vector_load_idx %arg11[%add3A_338, %add3A_437] : memref<80x64xi32, #tpu.memory_space<vmem>>[vector<16xi32>, vector<16xi32>], vector<16xi32>,
          %gather3A_439 = tpu.vector_load_idx %arg13[%add3A_338, %add3A_437] : memref<80x64xi32, #tpu.memory_space<vmem>>[vector<16xi32>, vector<16xi32>], vector<16xi32>,
          %bitcast3A_440 = vector.bitcast %gather3A_438 : vector<16xi32> to vector<32xbf16>
          %bitcast3A_441 = vector.bitcast %gather3A_439 : vector<16xi32> to vector<32xbf16>
          %mul3A_442 = arith.mulf %bitcast3A_440, %bitcast3A_441 : vector<32xbf16>
          %unpack3A_443 = tpu.unpack_subelements %mul3A_442, 0 {pack_format = #tpu.pack_format<interleaved>} : vector<32xbf16> -> vector<16xf32>
          %unpack3A_444 = tpu.unpack_subelements %mul3A_442, 1 {pack_format = #tpu.pack_format<interleaved>} : vector<32xbf16> -> vector<16xf32>
          %add3A_445 = arith.addf %add3A_425, %unpack3A_443 : vector<16xf32>
          %add3A_446 = arith.addf %add3A_426, %unpack3A_444 : vector<16xf32>
          %add3A_447 = arith.addi %broadcast_in_dim3A_359, %and3A_61 : vector<16xi32>
          %gather3A_448 = tpu.vector_load_idx %arg11[%add3A_338, %add3A_447] : memref<80x64xi32, #tpu.memory_space<vmem>>[vector<16xi32>, vector<16xi32>], vector<16xi32>,
          %gather3A_449 = tpu.vector_load_idx %arg13[%add3A_338, %add3A_447] : memref<80x64xi32, #tpu.memory_space<vmem>>[vector<16xi32>, vector<16xi32>], vector<16xi32>,
          %bitcast3A_450 = vector.bitcast %gather3A_448 : vector<16xi32> to vector<32xbf16>
          %bitcast3A_451 = vector.bitcast %gather3A_449 : vector<16xi32> to vector<32xbf16>
          %mul3A_452 = arith.mulf %bitcast3A_450, %bitcast3A_451 : vector<32xbf16>
          %unpack3A_453 = tpu.unpack_subelements %mul3A_452, 0 {pack_format = #tpu.pack_format<interleaved>} : vector<32xbf16> -> vector<16xf32>
          %unpack3A_454 = tpu.unpack_subelements %mul3A_452, 1 {pack_format = #tpu.pack_format<interleaved>} : vector<32xbf16> -> vector<16xf32>
          %add3A_455 = arith.addf %add3A_435, %unpack3A_453 : vector<16xf32>
          %add3A_456 = arith.addf %add3A_436, %unpack3A_454 : vector<16xf32>
          %add3A_457 = arith.addi %broadcast_in_dim3A_359, %and3A_67 : vector<16xi32>
          %gather3A_458 = tpu.vector_load_idx %arg11[%add3A_338, %add3A_457] : memref<80x64xi32, #tpu.memory_space<vmem>>[vector<16xi32>, vector<16xi32>], vector<16xi32>,
          %gather3A_459 = tpu.vector_load_idx %arg13[%add3A_338, %add3A_457] : memref<80x64xi32, #tpu.memory_space<vmem>>[vector<16xi32>, vector<16xi32>], vector<16xi32>,
          %bitcast3A_460 = vector.bitcast %gather3A_458 : vector<16xi32> to vector<32xbf16>
          %bitcast3A_461 = vector.bitcast %gather3A_459 : vector<16xi32> to vector<32xbf16>
          %mul3A_462 = arith.mulf %bitcast3A_460, %bitcast3A_461 : vector<32xbf16>
          %unpack3A_463 = tpu.unpack_subelements %mul3A_462, 0 {pack_format = #tpu.pack_format<interleaved>} : vector<32xbf16> -> vector<16xf32>
          %unpack3A_464 = tpu.unpack_subelements %mul3A_462, 1 {pack_format = #tpu.pack_format<interleaved>} : vector<32xbf16> -> vector<16xf32>
          %add3A_465 = arith.addf %add3A_445, %unpack3A_463 : vector<16xf32>
          %add3A_466 = arith.addf %add3A_446, %unpack3A_464 : vector<16xf32>
          %add3A_467 = arith.addi %broadcast_in_dim3A_359, %and3A_73 : vector<16xi32>
          %gather3A_468 = tpu.vector_load_idx %arg11[%add3A_338, %add3A_467] : memref<80x64xi32, #tpu.memory_space<vmem>>[vector<16xi32>, vector<16xi32>], vector<16xi32>,
          %gather3A_469 = tpu.vector_load_idx %arg13[%add3A_338, %add3A_467] : memref<80x64xi32, #tpu.memory_space<vmem>>[vector<16xi32>, vector<16xi32>], vector<16xi32>,
          %bitcast3A_470 = vector.bitcast %gather3A_468 : vector<16xi32> to vector<32xbf16>
          %bitcast3A_471 = vector.bitcast %gather3A_469 : vector<16xi32> to vector<32xbf16>
          %mul3A_472 = arith.mulf %bitcast3A_470, %bitcast3A_471 : vector<32xbf16>
          %unpack3A_473 = tpu.unpack_subelements %mul3A_472, 0 {pack_format = #tpu.pack_format<interleaved>} : vector<32xbf16> -> vector<16xf32>
          %unpack3A_474 = tpu.unpack_subelements %mul3A_472, 1 {pack_format = #tpu.pack_format<interleaved>} : vector<32xbf16> -> vector<16xf32>
          %add3A_475 = arith.addf %add3A_455, %unpack3A_473 : vector<16xf32>
          %add3A_476 = arith.addf %add3A_456, %unpack3A_474 : vector<16xf32>
          %add3A_477 = arith.addi %broadcast_in_dim3A_359, %and3A_79 : vector<16xi32>
          %gather3A_478 = tpu.vector_load_idx %arg11[%add3A_338, %add3A_477] : memref<80x64xi32, #tpu.memory_space<vmem>>[vector<16xi32>, vector<16xi32>], vector<16xi32>,
          %gather3A_479 = tpu.vector_load_idx %arg13[%add3A_338, %add3A_477] : memref<80x64xi32, #tpu.memory_space<vmem>>[vector<16xi32>, vector<16xi32>], vector<16xi32>,
          %bitcast3A_480 = vector.bitcast %gather3A_478 : vector<16xi32> to vector<32xbf16>
          %bitcast3A_481 = vector.bitcast %gather3A_479 : vector<16xi32> to vector<32xbf16>
          %mul3A_482 = arith.mulf %bitcast3A_480, %bitcast3A_481 : vector<32xbf16>
          %unpack3A_483 = tpu.unpack_subelements %mul3A_482, 0 {pack_format = #tpu.pack_format<interleaved>} : vector<32xbf16> -> vector<16xf32>
          %unpack3A_484 = tpu.unpack_subelements %mul3A_482, 1 {pack_format = #tpu.pack_format<interleaved>} : vector<32xbf16> -> vector<16xf32>
          %add3A_485 = arith.addf %add3A_465, %unpack3A_483 : vector<16xf32>
          %add3A_486 = arith.addf %add3A_466, %unpack3A_484 : vector<16xf32>
          %add3A_487 = arith.addi %broadcast_in_dim3A_359, %and3A_85 : vector<16xi32>
          %gather3A_488 = tpu.vector_load_idx %arg11[%add3A_338, %add3A_487] : memref<80x64xi32, #tpu.memory_space<vmem>>[vector<16xi32>, vector<16xi32>], vector<16xi32>,
          %gather3A_489 = tpu.vector_load_idx %arg13[%add3A_338, %add3A_487] : memref<80x64xi32, #tpu.memory_space<vmem>>[vector<16xi32>, vector<16xi32>], vector<16xi32>,
          %bitcast3A_490 = vector.bitcast %gather3A_488 : vector<16xi32> to vector<32xbf16>
          %bitcast3A_491 = vector.bitcast %gather3A_489 : vector<16xi32> to vector<32xbf16>
          %mul3A_492 = arith.mulf %bitcast3A_490, %bitcast3A_491 : vector<32xbf16>
          %unpack3A_493 = tpu.unpack_subelements %mul3A_492, 0 {pack_format = #tpu.pack_format<interleaved>} : vector<32xbf16> -> vector<16xf32>
          %unpack3A_494 = tpu.unpack_subelements %mul3A_492, 1 {pack_format = #tpu.pack_format<interleaved>} : vector<32xbf16> -> vector<16xf32>
          %add3A_495 = arith.addf %add3A_475, %unpack3A_493 : vector<16xf32>
          %add3A_496 = arith.addf %add3A_476, %unpack3A_494 : vector<16xf32>
          %add3A_497 = arith.addi %broadcast_in_dim3A_359, %and3A_91 : vector<16xi32>
          %gather3A_498 = tpu.vector_load_idx %arg11[%add3A_338, %add3A_497] : memref<80x64xi32, #tpu.memory_space<vmem>>[vector<16xi32>, vector<16xi32>], vector<16xi32>,
          %gather3A_499 = tpu.vector_load_idx %arg13[%add3A_338, %add3A_497] : memref<80x64xi32, #tpu.memory_space<vmem>>[vector<16xi32>, vector<16xi32>], vector<16xi32>,
          %bitcast3A_500 = vector.bitcast %gather3A_498 : vector<16xi32> to vector<32xbf16>
          %bitcast3A_501 = vector.bitcast %gather3A_499 : vector<16xi32> to vector<32xbf16>
          %mul3A_502 = arith.mulf %bitcast3A_500, %bitcast3A_501 : vector<32xbf16>
          %unpack3A_503 = tpu.unpack_subelements %mul3A_502, 0 {pack_format = #tpu.pack_format<interleaved>} : vector<32xbf16> -> vector<16xf32>
          %unpack3A_504 = tpu.unpack_subelements %mul3A_502, 1 {pack_format = #tpu.pack_format<interleaved>} : vector<32xbf16> -> vector<16xf32>
          %add3A_505 = arith.addf %add3A_485, %unpack3A_503 : vector<16xf32>
          %add3A_506 = arith.addf %add3A_486, %unpack3A_504 : vector<16xf32>
          %add3A_507 = arith.addi %broadcast_in_dim3A_359, %and3A_97 : vector<16xi32>
          %gather3A_508 = tpu.vector_load_idx %arg11[%add3A_338, %add3A_507] : memref<80x64xi32, #tpu.memory_space<vmem>>[vector<16xi32>, vector<16xi32>], vector<16xi32>,
          %gather3A_509 = tpu.vector_load_idx %arg13[%add3A_338, %add3A_507] : memref<80x64xi32, #tpu.memory_space<vmem>>[vector<16xi32>, vector<16xi32>], vector<16xi32>,
          %bitcast3A_510 = vector.bitcast %gather3A_508 : vector<16xi32> to vector<32xbf16>
          %bitcast3A_511 = vector.bitcast %gather3A_509 : vector<16xi32> to vector<32xbf16>
          %mul3A_512 = arith.mulf %bitcast3A_510, %bitcast3A_511 : vector<32xbf16>
          %unpack3A_513 = tpu.unpack_subelements %mul3A_512, 0 {pack_format = #tpu.pack_format<interleaved>} : vector<32xbf16> -> vector<16xf32>
          %unpack3A_514 = tpu.unpack_subelements %mul3A_512, 1 {pack_format = #tpu.pack_format<interleaved>} : vector<32xbf16> -> vector<16xf32>
          %add3A_515 = arith.addf %add3A_495, %unpack3A_513 : vector<16xf32>
          %add3A_516 = arith.addf %add3A_496, %unpack3A_514 : vector<16xf32>
          scf.yield %add3A_505, %add3A_506, %add3A_515, %add3A_516 : vector<16xf32>, vector<16xf32>, vector<16xf32>, vector<16xf32>
        }
        %scan3A_345 = arith.constant 4 : i32
        %add3A_346 = arith.addf %scan3A_344#0, %scan3A_344#1 : vector<16xf32>
        %add3A_347 = arith.addf %scan3A_344#2, %scan3A_344#3 : vector<16xf32>
        %add3A_348 = arith.addf %add3A_346, %add3A_347 : vector<16xf32>
        %mul3A_349 = arith.constant 16 : i32
        %mul3A_350 = arith.muli %scan3A_334, %mul3A_349 : i32
        %swap3A = arith.index_cast %mul3A_350 : i32 to index
        %swap3A_351 = tpu.vector_load %arg15[%swap3A] {strides = array<i32>} : memref<80xf32, #tpu.memory_space<vmem>>, vector<16xf32>,
        tpu.vector_store %arg15[%swap3A], %add3A_348 {strides = array<i32>} : memref<80xf32, #tpu.memory_space<vmem>>, vector<16xf32>,
      }
      %scan3A_287 = arith.constant 5 : i32
      %mul3A_288 = arith.constant 80 : i32
      %mul3A_289 = arith.muli %mul3A_255, %mul3A_288 : i32
      %add3A_290 = arith.addi %mul3A_2, %mul3A_289 : i32
      %dma_start3A_291 = tpu.memref_slice %arg4[%add3A_290] : memref<320000xf32, #tpu.memory_space<hbm>> -> memref<80xf32, #tpu.memory_space<hbm>>
      %dma_start3A_292 = tpu.memref_slice %arg4[%add3A_290] : memref<320000xf32, #tpu.memory_space<hbm>> -> memref<80xf32, #tpu.memory_space<hbm>>
      tpu.enqueue_dma source(%arg15 : memref<80xf32, #tpu.memory_space<vmem>>) target(%dma_start3A_292 : memref<80xf32, #tpu.memory_space<hbm>>) target_semaphore(%arg22 : memref<!tpu.dma_semaphore, #tpu.memory_space<semaphore_mem>>)
      %mul3A_293 = arith.constant 2 : i32
      %mul3A_294 = arith.muli %mul3A_293, %scan3A_253 : i32
      %add3A_295 = arith.constant 1 : i32
      %add3A_296 = arith.addi %mul3A_294, %add3A_295 : i32
      %dma_wait3A_297 = arith.constant 0 : i32
      %dma_wait3A_298 = tpu.memref_slice %arg9[%dma_wait3A_297] : memref<10000xi32, #tpu.memory_space<vmem>> -> memref<80xi32, #tpu.memory_space<vmem>>
      %dma_wait3A_299 = arith.constant 0 : i32
      %dma_wait3A_300 = arith.constant 0 : i32
      %dma_wait3A_301 = tpu.memref_slice %arg5[%dma_wait3A_299, %dma_wait3A_300] : memref<10000x64xi32, #tpu.memory_space<vmem_shared>> -> memref<10000x64xi32, #tpu.memory_space<vmem_shared>>
      tpu.wait_indirect_dma semaphore(%arg21 : memref<!tpu.dma_semaphore, #tpu.memory_space<semaphore_mem>>) src(%dma_wait3A_301 : memref<10000x64xi32, #tpu.memory_space<vmem_shared>>) dst(%arg12 : memref<80x64xi32, #tpu.memory_space<vmem>>)
      %dma_wait3A_302 = arith.constant 0 : i32
      %dma_wait3A_303 = tpu.memref_slice %arg10[%dma_wait3A_302] : memref<10000xi32, #tpu.memory_space<vmem>> -> memref<80xi32, #tpu.memory_space<vmem>>
      %dma_wait3A_304 = arith.constant 0 : i32
      %dma_wait3A_305 = arith.constant 0 : i32
      %dma_wait3A_306 = tpu.memref_slice %arg5[%dma_wait3A_304, %dma_wait3A_305] : memref<10000x64xi32, #tpu.memory_space<vmem_shared>> -> memref<10000x64xi32, #tpu.memory_space<vmem_shared>>
      tpu.wait_indirect_dma semaphore(%arg21 : memref<!tpu.dma_semaphore, #tpu.memory_space<semaphore_mem>>) src(%dma_wait3A_306 : memref<10000x64xi32, #tpu.memory_space<vmem_shared>>) dst(%arg14 : memref<80x64xi32, #tpu.memory_space<vmem>>)
      %add3A_307 = arith.constant 1 : i32
      %add3A_308 = arith.addi %add3A_296, %add3A_307 : i32
      %mul3A_309 = arith.constant 80 : i32
      %mul3A_310 = arith.muli %add3A_308, %mul3A_309 : i32
      %dma_start3A_311 = tpu.memref_slice %arg9[%mul3A_310] : memref<10000xi32, #tpu.memory_space<vmem>> -> memref<80xi32, #tpu.memory_space<vmem>>
      %dma_start3A_312 = arith.constant 0 : i32
      %dma_start3A_313 = arith.constant 0 : i32
      %dma_start3A_314 = tpu.memref_slice %arg5[%dma_start3A_312, %dma_start3A_313] : memref<10000x64xi32, #tpu.memory_space<vmem_shared>> -> memref<10000x64xi32, #tpu.memory_space<vmem_shared>>
      tpu.enqueue_indirect_dma source(%dma_start3A_314 : memref<10000x64xi32, #tpu.memory_space<vmem_shared>>) target(%arg11 : memref<80x64xi32, #tpu.memory_space<vmem>>) offsets(%dma_start3A_311 : memref<80xi32, #tpu.memory_space<vmem>>) semaphore(%arg20 : memref<!tpu.dma_semaphore, #tpu.memory_space<semaphore_mem>>)
      %mul3A_315 = arith.constant 80 : i32
      %mul3A_316 = arith.muli %add3A_308, %mul3A_315 : i32
      %dma_start3A_317 = tpu.memref_slice %arg10[%mul3A_316] : memref<10000xi32, #tpu.memory_space<vmem>> -> memref<80xi32, #tpu.memory_space<vmem>>
      %dma_start3A_318 = arith.constant 0 : i32
      %dma_start3A_319 = arith.constant 0 : i32
      %dma_start3A_320 = tpu.memref_slice %arg5[%dma_start3A_318, %dma_start3A_319] : memref<10000x64xi32, #tpu.memory_space<vmem_shared>> -> memref<10000x64xi32, #tpu.memory_space<vmem_shared>>
      tpu.enqueue_indirect_dma source(%dma_start3A_320 : memref<10000x64xi32, #tpu.memory_space<vmem_shared>>) target(%arg13 : memref<80x64xi32, #tpu.memory_space<vmem>>) offsets(%dma_start3A_317 : memref<80xi32, #tpu.memory_space<vmem>>) semaphore(%arg20 : memref<!tpu.dma_semaphore, #tpu.memory_space<semaphore_mem>>)
      %dma_wait3A_321 = tpu.memref_slice %arg4[%mul3A_2] : memref<320000xf32, #tpu.memory_space<hbm>> -> memref<80xf32, #tpu.memory_space<hbm>>
      %dma_wait3A_322 = tpu.memref_slice %arg4[%mul3A_2] : memref<320000xf32, #tpu.memory_space<hbm>> -> memref<80xf32, #tpu.memory_space<hbm>>
      tpu.wait_dma2 semaphore(%arg23 : memref<!tpu.dma_semaphore, #tpu.memory_space<semaphore_mem>>) src(%arg16 : memref<80xf32, #tpu.memory_space<vmem>>) dst(%dma_wait3A_322 : memref<80xf32, #tpu.memory_space<hbm>>)
      %scan3A_323 = arith.constant 0 : i32
      %scan3A_324 = arith.constant 0 : i32
      %scan3A_325 = arith.constant 5 : i32
      %scan3A_326 = arith.addi %scan3A_324, %scan3A_325 : i32
      %scan3A_327 = arith.constant 1 : i32
      scf.for %scan3A_334 = %scan3A_324 to %scan3A_326 step %scan3A_327  : i32 {
        %mul3A_335 = arith.constant 16 : i32
        %mul3A_336 = arith.muli %scan3A_334, %mul3A_335 : i32
        %add3A_337 = vector.broadcast %mul3A_336 : i32 to vector<16xi32>
        %add3A_338 = arith.addi %add3A_337, %iota3A : vector<16xi32>
        %broadcast_in_dim3A = arith.constant 0.000000e+00 : f32
        %broadcast_in_dim3A_339 = vector.broadcast %broadcast_in_dim3A : f32 to vector<16xf32>
        %scan3A_340 = arith.constant 0 : i32
        %scan3A_341 = arith.constant 4 : i32
        %scan3A_342 = arith.addi %scan3A_340, %scan3A_341 : i32
        %scan3A_343 = arith.constant 1 : i32
        %scan3A_344:4 = scf.for %scan3A_352 = %scan3A_340 to %scan3A_342 step %scan3A_343 iter_args(%scan3A_353 = %broadcast_in_dim3A_339, %scan3A_354 = %broadcast_in_dim3A_339, %scan3A_355 = %broadcast_in_dim3A_339, %scan3A_356 = %broadcast_in_dim3A_339) -> (vector<16xf32>, vector<16xf32>, vector<16xf32>, vector<16xf32>)  : i32 {
          %mul3A_357 = arith.constant 16 : i32
          %mul3A_358 = arith.muli %scan3A_352, %mul3A_357 : i32
          %broadcast_in_dim3A_359 = vector.broadcast %mul3A_358 : i32 to vector<16xi32>
          %add3A_360 = arith.addi %broadcast_in_dim3A_359, %and3A_7 : vector<16xi32>
          %gather3A = tpu.vector_load_idx %arg12[%add3A_338, %add3A_360] : memref<80x64xi32, #tpu.memory_space<vmem>>[vector<16xi32>, vector<16xi32>], vector<16xi32>,
          %gather3A_361 = tpu.vector_load_idx %arg14[%add3A_338, %add3A_360] : memref<80x64xi32, #tpu.memory_space<vmem>>[vector<16xi32>, vector<16xi32>], vector<16xi32>,
          %bitcast3A = vector.bitcast %gather3A : vector<16xi32> to vector<32xbf16>
          %bitcast3A_362 = vector.bitcast %gather3A_361 : vector<16xi32> to vector<32xbf16>
          %mul3A_363 = arith.mulf %bitcast3A, %bitcast3A_362 : vector<32xbf16>
          %unpack3A = tpu.unpack_subelements %mul3A_363, 0 {pack_format = #tpu.pack_format<interleaved>} : vector<32xbf16> -> vector<16xf32>
          %unpack3A_364 = tpu.unpack_subelements %mul3A_363, 1 {pack_format = #tpu.pack_format<interleaved>} : vector<32xbf16> -> vector<16xf32>
          %add3A_365 = arith.addf %scan3A_353, %unpack3A : vector<16xf32>
          %add3A_366 = arith.addf %scan3A_354, %unpack3A_364 : vector<16xf32>
          %add3A_367 = arith.addi %broadcast_in_dim3A_359, %and3A_13 : vector<16xi32>
          %gather3A_368 = tpu.vector_load_idx %arg12[%add3A_338, %add3A_367] : memref<80x64xi32, #tpu.memory_space<vmem>>[vector<16xi32>, vector<16xi32>], vector<16xi32>,
          %gather3A_369 = tpu.vector_load_idx %arg14[%add3A_338, %add3A_367] : memref<80x64xi32, #tpu.memory_space<vmem>>[vector<16xi32>, vector<16xi32>], vector<16xi32>,
          %bitcast3A_370 = vector.bitcast %gather3A_368 : vector<16xi32> to vector<32xbf16>
          %bitcast3A_371 = vector.bitcast %gather3A_369 : vector<16xi32> to vector<32xbf16>
          %mul3A_372 = arith.mulf %bitcast3A_370, %bitcast3A_371 : vector<32xbf16>
          %unpack3A_373 = tpu.unpack_subelements %mul3A_372, 0 {pack_format = #tpu.pack_format<interleaved>} : vector<32xbf16> -> vector<16xf32>
          %unpack3A_374 = tpu.unpack_subelements %mul3A_372, 1 {pack_format = #tpu.pack_format<interleaved>} : vector<32xbf16> -> vector<16xf32>
          %add3A_375 = arith.addf %scan3A_355, %unpack3A_373 : vector<16xf32>
          %add3A_376 = arith.addf %scan3A_356, %unpack3A_374 : vector<16xf32>
          %add3A_377 = arith.addi %broadcast_in_dim3A_359, %and3A_19 : vector<16xi32>
          %gather3A_378 = tpu.vector_load_idx %arg12[%add3A_338, %add3A_377] : memref<80x64xi32, #tpu.memory_space<vmem>>[vector<16xi32>, vector<16xi32>], vector<16xi32>,
          %gather3A_379 = tpu.vector_load_idx %arg14[%add3A_338, %add3A_377] : memref<80x64xi32, #tpu.memory_space<vmem>>[vector<16xi32>, vector<16xi32>], vector<16xi32>,
          %bitcast3A_380 = vector.bitcast %gather3A_378 : vector<16xi32> to vector<32xbf16>
          %bitcast3A_381 = vector.bitcast %gather3A_379 : vector<16xi32> to vector<32xbf16>
          %mul3A_382 = arith.mulf %bitcast3A_380, %bitcast3A_381 : vector<32xbf16>
          %unpack3A_383 = tpu.unpack_subelements %mul3A_382, 0 {pack_format = #tpu.pack_format<interleaved>} : vector<32xbf16> -> vector<16xf32>
          %unpack3A_384 = tpu.unpack_subelements %mul3A_382, 1 {pack_format = #tpu.pack_format<interleaved>} : vector<32xbf16> -> vector<16xf32>
          %add3A_385 = arith.addf %add3A_365, %unpack3A_383 : vector<16xf32>
          %add3A_386 = arith.addf %add3A_366, %unpack3A_384 : vector<16xf32>
          %add3A_387 = arith.addi %broadcast_in_dim3A_359, %and3A_25 : vector<16xi32>
          %gather3A_388 = tpu.vector_load_idx %arg12[%add3A_338, %add3A_387] : memref<80x64xi32, #tpu.memory_space<vmem>>[vector<16xi32>, vector<16xi32>], vector<16xi32>,
          %gather3A_389 = tpu.vector_load_idx %arg14[%add3A_338, %add3A_387] : memref<80x64xi32, #tpu.memory_space<vmem>>[vector<16xi32>, vector<16xi32>], vector<16xi32>,
          %bitcast3A_390 = vector.bitcast %gather3A_388 : vector<16xi32> to vector<32xbf16>
          %bitcast3A_391 = vector.bitcast %gather3A_389 : vector<16xi32> to vector<32xbf16>
          %mul3A_392 = arith.mulf %bitcast3A_390, %bitcast3A_391 : vector<32xbf16>
          %unpack3A_393 = tpu.unpack_subelements %mul3A_392, 0 {pack_format = #tpu.pack_format<interleaved>} : vector<32xbf16> -> vector<16xf32>
          %unpack3A_394 = tpu.unpack_subelements %mul3A_392, 1 {pack_format = #tpu.pack_format<interleaved>} : vector<32xbf16> -> vector<16xf32>
          %add3A_395 = arith.addf %add3A_375, %unpack3A_393 : vector<16xf32>
          %add3A_396 = arith.addf %add3A_376, %unpack3A_394 : vector<16xf32>
          %add3A_397 = arith.addi %broadcast_in_dim3A_359, %and3A_31 : vector<16xi32>
          %gather3A_398 = tpu.vector_load_idx %arg12[%add3A_338, %add3A_397] : memref<80x64xi32, #tpu.memory_space<vmem>>[vector<16xi32>, vector<16xi32>], vector<16xi32>,
          %gather3A_399 = tpu.vector_load_idx %arg14[%add3A_338, %add3A_397] : memref<80x64xi32, #tpu.memory_space<vmem>>[vector<16xi32>, vector<16xi32>], vector<16xi32>,
          %bitcast3A_400 = vector.bitcast %gather3A_398 : vector<16xi32> to vector<32xbf16>
          %bitcast3A_401 = vector.bitcast %gather3A_399 : vector<16xi32> to vector<32xbf16>
          %mul3A_402 = arith.mulf %bitcast3A_400, %bitcast3A_401 : vector<32xbf16>
          %unpack3A_403 = tpu.unpack_subelements %mul3A_402, 0 {pack_format = #tpu.pack_format<interleaved>} : vector<32xbf16> -> vector<16xf32>
          %unpack3A_404 = tpu.unpack_subelements %mul3A_402, 1 {pack_format = #tpu.pack_format<interleaved>} : vector<32xbf16> -> vector<16xf32>
          %add3A_405 = arith.addf %add3A_385, %unpack3A_403 : vector<16xf32>
          %add3A_406 = arith.addf %add3A_386, %unpack3A_404 : vector<16xf32>
          %add3A_407 = arith.addi %broadcast_in_dim3A_359, %and3A_37 : vector<16xi32>
          %gather3A_408 = tpu.vector_load_idx %arg12[%add3A_338, %add3A_407] : memref<80x64xi32, #tpu.memory_space<vmem>>[vector<16xi32>, vector<16xi32>], vector<16xi32>,
          %gather3A_409 = tpu.vector_load_idx %arg14[%add3A_338, %add3A_407] : memref<80x64xi32, #tpu.memory_space<vmem>>[vector<16xi32>, vector<16xi32>], vector<16xi32>,
          %bitcast3A_410 = vector.bitcast %gather3A_408 : vector<16xi32> to vector<32xbf16>
          %bitcast3A_411 = vector.bitcast %gather3A_409 : vector<16xi32> to vector<32xbf16>
          %mul3A_412 = arith.mulf %bitcast3A_410, %bitcast3A_411 : vector<32xbf16>
          %unpack3A_413 = tpu.unpack_subelements %mul3A_412, 0 {pack_format = #tpu.pack_format<interleaved>} : vector<32xbf16> -> vector<16xf32>
          %unpack3A_414 = tpu.unpack_subelements %mul3A_412, 1 {pack_format = #tpu.pack_format<interleaved>} : vector<32xbf16> -> vector<16xf32>
          %add3A_415 = arith.addf %add3A_395, %unpack3A_413 : vector<16xf32>
          %add3A_416 = arith.addf %add3A_396, %unpack3A_414 : vector<16xf32>
          %add3A_417 = arith.addi %broadcast_in_dim3A_359, %and3A_43 : vector<16xi32>
          %gather3A_418 = tpu.vector_load_idx %arg12[%add3A_338, %add3A_417] : memref<80x64xi32, #tpu.memory_space<vmem>>[vector<16xi32>, vector<16xi32>], vector<16xi32>,
          %gather3A_419 = tpu.vector_load_idx %arg14[%add3A_338, %add3A_417] : memref<80x64xi32, #tpu.memory_space<vmem>>[vector<16xi32>, vector<16xi32>], vector<16xi32>,
          %bitcast3A_420 = vector.bitcast %gather3A_418 : vector<16xi32> to vector<32xbf16>
          %bitcast3A_421 = vector.bitcast %gather3A_419 : vector<16xi32> to vector<32xbf16>
          %mul3A_422 = arith.mulf %bitcast3A_420, %bitcast3A_421 : vector<32xbf16>
          %unpack3A_423 = tpu.unpack_subelements %mul3A_422, 0 {pack_format = #tpu.pack_format<interleaved>} : vector<32xbf16> -> vector<16xf32>
          %unpack3A_424 = tpu.unpack_subelements %mul3A_422, 1 {pack_format = #tpu.pack_format<interleaved>} : vector<32xbf16> -> vector<16xf32>
          %add3A_425 = arith.addf %add3A_405, %unpack3A_423 : vector<16xf32>
          %add3A_426 = arith.addf %add3A_406, %unpack3A_424 : vector<16xf32>
          %add3A_427 = arith.addi %broadcast_in_dim3A_359, %and3A_49 : vector<16xi32>
          %gather3A_428 = tpu.vector_load_idx %arg12[%add3A_338, %add3A_427] : memref<80x64xi32, #tpu.memory_space<vmem>>[vector<16xi32>, vector<16xi32>], vector<16xi32>,
          %gather3A_429 = tpu.vector_load_idx %arg14[%add3A_338, %add3A_427] : memref<80x64xi32, #tpu.memory_space<vmem>>[vector<16xi32>, vector<16xi32>], vector<16xi32>,
          %bitcast3A_430 = vector.bitcast %gather3A_428 : vector<16xi32> to vector<32xbf16>
          %bitcast3A_431 = vector.bitcast %gather3A_429 : vector<16xi32> to vector<32xbf16>
          %mul3A_432 = arith.mulf %bitcast3A_430, %bitcast3A_431 : vector<32xbf16>
          %unpack3A_433 = tpu.unpack_subelements %mul3A_432, 0 {pack_format = #tpu.pack_format<interleaved>} : vector<32xbf16> -> vector<16xf32>
          %unpack3A_434 = tpu.unpack_subelements %mul3A_432, 1 {pack_format = #tpu.pack_format<interleaved>} : vector<32xbf16> -> vector<16xf32>
          %add3A_435 = arith.addf %add3A_415, %unpack3A_433 : vector<16xf32>
          %add3A_436 = arith.addf %add3A_416, %unpack3A_434 : vector<16xf32>
          %add3A_437 = arith.addi %broadcast_in_dim3A_359, %and3A_55 : vector<16xi32>
          %gather3A_438 = tpu.vector_load_idx %arg12[%add3A_338, %add3A_437] : memref<80x64xi32, #tpu.memory_space<vmem>>[vector<16xi32>, vector<16xi32>], vector<16xi32>,
          %gather3A_439 = tpu.vector_load_idx %arg14[%add3A_338, %add3A_437] : memref<80x64xi32, #tpu.memory_space<vmem>>[vector<16xi32>, vector<16xi32>], vector<16xi32>,
          %bitcast3A_440 = vector.bitcast %gather3A_438 : vector<16xi32> to vector<32xbf16>
          %bitcast3A_441 = vector.bitcast %gather3A_439 : vector<16xi32> to vector<32xbf16>
          %mul3A_442 = arith.mulf %bitcast3A_440, %bitcast3A_441 : vector<32xbf16>
          %unpack3A_443 = tpu.unpack_subelements %mul3A_442, 0 {pack_format = #tpu.pack_format<interleaved>} : vector<32xbf16> -> vector<16xf32>
          %unpack3A_444 = tpu.unpack_subelements %mul3A_442, 1 {pack_format = #tpu.pack_format<interleaved>} : vector<32xbf16> -> vector<16xf32>
          %add3A_445 = arith.addf %add3A_425, %unpack3A_443 : vector<16xf32>
          %add3A_446 = arith.addf %add3A_426, %unpack3A_444 : vector<16xf32>
          %add3A_447 = arith.addi %broadcast_in_dim3A_359, %and3A_61 : vector<16xi32>
          %gather3A_448 = tpu.vector_load_idx %arg12[%add3A_338, %add3A_447] : memref<80x64xi32, #tpu.memory_space<vmem>>[vector<16xi32>, vector<16xi32>], vector<16xi32>,
          %gather3A_449 = tpu.vector_load_idx %arg14[%add3A_338, %add3A_447] : memref<80x64xi32, #tpu.memory_space<vmem>>[vector<16xi32>, vector<16xi32>], vector<16xi32>,
          %bitcast3A_450 = vector.bitcast %gather3A_448 : vector<16xi32> to vector<32xbf16>
          %bitcast3A_451 = vector.bitcast %gather3A_449 : vector<16xi32> to vector<32xbf16>
          %mul3A_452 = arith.mulf %bitcast3A_450, %bitcast3A_451 : vector<32xbf16>
          %unpack3A_453 = tpu.unpack_subelements %mul3A_452, 0 {pack_format = #tpu.pack_format<interleaved>} : vector<32xbf16> -> vector<16xf32>
          %unpack3A_454 = tpu.unpack_subelements %mul3A_452, 1 {pack_format = #tpu.pack_format<interleaved>} : vector<32xbf16> -> vector<16xf32>
          %add3A_455 = arith.addf %add3A_435, %unpack3A_453 : vector<16xf32>
          %add3A_456 = arith.addf %add3A_436, %unpack3A_454 : vector<16xf32>
          %add3A_457 = arith.addi %broadcast_in_dim3A_359, %and3A_67 : vector<16xi32>
          %gather3A_458 = tpu.vector_load_idx %arg12[%add3A_338, %add3A_457] : memref<80x64xi32, #tpu.memory_space<vmem>>[vector<16xi32>, vector<16xi32>], vector<16xi32>,
          %gather3A_459 = tpu.vector_load_idx %arg14[%add3A_338, %add3A_457] : memref<80x64xi32, #tpu.memory_space<vmem>>[vector<16xi32>, vector<16xi32>], vector<16xi32>,
          %bitcast3A_460 = vector.bitcast %gather3A_458 : vector<16xi32> to vector<32xbf16>
          %bitcast3A_461 = vector.bitcast %gather3A_459 : vector<16xi32> to vector<32xbf16>
          %mul3A_462 = arith.mulf %bitcast3A_460, %bitcast3A_461 : vector<32xbf16>
          %unpack3A_463 = tpu.unpack_subelements %mul3A_462, 0 {pack_format = #tpu.pack_format<interleaved>} : vector<32xbf16> -> vector<16xf32>
          %unpack3A_464 = tpu.unpack_subelements %mul3A_462, 1 {pack_format = #tpu.pack_format<interleaved>} : vector<32xbf16> -> vector<16xf32>
          %add3A_465 = arith.addf %add3A_445, %unpack3A_463 : vector<16xf32>
          %add3A_466 = arith.addf %add3A_446, %unpack3A_464 : vector<16xf32>
          %add3A_467 = arith.addi %broadcast_in_dim3A_359, %and3A_73 : vector<16xi32>
          %gather3A_468 = tpu.vector_load_idx %arg12[%add3A_338, %add3A_467] : memref<80x64xi32, #tpu.memory_space<vmem>>[vector<16xi32>, vector<16xi32>], vector<16xi32>,
          %gather3A_469 = tpu.vector_load_idx %arg14[%add3A_338, %add3A_467] : memref<80x64xi32, #tpu.memory_space<vmem>>[vector<16xi32>, vector<16xi32>], vector<16xi32>,
          %bitcast3A_470 = vector.bitcast %gather3A_468 : vector<16xi32> to vector<32xbf16>
          %bitcast3A_471 = vector.bitcast %gather3A_469 : vector<16xi32> to vector<32xbf16>
          %mul3A_472 = arith.mulf %bitcast3A_470, %bitcast3A_471 : vector<32xbf16>
          %unpack3A_473 = tpu.unpack_subelements %mul3A_472, 0 {pack_format = #tpu.pack_format<interleaved>} : vector<32xbf16> -> vector<16xf32>
          %unpack3A_474 = tpu.unpack_subelements %mul3A_472, 1 {pack_format = #tpu.pack_format<interleaved>} : vector<32xbf16> -> vector<16xf32>
          %add3A_475 = arith.addf %add3A_455, %unpack3A_473 : vector<16xf32>
          %add3A_476 = arith.addf %add3A_456, %unpack3A_474 : vector<16xf32>
          %add3A_477 = arith.addi %broadcast_in_dim3A_359, %and3A_79 : vector<16xi32>
          %gather3A_478 = tpu.vector_load_idx %arg12[%add3A_338, %add3A_477] : memref<80x64xi32, #tpu.memory_space<vmem>>[vector<16xi32>, vector<16xi32>], vector<16xi32>,
          %gather3A_479 = tpu.vector_load_idx %arg14[%add3A_338, %add3A_477] : memref<80x64xi32, #tpu.memory_space<vmem>>[vector<16xi32>, vector<16xi32>], vector<16xi32>,
          %bitcast3A_480 = vector.bitcast %gather3A_478 : vector<16xi32> to vector<32xbf16>
          %bitcast3A_481 = vector.bitcast %gather3A_479 : vector<16xi32> to vector<32xbf16>
          %mul3A_482 = arith.mulf %bitcast3A_480, %bitcast3A_481 : vector<32xbf16>
          %unpack3A_483 = tpu.unpack_subelements %mul3A_482, 0 {pack_format = #tpu.pack_format<interleaved>} : vector<32xbf16> -> vector<16xf32>
          %unpack3A_484 = tpu.unpack_subelements %mul3A_482, 1 {pack_format = #tpu.pack_format<interleaved>} : vector<32xbf16> -> vector<16xf32>
          %add3A_485 = arith.addf %add3A_465, %unpack3A_483 : vector<16xf32>
          %add3A_486 = arith.addf %add3A_466, %unpack3A_484 : vector<16xf32>
          %add3A_487 = arith.addi %broadcast_in_dim3A_359, %and3A_85 : vector<16xi32>
          %gather3A_488 = tpu.vector_load_idx %arg12[%add3A_338, %add3A_487] : memref<80x64xi32, #tpu.memory_space<vmem>>[vector<16xi32>, vector<16xi32>], vector<16xi32>,
          %gather3A_489 = tpu.vector_load_idx %arg14[%add3A_338, %add3A_487] : memref<80x64xi32, #tpu.memory_space<vmem>>[vector<16xi32>, vector<16xi32>], vector<16xi32>,
          %bitcast3A_490 = vector.bitcast %gather3A_488 : vector<16xi32> to vector<32xbf16>
          %bitcast3A_491 = vector.bitcast %gather3A_489 : vector<16xi32> to vector<32xbf16>
          %mul3A_492 = arith.mulf %bitcast3A_490, %bitcast3A_491 : vector<32xbf16>
          %unpack3A_493 = tpu.unpack_subelements %mul3A_492, 0 {pack_format = #tpu.pack_format<interleaved>} : vector<32xbf16> -> vector<16xf32>
          %unpack3A_494 = tpu.unpack_subelements %mul3A_492, 1 {pack_format = #tpu.pack_format<interleaved>} : vector<32xbf16> -> vector<16xf32>
          %add3A_495 = arith.addf %add3A_475, %unpack3A_493 : vector<16xf32>
          %add3A_496 = arith.addf %add3A_476, %unpack3A_494 : vector<16xf32>
          %add3A_497 = arith.addi %broadcast_in_dim3A_359, %and3A_91 : vector<16xi32>
          %gather3A_498 = tpu.vector_load_idx %arg12[%add3A_338, %add3A_497] : memref<80x64xi32, #tpu.memory_space<vmem>>[vector<16xi32>, vector<16xi32>], vector<16xi32>,
          %gather3A_499 = tpu.vector_load_idx %arg14[%add3A_338, %add3A_497] : memref<80x64xi32, #tpu.memory_space<vmem>>[vector<16xi32>, vector<16xi32>], vector<16xi32>,
          %bitcast3A_500 = vector.bitcast %gather3A_498 : vector<16xi32> to vector<32xbf16>
          %bitcast3A_501 = vector.bitcast %gather3A_499 : vector<16xi32> to vector<32xbf16>
          %mul3A_502 = arith.mulf %bitcast3A_500, %bitcast3A_501 : vector<32xbf16>
          %unpack3A_503 = tpu.unpack_subelements %mul3A_502, 0 {pack_format = #tpu.pack_format<interleaved>} : vector<32xbf16> -> vector<16xf32>
          %unpack3A_504 = tpu.unpack_subelements %mul3A_502, 1 {pack_format = #tpu.pack_format<interleaved>} : vector<32xbf16> -> vector<16xf32>
          %add3A_505 = arith.addf %add3A_485, %unpack3A_503 : vector<16xf32>
          %add3A_506 = arith.addf %add3A_486, %unpack3A_504 : vector<16xf32>
          %add3A_507 = arith.addi %broadcast_in_dim3A_359, %and3A_97 : vector<16xi32>
          %gather3A_508 = tpu.vector_load_idx %arg12[%add3A_338, %add3A_507] : memref<80x64xi32, #tpu.memory_space<vmem>>[vector<16xi32>, vector<16xi32>], vector<16xi32>,
          %gather3A_509 = tpu.vector_load_idx %arg14[%add3A_338, %add3A_507] : memref<80x64xi32, #tpu.memory_space<vmem>>[vector<16xi32>, vector<16xi32>], vector<16xi32>,
          %bitcast3A_510 = vector.bitcast %gather3A_508 : vector<16xi32> to vector<32xbf16>
          %bitcast3A_511 = vector.bitcast %gather3A_509 : vector<16xi32> to vector<32xbf16>
          %mul3A_512 = arith.mulf %bitcast3A_510, %bitcast3A_511 : vector<32xbf16>
          %unpack3A_513 = tpu.unpack_subelements %mul3A_512, 0 {pack_format = #tpu.pack_format<interleaved>} : vector<32xbf16> -> vector<16xf32>
          %unpack3A_514 = tpu.unpack_subelements %mul3A_512, 1 {pack_format = #tpu.pack_format<interleaved>} : vector<32xbf16> -> vector<16xf32>
          %add3A_515 = arith.addf %add3A_495, %unpack3A_513 : vector<16xf32>
          %add3A_516 = arith.addf %add3A_496, %unpack3A_514 : vector<16xf32>
          scf.yield %add3A_505, %add3A_506, %add3A_515, %add3A_516 : vector<16xf32>, vector<16xf32>, vector<16xf32>, vector<16xf32>
        }
        %scan3A_345 = arith.constant 4 : i32
        %add3A_346 = arith.addf %scan3A_344#0, %scan3A_344#1 : vector<16xf32>
        %add3A_347 = arith.addf %scan3A_344#2, %scan3A_344#3 : vector<16xf32>
        %add3A_348 = arith.addf %add3A_346, %add3A_347 : vector<16xf32>
        %mul3A_349 = arith.constant 16 : i32
        %mul3A_350 = arith.muli %scan3A_334, %mul3A_349 : i32
        %swap3A = arith.index_cast %mul3A_350 : i32 to index
        %swap3A_351 = tpu.vector_load %arg16[%swap3A] {strides = array<i32>} : memref<80xf32, #tpu.memory_space<vmem>>, vector<16xf32>,
        tpu.vector_store %arg16[%swap3A], %add3A_348 {strides = array<i32>} : memref<80xf32, #tpu.memory_space<vmem>>, vector<16xf32>,
      }
      %scan3A_328 = arith.constant 5 : i32
      %mul3A_329 = arith.constant 80 : i32
      %mul3A_330 = arith.muli %add3A_296, %mul3A_329 : i32
      %add3A_331 = arith.addi %mul3A_2, %mul3A_330 : i32
      %dma_start3A_332 = tpu.memref_slice %arg4[%add3A_331] : memref<320000xf32, #tpu.memory_space<hbm>> -> memref<80xf32, #tpu.memory_space<hbm>>
      %dma_start3A_333 = tpu.memref_slice %arg4[%add3A_331] : memref<320000xf32, #tpu.memory_space<hbm>> -> memref<80xf32, #tpu.memory_space<hbm>>
      tpu.enqueue_dma source(%arg16 : memref<80xf32, #tpu.memory_space<vmem>>) target(%dma_start3A_333 : memref<80xf32, #tpu.memory_space<hbm>>) target_semaphore(%arg23 : memref<!tpu.dma_semaphore, #tpu.memory_space<semaphore_mem>>)
    }
    %scan3A_226 = arith.constant 62 : i32
    %dma_wait3A_227 = arith.constant 0 : i32
    %dma_wait3A_228 = tpu.memref_slice %arg9[%dma_wait3A_227] : memref<10000xi32, #tpu.memory_space<vmem>> -> memref<80xi32, #tpu.memory_space<vmem>>
    %dma_wait3A_229 = arith.constant 0 : i32
    %dma_wait3A_230 = arith.constant 0 : i32
    %dma_wait3A_231 = tpu.memref_slice %arg5[%dma_wait3A_229, %dma_wait3A_230] : memref<10000x64xi32, #tpu.memory_space<vmem_shared>> -> memref<10000x64xi32, #tpu.memory_space<vmem_shared>>
    tpu.wait_indirect_dma semaphore(%arg20 : memref<!tpu.dma_semaphore, #tpu.memory_space<semaphore_mem>>) src(%dma_wait3A_231 : memref<10000x64xi32, #tpu.memory_space<vmem_shared>>) dst(%arg11 : memref<80x64xi32, #tpu.memory_space<vmem>>)
    %dma_wait3A_232 = arith.constant 0 : i32
    %dma_wait3A_233 = tpu.memref_slice %arg10[%dma_wait3A_232] : memref<10000xi32, #tpu.memory_space<vmem>> -> memref<80xi32, #tpu.memory_space<vmem>>
    %dma_wait3A_234 = arith.constant 0 : i32
    %dma_wait3A_235 = arith.constant 0 : i32
    %dma_wait3A_236 = tpu.memref_slice %arg5[%dma_wait3A_234, %dma_wait3A_235] : memref<10000x64xi32, #tpu.memory_space<vmem_shared>> -> memref<10000x64xi32, #tpu.memory_space<vmem_shared>>
    tpu.wait_indirect_dma semaphore(%arg20 : memref<!tpu.dma_semaphore, #tpu.memory_space<semaphore_mem>>) src(%dma_wait3A_236 : memref<10000x64xi32, #tpu.memory_space<vmem_shared>>) dst(%arg13 : memref<80x64xi32, #tpu.memory_space<vmem>>)
    %dma_wait3A_237 = tpu.memref_slice %arg4[%mul3A_2] : memref<320000xf32, #tpu.memory_space<hbm>> -> memref<80xf32, #tpu.memory_space<hbm>>
    %dma_wait3A_238 = tpu.memref_slice %arg4[%mul3A_2] : memref<320000xf32, #tpu.memory_space<hbm>> -> memref<80xf32, #tpu.memory_space<hbm>>
    tpu.wait_dma2 semaphore(%arg22 : memref<!tpu.dma_semaphore, #tpu.memory_space<semaphore_mem>>) src(%arg15 : memref<80xf32, #tpu.memory_space<vmem>>) dst(%dma_wait3A_238 : memref<80xf32, #tpu.memory_space<hbm>>)
    %scan3A_239 = arith.constant 0 : i32
    %scan3A_240 = arith.constant 0 : i32
    %scan3A_241 = arith.constant 5 : i32
    %scan3A_242 = arith.addi %scan3A_240, %scan3A_241 : i32
    %scan3A_243 = arith.constant 1 : i32
    scf.for %scan3A_253 = %scan3A_240 to %scan3A_242 step %scan3A_243  : i32 {
      %mul3A_254 = arith.constant 16 : i32
      %mul3A_255 = arith.muli %scan3A_253, %mul3A_254 : i32
      %add3A_256 = vector.broadcast %mul3A_255 : i32 to vector<16xi32>
      %add3A_257 = arith.addi %add3A_256, %iota3A : vector<16xi32>
      %broadcast_in_dim3A = arith.constant 0.000000e+00 : f32
      %broadcast_in_dim3A_258 = vector.broadcast %broadcast_in_dim3A : f32 to vector<16xf32>
      %scan3A_259 = arith.constant 0 : i32
      %scan3A_260 = arith.constant 4 : i32
      %scan3A_261 = arith.addi %scan3A_259, %scan3A_260 : i32
      %scan3A_262 = arith.constant 1 : i32
      %scan3A_263:4 = scf.for %scan3A_271 = %scan3A_259 to %scan3A_261 step %scan3A_262 iter_args(%scan3A_272 = %broadcast_in_dim3A_258, %scan3A_273 = %broadcast_in_dim3A_258, %scan3A_274 = %broadcast_in_dim3A_258, %scan3A_275 = %broadcast_in_dim3A_258) -> (vector<16xf32>, vector<16xf32>, vector<16xf32>, vector<16xf32>)  : i32 {
        %mul3A_276 = arith.constant 16 : i32
        %mul3A_277 = arith.muli %scan3A_271, %mul3A_276 : i32
        %broadcast_in_dim3A_278 = vector.broadcast %mul3A_277 : i32 to vector<16xi32>
        %add3A_279 = arith.addi %broadcast_in_dim3A_278, %and3A_7 : vector<16xi32>
        %gather3A = tpu.vector_load_idx %arg11[%add3A_257, %add3A_279] : memref<80x64xi32, #tpu.memory_space<vmem>>[vector<16xi32>, vector<16xi32>], vector<16xi32>,
        %gather3A_280 = tpu.vector_load_idx %arg13[%add3A_257, %add3A_279] : memref<80x64xi32, #tpu.memory_space<vmem>>[vector<16xi32>, vector<16xi32>], vector<16xi32>,
        %bitcast3A = vector.bitcast %gather3A : vector<16xi32> to vector<32xbf16>
        %bitcast3A_281 = vector.bitcast %gather3A_280 : vector<16xi32> to vector<32xbf16>
        %mul3A_282 = arith.mulf %bitcast3A, %bitcast3A_281 : vector<32xbf16>
        %unpack3A = tpu.unpack_subelements %mul3A_282, 0 {pack_format = #tpu.pack_format<interleaved>} : vector<32xbf16> -> vector<16xf32>
        %unpack3A_283 = tpu.unpack_subelements %mul3A_282, 1 {pack_format = #tpu.pack_format<interleaved>} : vector<32xbf16> -> vector<16xf32>
        %add3A_284 = arith.addf %scan3A_272, %unpack3A : vector<16xf32>
        %add3A_285 = arith.addf %scan3A_273, %unpack3A_283 : vector<16xf32>
        %add3A_286 = arith.addi %broadcast_in_dim3A_278, %and3A_13 : vector<16xi32>
        %gather3A_287 = tpu.vector_load_idx %arg11[%add3A_257, %add3A_286] : memref<80x64xi32, #tpu.memory_space<vmem>>[vector<16xi32>, vector<16xi32>], vector<16xi32>,
        %gather3A_288 = tpu.vector_load_idx %arg13[%add3A_257, %add3A_286] : memref<80x64xi32, #tpu.memory_space<vmem>>[vector<16xi32>, vector<16xi32>], vector<16xi32>,
        %bitcast3A_289 = vector.bitcast %gather3A_287 : vector<16xi32> to vector<32xbf16>
        %bitcast3A_290 = vector.bitcast %gather3A_288 : vector<16xi32> to vector<32xbf16>
        %mul3A_291 = arith.mulf %bitcast3A_289, %bitcast3A_290 : vector<32xbf16>
        %unpack3A_292 = tpu.unpack_subelements %mul3A_291, 0 {pack_format = #tpu.pack_format<interleaved>} : vector<32xbf16> -> vector<16xf32>
        %unpack3A_293 = tpu.unpack_subelements %mul3A_291, 1 {pack_format = #tpu.pack_format<interleaved>} : vector<32xbf16> -> vector<16xf32>
        %add3A_294 = arith.addf %scan3A_274, %unpack3A_292 : vector<16xf32>
        %add3A_295 = arith.addf %scan3A_275, %unpack3A_293 : vector<16xf32>
        %add3A_296 = arith.addi %broadcast_in_dim3A_278, %and3A_19 : vector<16xi32>
        %gather3A_297 = tpu.vector_load_idx %arg11[%add3A_257, %add3A_296] : memref<80x64xi32, #tpu.memory_space<vmem>>[vector<16xi32>, vector<16xi32>], vector<16xi32>,
        %gather3A_298 = tpu.vector_load_idx %arg13[%add3A_257, %add3A_296] : memref<80x64xi32, #tpu.memory_space<vmem>>[vector<16xi32>, vector<16xi32>], vector<16xi32>,
        %bitcast3A_299 = vector.bitcast %gather3A_297 : vector<16xi32> to vector<32xbf16>
        %bitcast3A_300 = vector.bitcast %gather3A_298 : vector<16xi32> to vector<32xbf16>
        %mul3A_301 = arith.mulf %bitcast3A_299, %bitcast3A_300 : vector<32xbf16>
        %unpack3A_302 = tpu.unpack_subelements %mul3A_301, 0 {pack_format = #tpu.pack_format<interleaved>} : vector<32xbf16> -> vector<16xf32>
        %unpack3A_303 = tpu.unpack_subelements %mul3A_301, 1 {pack_format = #tpu.pack_format<interleaved>} : vector<32xbf16> -> vector<16xf32>
        %add3A_304 = arith.addf %add3A_284, %unpack3A_302 : vector<16xf32>
        %add3A_305 = arith.addf %add3A_285, %unpack3A_303 : vector<16xf32>
        %add3A_306 = arith.addi %broadcast_in_dim3A_278, %and3A_25 : vector<16xi32>
        %gather3A_307 = tpu.vector_load_idx %arg11[%add3A_257, %add3A_306] : memref<80x64xi32, #tpu.memory_space<vmem>>[vector<16xi32>, vector<16xi32>], vector<16xi32>,
        %gather3A_308 = tpu.vector_load_idx %arg13[%add3A_257, %add3A_306] : memref<80x64xi32, #tpu.memory_space<vmem>>[vector<16xi32>, vector<16xi32>], vector<16xi32>,
        %bitcast3A_309 = vector.bitcast %gather3A_307 : vector<16xi32> to vector<32xbf16>
        %bitcast3A_310 = vector.bitcast %gather3A_308 : vector<16xi32> to vector<32xbf16>
        %mul3A_311 = arith.mulf %bitcast3A_309, %bitcast3A_310 : vector<32xbf16>
        %unpack3A_312 = tpu.unpack_subelements %mul3A_311, 0 {pack_format = #tpu.pack_format<interleaved>} : vector<32xbf16> -> vector<16xf32>
        %unpack3A_313 = tpu.unpack_subelements %mul3A_311, 1 {pack_format = #tpu.pack_format<interleaved>} : vector<32xbf16> -> vector<16xf32>
        %add3A_314 = arith.addf %add3A_294, %unpack3A_312 : vector<16xf32>
        %add3A_315 = arith.addf %add3A_295, %unpack3A_313 : vector<16xf32>
        %add3A_316 = arith.addi %broadcast_in_dim3A_278, %and3A_31 : vector<16xi32>
        %gather3A_317 = tpu.vector_load_idx %arg11[%add3A_257, %add3A_316] : memref<80x64xi32, #tpu.memory_space<vmem>>[vector<16xi32>, vector<16xi32>], vector<16xi32>,
        %gather3A_318 = tpu.vector_load_idx %arg13[%add3A_257, %add3A_316] : memref<80x64xi32, #tpu.memory_space<vmem>>[vector<16xi32>, vector<16xi32>], vector<16xi32>,
        %bitcast3A_319 = vector.bitcast %gather3A_317 : vector<16xi32> to vector<32xbf16>
        %bitcast3A_320 = vector.bitcast %gather3A_318 : vector<16xi32> to vector<32xbf16>
        %mul3A_321 = arith.mulf %bitcast3A_319, %bitcast3A_320 : vector<32xbf16>
        %unpack3A_322 = tpu.unpack_subelements %mul3A_321, 0 {pack_format = #tpu.pack_format<interleaved>} : vector<32xbf16> -> vector<16xf32>
        %unpack3A_323 = tpu.unpack_subelements %mul3A_321, 1 {pack_format = #tpu.pack_format<interleaved>} : vector<32xbf16> -> vector<16xf32>
        %add3A_324 = arith.addf %add3A_304, %unpack3A_322 : vector<16xf32>
        %add3A_325 = arith.addf %add3A_305, %unpack3A_323 : vector<16xf32>
        %add3A_326 = arith.addi %broadcast_in_dim3A_278, %and3A_37 : vector<16xi32>
        %gather3A_327 = tpu.vector_load_idx %arg11[%add3A_257, %add3A_326] : memref<80x64xi32, #tpu.memory_space<vmem>>[vector<16xi32>, vector<16xi32>], vector<16xi32>,
        %gather3A_328 = tpu.vector_load_idx %arg13[%add3A_257, %add3A_326] : memref<80x64xi32, #tpu.memory_space<vmem>>[vector<16xi32>, vector<16xi32>], vector<16xi32>,
        %bitcast3A_329 = vector.bitcast %gather3A_327 : vector<16xi32> to vector<32xbf16>
        %bitcast3A_330 = vector.bitcast %gather3A_328 : vector<16xi32> to vector<32xbf16>
        %mul3A_331 = arith.mulf %bitcast3A_329, %bitcast3A_330 : vector<32xbf16>
        %unpack3A_332 = tpu.unpack_subelements %mul3A_331, 0 {pack_format = #tpu.pack_format<interleaved>} : vector<32xbf16> -> vector<16xf32>
        %unpack3A_333 = tpu.unpack_subelements %mul3A_331, 1 {pack_format = #tpu.pack_format<interleaved>} : vector<32xbf16> -> vector<16xf32>
        %add3A_334 = arith.addf %add3A_314, %unpack3A_332 : vector<16xf32>
        %add3A_335 = arith.addf %add3A_315, %unpack3A_333 : vector<16xf32>
        %add3A_336 = arith.addi %broadcast_in_dim3A_278, %and3A_43 : vector<16xi32>
        %gather3A_337 = tpu.vector_load_idx %arg11[%add3A_257, %add3A_336] : memref<80x64xi32, #tpu.memory_space<vmem>>[vector<16xi32>, vector<16xi32>], vector<16xi32>,
        %gather3A_338 = tpu.vector_load_idx %arg13[%add3A_257, %add3A_336] : memref<80x64xi32, #tpu.memory_space<vmem>>[vector<16xi32>, vector<16xi32>], vector<16xi32>,
        %bitcast3A_339 = vector.bitcast %gather3A_337 : vector<16xi32> to vector<32xbf16>
        %bitcast3A_340 = vector.bitcast %gather3A_338 : vector<16xi32> to vector<32xbf16>
        %mul3A_341 = arith.mulf %bitcast3A_339, %bitcast3A_340 : vector<32xbf16>
        %unpack3A_342 = tpu.unpack_subelements %mul3A_341, 0 {pack_format = #tpu.pack_format<interleaved>} : vector<32xbf16> -> vector<16xf32>
        %unpack3A_343 = tpu.unpack_subelements %mul3A_341, 1 {pack_format = #tpu.pack_format<interleaved>} : vector<32xbf16> -> vector<16xf32>
        %add3A_344 = arith.addf %add3A_324, %unpack3A_342 : vector<16xf32>
        %add3A_345 = arith.addf %add3A_325, %unpack3A_343 : vector<16xf32>
        %add3A_346 = arith.addi %broadcast_in_dim3A_278, %and3A_49 : vector<16xi32>
        %gather3A_347 = tpu.vector_load_idx %arg11[%add3A_257, %add3A_346] : memref<80x64xi32, #tpu.memory_space<vmem>>[vector<16xi32>, vector<16xi32>], vector<16xi32>,
        %gather3A_348 = tpu.vector_load_idx %arg13[%add3A_257, %add3A_346] : memref<80x64xi32, #tpu.memory_space<vmem>>[vector<16xi32>, vector<16xi32>], vector<16xi32>,
        %bitcast3A_349 = vector.bitcast %gather3A_347 : vector<16xi32> to vector<32xbf16>
        %bitcast3A_350 = vector.bitcast %gather3A_348 : vector<16xi32> to vector<32xbf16>
        %mul3A_351 = arith.mulf %bitcast3A_349, %bitcast3A_350 : vector<32xbf16>
        %unpack3A_352 = tpu.unpack_subelements %mul3A_351, 0 {pack_format = #tpu.pack_format<interleaved>} : vector<32xbf16> -> vector<16xf32>
        %unpack3A_353 = tpu.unpack_subelements %mul3A_351, 1 {pack_format = #tpu.pack_format<interleaved>} : vector<32xbf16> -> vector<16xf32>
        %add3A_354 = arith.addf %add3A_334, %unpack3A_352 : vector<16xf32>
        %add3A_355 = arith.addf %add3A_335, %unpack3A_353 : vector<16xf32>
        %add3A_356 = arith.addi %broadcast_in_dim3A_278, %and3A_55 : vector<16xi32>
        %gather3A_357 = tpu.vector_load_idx %arg11[%add3A_257, %add3A_356] : memref<80x64xi32, #tpu.memory_space<vmem>>[vector<16xi32>, vector<16xi32>], vector<16xi32>,
        %gather3A_358 = tpu.vector_load_idx %arg13[%add3A_257, %add3A_356] : memref<80x64xi32, #tpu.memory_space<vmem>>[vector<16xi32>, vector<16xi32>], vector<16xi32>,
        %bitcast3A_359 = vector.bitcast %gather3A_357 : vector<16xi32> to vector<32xbf16>
        %bitcast3A_360 = vector.bitcast %gather3A_358 : vector<16xi32> to vector<32xbf16>
        %mul3A_361 = arith.mulf %bitcast3A_359, %bitcast3A_360 : vector<32xbf16>
        %unpack3A_362 = tpu.unpack_subelements %mul3A_361, 0 {pack_format = #tpu.pack_format<interleaved>} : vector<32xbf16> -> vector<16xf32>
        %unpack3A_363 = tpu.unpack_subelements %mul3A_361, 1 {pack_format = #tpu.pack_format<interleaved>} : vector<32xbf16> -> vector<16xf32>
        %add3A_364 = arith.addf %add3A_344, %unpack3A_362 : vector<16xf32>
        %add3A_365 = arith.addf %add3A_345, %unpack3A_363 : vector<16xf32>
        %add3A_366 = arith.addi %broadcast_in_dim3A_278, %and3A_61 : vector<16xi32>
        %gather3A_367 = tpu.vector_load_idx %arg11[%add3A_257, %add3A_366] : memref<80x64xi32, #tpu.memory_space<vmem>>[vector<16xi32>, vector<16xi32>], vector<16xi32>,
        %gather3A_368 = tpu.vector_load_idx %arg13[%add3A_257, %add3A_366] : memref<80x64xi32, #tpu.memory_space<vmem>>[vector<16xi32>, vector<16xi32>], vector<16xi32>,
        %bitcast3A_369 = vector.bitcast %gather3A_367 : vector<16xi32> to vector<32xbf16>
        %bitcast3A_370 = vector.bitcast %gather3A_368 : vector<16xi32> to vector<32xbf16>
        %mul3A_371 = arith.mulf %bitcast3A_369, %bitcast3A_370 : vector<32xbf16>
        %unpack3A_372 = tpu.unpack_subelements %mul3A_371, 0 {pack_format = #tpu.pack_format<interleaved>} : vector<32xbf16> -> vector<16xf32>
        %unpack3A_373 = tpu.unpack_subelements %mul3A_371, 1 {pack_format = #tpu.pack_format<interleaved>} : vector<32xbf16> -> vector<16xf32>
        %add3A_374 = arith.addf %add3A_354, %unpack3A_372 : vector<16xf32>
        %add3A_375 = arith.addf %add3A_355, %unpack3A_373 : vector<16xf32>
        %add3A_376 = arith.addi %broadcast_in_dim3A_278, %and3A_67 : vector<16xi32>
        %gather3A_377 = tpu.vector_load_idx %arg11[%add3A_257, %add3A_376] : memref<80x64xi32, #tpu.memory_space<vmem>>[vector<16xi32>, vector<16xi32>], vector<16xi32>,
        %gather3A_378 = tpu.vector_load_idx %arg13[%add3A_257, %add3A_376] : memref<80x64xi32, #tpu.memory_space<vmem>>[vector<16xi32>, vector<16xi32>], vector<16xi32>,
        %bitcast3A_379 = vector.bitcast %gather3A_377 : vector<16xi32> to vector<32xbf16>
        %bitcast3A_380 = vector.bitcast %gather3A_378 : vector<16xi32> to vector<32xbf16>
        %mul3A_381 = arith.mulf %bitcast3A_379, %bitcast3A_380 : vector<32xbf16>
        %unpack3A_382 = tpu.unpack_subelements %mul3A_381, 0 {pack_format = #tpu.pack_format<interleaved>} : vector<32xbf16> -> vector<16xf32>
        %unpack3A_383 = tpu.unpack_subelements %mul3A_381, 1 {pack_format = #tpu.pack_format<interleaved>} : vector<32xbf16> -> vector<16xf32>
        %add3A_384 = arith.addf %add3A_364, %unpack3A_382 : vector<16xf32>
        %add3A_385 = arith.addf %add3A_365, %unpack3A_383 : vector<16xf32>
        %add3A_386 = arith.addi %broadcast_in_dim3A_278, %and3A_73 : vector<16xi32>
        %gather3A_387 = tpu.vector_load_idx %arg11[%add3A_257, %add3A_386] : memref<80x64xi32, #tpu.memory_space<vmem>>[vector<16xi32>, vector<16xi32>], vector<16xi32>,
        %gather3A_388 = tpu.vector_load_idx %arg13[%add3A_257, %add3A_386] : memref<80x64xi32, #tpu.memory_space<vmem>>[vector<16xi32>, vector<16xi32>], vector<16xi32>,
        %bitcast3A_389 = vector.bitcast %gather3A_387 : vector<16xi32> to vector<32xbf16>
        %bitcast3A_390 = vector.bitcast %gather3A_388 : vector<16xi32> to vector<32xbf16>
        %mul3A_391 = arith.mulf %bitcast3A_389, %bitcast3A_390 : vector<32xbf16>
        %unpack3A_392 = tpu.unpack_subelements %mul3A_391, 0 {pack_format = #tpu.pack_format<interleaved>} : vector<32xbf16> -> vector<16xf32>
        %unpack3A_393 = tpu.unpack_subelements %mul3A_391, 1 {pack_format = #tpu.pack_format<interleaved>} : vector<32xbf16> -> vector<16xf32>
        %add3A_394 = arith.addf %add3A_374, %unpack3A_392 : vector<16xf32>
        %add3A_395 = arith.addf %add3A_375, %unpack3A_393 : vector<16xf32>
        %add3A_396 = arith.addi %broadcast_in_dim3A_278, %and3A_79 : vector<16xi32>
        %gather3A_397 = tpu.vector_load_idx %arg11[%add3A_257, %add3A_396] : memref<80x64xi32, #tpu.memory_space<vmem>>[vector<16xi32>, vector<16xi32>], vector<16xi32>,
        %gather3A_398 = tpu.vector_load_idx %arg13[%add3A_257, %add3A_396] : memref<80x64xi32, #tpu.memory_space<vmem>>[vector<16xi32>, vector<16xi32>], vector<16xi32>,
        %bitcast3A_399 = vector.bitcast %gather3A_397 : vector<16xi32> to vector<32xbf16>
        %bitcast3A_400 = vector.bitcast %gather3A_398 : vector<16xi32> to vector<32xbf16>
        %mul3A_401 = arith.mulf %bitcast3A_399, %bitcast3A_400 : vector<32xbf16>
        %unpack3A_402 = tpu.unpack_subelements %mul3A_401, 0 {pack_format = #tpu.pack_format<interleaved>} : vector<32xbf16> -> vector<16xf32>
        %unpack3A_403 = tpu.unpack_subelements %mul3A_401, 1 {pack_format = #tpu.pack_format<interleaved>} : vector<32xbf16> -> vector<16xf32>
        %add3A_404 = arith.addf %add3A_384, %unpack3A_402 : vector<16xf32>
        %add3A_405 = arith.addf %add3A_385, %unpack3A_403 : vector<16xf32>
        %add3A_406 = arith.addi %broadcast_in_dim3A_278, %and3A_85 : vector<16xi32>
        %gather3A_407 = tpu.vector_load_idx %arg11[%add3A_257, %add3A_406] : memref<80x64xi32, #tpu.memory_space<vmem>>[vector<16xi32>, vector<16xi32>], vector<16xi32>,
        %gather3A_408 = tpu.vector_load_idx %arg13[%add3A_257, %add3A_406] : memref<80x64xi32, #tpu.memory_space<vmem>>[vector<16xi32>, vector<16xi32>], vector<16xi32>,
        %bitcast3A_409 = vector.bitcast %gather3A_407 : vector<16xi32> to vector<32xbf16>
        %bitcast3A_410 = vector.bitcast %gather3A_408 : vector<16xi32> to vector<32xbf16>
        %mul3A_411 = arith.mulf %bitcast3A_409, %bitcast3A_410 : vector<32xbf16>
        %unpack3A_412 = tpu.unpack_subelements %mul3A_411, 0 {pack_format = #tpu.pack_format<interleaved>} : vector<32xbf16> -> vector<16xf32>
        %unpack3A_413 = tpu.unpack_subelements %mul3A_411, 1 {pack_format = #tpu.pack_format<interleaved>} : vector<32xbf16> -> vector<16xf32>
        %add3A_414 = arith.addf %add3A_394, %unpack3A_412 : vector<16xf32>
        %add3A_415 = arith.addf %add3A_395, %unpack3A_413 : vector<16xf32>
        %add3A_416 = arith.addi %broadcast_in_dim3A_278, %and3A_91 : vector<16xi32>
        %gather3A_417 = tpu.vector_load_idx %arg11[%add3A_257, %add3A_416] : memref<80x64xi32, #tpu.memory_space<vmem>>[vector<16xi32>, vector<16xi32>], vector<16xi32>,
        %gather3A_418 = tpu.vector_load_idx %arg13[%add3A_257, %add3A_416] : memref<80x64xi32, #tpu.memory_space<vmem>>[vector<16xi32>, vector<16xi32>], vector<16xi32>,
        %bitcast3A_419 = vector.bitcast %gather3A_417 : vector<16xi32> to vector<32xbf16>
        %bitcast3A_420 = vector.bitcast %gather3A_418 : vector<16xi32> to vector<32xbf16>
        %mul3A_421 = arith.mulf %bitcast3A_419, %bitcast3A_420 : vector<32xbf16>
        %unpack3A_422 = tpu.unpack_subelements %mul3A_421, 0 {pack_format = #tpu.pack_format<interleaved>} : vector<32xbf16> -> vector<16xf32>
        %unpack3A_423 = tpu.unpack_subelements %mul3A_421, 1 {pack_format = #tpu.pack_format<interleaved>} : vector<32xbf16> -> vector<16xf32>
        %add3A_424 = arith.addf %add3A_404, %unpack3A_422 : vector<16xf32>
        %add3A_425 = arith.addf %add3A_405, %unpack3A_423 : vector<16xf32>
        %add3A_426 = arith.addi %broadcast_in_dim3A_278, %and3A_97 : vector<16xi32>
        %gather3A_427 = tpu.vector_load_idx %arg11[%add3A_257, %add3A_426] : memref<80x64xi32, #tpu.memory_space<vmem>>[vector<16xi32>, vector<16xi32>], vector<16xi32>,
        %gather3A_428 = tpu.vector_load_idx %arg13[%add3A_257, %add3A_426] : memref<80x64xi32, #tpu.memory_space<vmem>>[vector<16xi32>, vector<16xi32>], vector<16xi32>,
        %bitcast3A_429 = vector.bitcast %gather3A_427 : vector<16xi32> to vector<32xbf16>
        %bitcast3A_430 = vector.bitcast %gather3A_428 : vector<16xi32> to vector<32xbf16>
        %mul3A_431 = arith.mulf %bitcast3A_429, %bitcast3A_430 : vector<32xbf16>
        %unpack3A_432 = tpu.unpack_subelements %mul3A_431, 0 {pack_format = #tpu.pack_format<interleaved>} : vector<32xbf16> -> vector<16xf32>
        %unpack3A_433 = tpu.unpack_subelements %mul3A_431, 1 {pack_format = #tpu.pack_format<interleaved>} : vector<32xbf16> -> vector<16xf32>
        %add3A_434 = arith.addf %add3A_414, %unpack3A_432 : vector<16xf32>
        %add3A_435 = arith.addf %add3A_415, %unpack3A_433 : vector<16xf32>
        scf.yield %add3A_424, %add3A_425, %add3A_434, %add3A_435 : vector<16xf32>, vector<16xf32>, vector<16xf32>, vector<16xf32>
      }
      %scan3A_264 = arith.constant 4 : i32
      %add3A_265 = arith.addf %scan3A_263#0, %scan3A_263#1 : vector<16xf32>
      %add3A_266 = arith.addf %scan3A_263#2, %scan3A_263#3 : vector<16xf32>
      %add3A_267 = arith.addf %add3A_265, %add3A_266 : vector<16xf32>
      %mul3A_268 = arith.constant 16 : i32
      %mul3A_269 = arith.muli %scan3A_253, %mul3A_268 : i32
      %swap3A = arith.index_cast %mul3A_269 : i32 to index
      %swap3A_270 = tpu.vector_load %arg15[%swap3A] {strides = array<i32>} : memref<80xf32, #tpu.memory_space<vmem>>, vector<16xf32>,
      tpu.vector_store %arg15[%swap3A], %add3A_267 {strides = array<i32>} : memref<80xf32, #tpu.memory_space<vmem>>, vector<16xf32>,
    }
    %scan3A_244 = arith.constant 5 : i32
    %add3A_245 = arith.constant 9920 : i32
    %add3A_246 = arith.addi %mul3A_2, %add3A_245 : i32
    %dma_start3A_247 = tpu.memref_slice %arg4[%add3A_246] : memref<320000xf32, #tpu.memory_space<hbm>> -> memref<80xf32, #tpu.memory_space<hbm>>
    %dma_start3A_248 = tpu.memref_slice %arg4[%add3A_246] : memref<320000xf32, #tpu.memory_space<hbm>> -> memref<80xf32, #tpu.memory_space<hbm>>
    tpu.enqueue_dma source(%arg15 : memref<80xf32, #tpu.memory_space<vmem>>) target(%dma_start3A_248 : memref<80xf32, #tpu.memory_space<hbm>>) target_semaphore(%arg22 : memref<!tpu.dma_semaphore, #tpu.memory_space<semaphore_mem>>)
    %dma_wait3A_249 = tpu.memref_slice %arg4[%mul3A_2] : memref<320000xf32, #tpu.memory_space<hbm>> -> memref<80xf32, #tpu.memory_space<hbm>>
    %dma_wait3A_250 = tpu.memref_slice %arg4[%mul3A_2] : memref<320000xf32, #tpu.memory_space<hbm>> -> memref<80xf32, #tpu.memory_space<hbm>>
    tpu.wait_dma2 semaphore(%arg22 : memref<!tpu.dma_semaphore, #tpu.memory_space<semaphore_mem>>) src(%arg15 : memref<80xf32, #tpu.memory_space<vmem>>) dst(%dma_wait3A_250 : memref<80xf32, #tpu.memory_space<hbm>>)
    %dma_wait3A_251 = tpu.memref_slice %arg4[%mul3A_2] : memref<320000xf32, #tpu.memory_space<hbm>> -> memref<80xf32, #tpu.memory_space<hbm>>
    %dma_wait3A_252 = tpu.memref_slice %arg4[%mul3A_2] : memref<320000xf32, #tpu.memory_space<hbm>> -> memref<80xf32, #tpu.memory_space<hbm>>
    tpu.wait_dma2 semaphore(%arg23 : memref<!tpu.dma_semaphore, #tpu.memory_space<semaphore_mem>>) src(%arg16 : memref<80xf32, #tpu.memory_space<vmem>>) dst(%dma_wait3A_252 : memref<80xf32, #tpu.memory_space<hbm>>)
    return
  }
}

</mosaic_0001>

<sc_bundles>
// kernel: kernel.3.cloned.1.call-start
scs
__scs_entry_jumppad:
0x0: {  	(pc) =	sbr.rel $0x88, $3  }
0x1: {  	(tag) =	ssettag $0x0;
	lr =	simm.s32 $0x1  }
0x2: {  	[smem:$0x3F9F] =	sst lr;
	_ =	strace $0xD0000000  }
0x3: {  	_ = 	snop  }
0x4: {  	_ = 	snop  }
0x5: {  	_ = 	snop  }
0x6: {  	_ = 	snop  }
0x7: {  	_ = 	snop  }
__scs_overlays_trampoline_lowered:
0x8: {  	[smem:$0x3FAE] =	sst s0  }
0x9: {  	[smem:$0x3FAF] =	sst s1  }
0xa: {  	[smem:$0x3FB0] =	sst s2  }
0xb: {  	[smem:$0x3FB1] =	sst s3  }
0xc: {  	[smem:$0x3FB2] =	sst s4  }
0xd: {  	[smem:$0x3FB3] =	sst s5  }
0xe: {  	[smem:$0x3FB4] =	sst s6  }
0xf: {  	[smem:$0x3FB5] =	sst s7  }
0x10: {  	[smem:$0x3FB6] =	sst s8  }
0x11: {  	[smem:$0x3FB7] =	sst s9;
	s0 =	simm.s32 @!p0 $0x0  }
0x12: {  	s1 =	sld [smem:$0x3F9D];
	s0 =	simm.s32 @p0 $0x1  }
0x13: {  	[smem:$0x3FB8] =	sst s0;
	s0 =	simm.s32 @!p1 $0x0  }
0x14: {  	s2 =	sld [smem:$0x3F9C];
	s0 =	simm.s32 @p1 $0x1  }
0x15: {  	[smem:$0x3FB9] =	sst s0;
	s0 =	simm.s32 @!p2 $0x0  }
0x16: {  	s3 =	sld [smem:$0x3FDB];
	s0 =	simm.s32 @p2 $0x1  }
0x17: {  	s4 =	simm.s32 $0x1BF5;
	[smem:$0x3FBB] =	sst s0  }
0x18: {  	s0 =	sld [smem:$0x3F9E];
	_ =	swait.ge [sflag:s4], $0x0  }
0x19: {  	s7 =	sld [smem:$0x3F9F]  }
0x1a: {  	s8 =	sadd.s32 $0xFFFFE003, lr  }
0x1b: {  	s9 =	sadd.s32 $0xFFFFFEF7, lr;
	s5 =	simm.s32 $0xFFFFFFFF;
	p2 =	slt.u32 s8, $0xFFFFF086  }
0x1c: {  	p1 =	slt.u32 s9, $0xF7A;
	s5 =	simm.s32 @!p2 $0x0  }
0x1d: {  	s5 =	simm.s32 @p1 $0x1;
	p0 =	seq.s32 s7, s2  }
0x1e: {  	s7 =	smul.u32 @!p0 $0xF7A, s2;
	p2 =	seq.s32 @!p0 s5, $0x0  }
0x1f: {  	s9 =	smul.u32 $0xF7A, s1;
	s8 =	simm.s32 @!p0 $0x1BF5;
	p2 =	por !p2, p0  }
0x20: {  	[sflag:s8] =	ssyncset.s32 @!p0 $0xFFFFF086;
	s6 =	sadd.s32 @!p0 s3, s7;
	s7 =	simm.s32 @!p0 $0x108  }
0x21: {  	s3 =	sadd.s32 s3, s9;
	s6 =	sadd.s32 @!p0 $0x88, s6;
	s7 =	simm.s32 @p2 $0x1082  }
0x22: {  	[simem:s7], [sflag:s8] =	dma.local @!p0 [hbm:s6], $0xF7A  }
0x23: {  	s9 =	sor.u32 $0xD0000000, s2;
	s6 =	simm.s32 $0x108;
	_ =	swait.ge @!p0 [sflag:s8], $0x0  }
0x24: {  	s3 =	sadd.s32 $0x88, s3;
	s6 =	simm.s32 @!p1 $0x1082;
	[sflag:s4] =	ssyncset.s32 $0xFFFFF086  }
0x25: {  	[simem:s6], [sflag:s4] =	dma.local [hbm:s3], $0xF7A  }
0x26: {  	[smem:$0x3F9F] =	sst s1;
	(tag) =	ssettag s2;
	_ =	strace s9  }
0x27: {  	s1 =	sld [smem:$0x3FAF]  }
0x28: {  	s2 =	sld [smem:$0x3FB0]  }
0x29: {  	s4 =	sld [smem:$0x3FB2]  }
0x2a: {  	p0 =	seq.s32 s5, $0x0;
	s5 =	sld [smem:$0x3FB3]  }
0x2b: {  	s6 =	sld [smem:$0x3FB4]  }
0x2c: {  	s7 =	sld [smem:$0x3FB5]  }
0x2d: {  	s3 =	simm.s32 $0x108;
	s8 =	sld [smem:$0x3FB6]  }
0x2e: {  	s3 =	simm.s32 @!p0 $0x1082;
	s9 =	sld [smem:$0x3FB7]  }
0x2f: {  	lr =	sadd.s32 s0, s3;
	s0 =	sld [smem:$0x3FAE]  }
0x30: {  	s3 =	sld [smem:$0x3FB1]  }
0x31: {  	[smem:$0x3FBA] =	sst s10  }
0x32: {  	s10 =	sld [smem:$0x3FB8];
	_ =	sdelay $0x3  }
0x33: {  	p0 =	seq.s32 s10, $0x1;
	s10 =	sld [smem:$0x3FBA];
	_ =	sdelay $0x3  }
0x34: {  	[smem:$0x3FBA] =	sst s10  }
0x35: {  	s10 =	sld [smem:$0x3FB9];
	_ =	sdelay $0x3  }
0x36: {  	p1 =	seq.s32 s10, $0x1;
	s10 =	sld [smem:$0x3FBA];
	_ =	sdelay $0x3  }
0x37: {  	[smem:$0x3FBA] =	sst s10  }
0x38: {  	s10 =	sld [smem:$0x3FBB]  }
0x39: {  	_ = 	snop;
	(pc) =	sbr.ind lr, $3  }
0x3a: {  	_ = 	snop  }
0x3b: {  	_ = 	snop  }
0x3c: {  	p2 =	seq.s32 s10, $0x1;
	s10 =	sld [smem:$0x3FBA]  }
0x3d: {  	_ =	shalt  }
0x3e: {  	_ =	shalt  }
0x3f: {  	_ =	shalt  }
0x40: {  	_ =	shalt  }
0x41: {  	_ =	shalt  }
0x42: {  	_ =	shalt  }
0x43: {  	_ =	shalt  }
0x44: {  	_ =	shalt  }
0x45: {  	_ =	shalt  }
0x46: {  	_ =	shalt  }
0x47: {  	_ =	shalt  }
0x48: {  	_ =	shalt  }
0x49: {  	_ =	shalt  }
0x4a: {  	_ =	shalt  }
0x4b: {  	_ =	shalt  }
0x4c: {  	_ =	shalt  }
0x4d: {  	_ =	shalt  }
0x4e: {  	_ =	shalt  }
0x4f: {  	_ =	shalt  }
0x50: {  	_ =	shalt  }
0x51: {  	_ =	shalt  }
0x52: {  	_ =	shalt  }
0x53: {  	_ =	shalt  }
0x54: {  	_ =	shalt  }
0x55: {  	_ =	shalt  }
0x56: {  	_ =	shalt  }
0x57: {  	_ =	shalt  }
0x58: {  	_ =	shalt  }
0x59: {  	_ =	shalt  }
0x5a: {  	_ =	shalt  }
0x5b: {  	_ =	shalt  }
0x5c: {  	_ =	shalt  }
0x5d: {  	_ =	shalt  }
0x5e: {  	_ =	shalt  }
0x5f: {  	_ =	shalt  }
0x60: {  	_ =	shalt  }
0x61: {  	_ =	shalt  }
0x62: {  	_ =	shalt  }
0x63: {  	_ =	shalt  }
0x64: {  	_ =	shalt  }
0x65: {  	_ =	shalt  }
0x66: {  	_ =	shalt  }
0x67: {  	_ =	shalt  }
0x68: {  	_ =	shalt  }
0x69: {  	_ =	shalt  }
0x6a: {  	_ =	shalt  }
0x6b: {  	_ =	shalt  }
0x6c: {  	_ =	shalt  }
0x6d: {  	_ =	shalt  }
0x6e: {  	_ =	shalt  }
0x6f: {  	_ =	shalt  }
0x70: {  	_ =	shalt  }
0x71: {  	_ =	shalt  }
0x72: {  	_ =	shalt  }
0x73: {  	_ =	shalt  }
0x74: {  	_ =	shalt  }
0x75: {  	_ =	shalt  }
0x76: {  	_ =	shalt  }
0x77: {  	_ =	shalt  }
0x78: {  	_ =	shalt  }
0x79: {  	_ =	shalt  }
0x7a: {  	_ =	shalt  }
0x7b: {  	_ =	shalt  }
0x7c: {  	_ =	shalt  }
0x7d: {  	_ =	shalt  }
0x7e: {  	_ =	shalt  }
0x7f: {  	_ =	shalt  }
0x80: {  	_ =	shalt  }
0x81: {  	_ =	shalt  }
0x82: {  	_ =	shalt  }
0x83: {  	_ =	shalt  }
0x84: {  	_ =	shalt  }
0x85: {  	_ =	shalt  }
0x86: {  	_ =	shalt  }
0x87: {  	_ =	shalt  }
.Lfunc_end0:
.L_simem_size_0:
called_computation_lowered:
.L_overlay_start_0:
0x88: {  	s2 =	sld [smem:$0x3FD9]  }
0x89: {  	s3 =	sld [smem:$0x3FFE];
	_ =	sdelay $0x1  }
0x8a: {  	s1 =	srdreg.scid  }
0x8b: {  	s0 =	sand.u32 $0x1, s1  }
0x8c: {  	s17 =	sshll.u32 s0, $0xA;
	s2 =	sadd.s32 s3, s2  }
0x8d: {  	s2 =	sadd.s32 s2, s17  }
0x8e: {  	[smem:$0x3FC6] =	sst s2  }
0x8f: {  	_ = 	snop  }
0x90: {  	s2 =	sld [smem:$0x3FC9]  }
0x91: {  	s18 =	sld [smem:$0x3FD0];
	(tm) =	ssettm $0x1  }
0x92: {  	s4 =	sld [smem:$0x3FFB];
	_ =	sdelay $0x3  }
0x93: {  	_ =	strace s4  }
0x94: {  	s4 =	sld [smem:$0x3FFC];
	_ =	sdelay $0x3  }
0x95: {  	_ =	strace s4  }
0x96: {  	s4 =	sld [smem:$0x3FFD];
	_ =	sdelay $0x3  }
0x97: {  	_ =	strace s4  }
0x98: {  	_ =	strace $0x8FFFFFFF  }
0x99: {  	s19 =	sld [smem:$0x3FDB];
	_ =	sdelay $0x1  }
0x9a: {  	s5 =	simm.s32 $_scs_section_size  }
0x9b: {  	s6 =	simm.s32 $_size__tile_overlayer_lowered;
	s7 =	simm.s32 $_tile_overlayer_lowered  }
0x9c: {  	s22 =	simm.s32 $0x1BFF;
	s21 =	sshll.u32 s7, $0x1;
	s4 =	sadd.s32 s5, s19  }
0x9d: {  	s8 =	simm.s32 $0x0;
	s20 =	sshll.u32 s6, $0x1;
	s6 =	sadd.s32 s21, s4  }
0x9e: {  	[timem:s8], [sflag:s22] =	dma.local [hbm:s6], s20  }
0x9f: {  	_ =	swait.ge [sflag:s22], s20  }
0xa0: {  	s5 =	ssub.s32 $0x0, s20;
	[sflag:s22] =	ssyncset.done $0x0  }
0xa1: {  	[sflag:s22] =	ssyncadd.s32 s5;
	_ =	sdelay $0x1  }
0xa2: {  	s23 =	simm.s32 $0x1B8B  }
0xa3: {  	_ =	swait.ge [sflag:s23], $0x1  }
0xa4: {  	[sflag:s23] =	ssyncset.done $0x0  }
0xa5: {  	s25 =	simm.s32 $0x1B8E;
	s24 =	sld [smem:$0x3FFE];
	[sflag:s23] =	ssyncadd.s32 $0xFFFFFFFF  }
0xa6: {  	s26 =	simm.s32 $execute0_lowered;
	[smem:$0x3FD2] =	sst s25  }
0xa7: {  	s6 =	sshll.u32 s26, $0x1;
	_ =	strace $0x80000046;
	[dreg:$0x1] =	wrdreg $0xFFFFFFFF  }
0xa8: {  	s28 =	simm.s32 $_size_execute0_lowered;
	s4 =	sadd.s32 s4, s6;
	[dreg:$0x0] =	wrdreg $0x0  }
0xa9: {  	s6 =	sshll.u32 s28, $0x1;
	[dreg:$0x2] =	wrdreg s4  }
0xaa: {  	[dreg:$0x3] =	wrdreg s6  }
0xab: {  	[dreg:$0x4] =	wrdreg $0xC0  }
0xac: {  	_ =	task [dreg:s8], $0x5FFFF  }
0xad: {  	[dreg:$0x1] =	wrdreg $0xFFFFFFFF  }
0xae: {  	[dreg:$0x0] =	wrdreg $0x60  }
0xaf: {  	[dreg:$0x2] =	wrdreg s2  }
0xb0: {  	[dreg:$0x3] =	wrdreg s24  }
0xb1: {  	[dreg:$0x4] =	wrdreg s18  }
0xb2: {  	[dreg:$0x5] =	wrdreg $0x0  }
0xb3: {  	[dreg:$0x6] =	wrdreg $0x9  }
0xb4: {  	_ =	task.clear_ibuf [dreg:s8], $0x7FFFF;
	_ =	strace $0x90000046  }
0xb5: {  	s29 =	simm.s32 $0x9;
	_ =	strace $0x80000048  }
0xb6: {  	_ =	swait.ge [sflag:s29], $0x1  }
0xb7: {  	[sflag:s29] =	ssyncadd.s32 $0xFFFFFFFF  }
0xb8: {  	_ =	strace $0x90000048  }
0xb9: {  	_ =	sfence  }
0xba: {  	s30 =	sld [smem:$0x0];
	_ =	sdelay $0x2  }
0xbb: {  	s31 =	sshll.u32 s1, $0xD;
	s1 =	sshrl.u32 s1, $0x2  }
0xbc: {  	s3 =	sand.u32 $0x4000, s31;
	s1 =	sadd.s32 s1, s30  }
0xbd: {  	s0 =	sor.u32 s3, s0;
	s1 =	sshll.u32 s1, $0x11  }
0xbe: {  	s0 =	sor.u32 s1, s0  }
0xbf: {  	s0 =	sadd.s32 $0x8F2B, s0  }
0xc0: {  	[sflag:s0] =	ssyncadd.remote.s32 $0x1  }
0xc1: {  	_ =	sfence.sel $0xFFFF  }
0xc2: {  	[dreg:$0x0] =	wrdreg $0xFFFFFFFF;
	(pc) =	sbr.abs _section_cstart, $3  }
0xc3: {  	[dreg:$0x1] =	wrdreg $0xFFFFFFFF  }
0xc4: {  	_ =	task.clear_ibuf [dreg:s8], $0x2FFFF;
	_ =	strace $0x9FFFFFFF  }
0xc5: {  	(tm) =	ssettm $0x7FFFFFFF  }
tec
execute0_lowered:
.L_overlay_start_1:
0x0: {  	(tag) =	ssettag $0x1  }
0x1: {  	s1 =	rddreg [dreg:$0x0]  }
0x2: {  	s2 =	rddreg [dreg:$0x1]  }
0x3: {  	s0 =	rddreg [dreg:$0x2]  }
0x4: {  	v1 =	vimm.s32 $0xFEDCBA9;
	v3 =	vimm.s32 $0x87654321;
	s4 =	srdreg.scid;
	s11 =	stileid.u32  }
0x5: {  	v4 =	vimm.s32 $0x98765432;
	v5 =	vimm.s32 $0x210FEDCB;
	s3 =	rddreg [dreg:$0x3];
	s28 =	simm.s32 $0x11940;
	s29 =	simm.s32 $0x8  }
0x6: {  	v6 =	vimm.s32 $0xA9876543;
	v16 =	vimm.s32 $0xCBA98765;
	s30 =	simm.s32 $0x2;
	s31 =	simm.s32 $0x3;
	s9 =	smul.u32 $0x271, s11  }
0x7: {  	v18 =	vimm.s32 $0x6543210F;
	v19 =	vimm.s32 $0xEDCBA987;
	s6 =	sand.u32 $0x1, s4;
	s5 =	sshll.u32 s11, $0x1;
	s25 =	smul.u32 $0x2710, s11  }
0x8: {  	v0 =	vlaneseq.u32;
	v20 =	vimm.s32 $0xFEDCBA98;
	v21 =	vimm.s32 $0x76543210;
	s4 =	simm.s32 $0x0;
	s11 =	smul.u32 $0x27100, s11;
	s5 =	sor.u32 s6, s5  }
0x9: {  	v2 =	vunpack.c.l.s4.s8 v1;
	v1 =	vmul.u32 $0x40, v0;
	v4 =	vunpack.c.l.s4.s8 v4;
	[smem:$0x7FF] =	sst s4;
	s6 =	ssub.s32 $0x2, s6;
	s5 =	smul.u32 $0x2710, s5  }
0xa: {  	v5 =	vunpack.c.l.s4.s8 v5;
	v18 =	vunpack.c.l.s4.s8 v18;
	v19 =	vunpack.c.l.s4.s8 v19;
	_ =	strace $0x80000047;
	s8 =	sshrl.u32 s6, $0x1;
	s26 =	sadd.s32 $0x7D, s9  }
0xb: {  	v20 =	vunpack.c.l.s4.s8 v20;
	v8 =	vunpack.c.0.s8.s32 v2;
	v2 =	vunpack.c.l.s4.s8 v3;
	s12 =	sadd.s32 s1, s25;
	s14 =	sshrl.u32 s11, $0x2;
	s15 =	sadd.s32 $0xFA, s9  }
0xc: {  	v3 =	vimm.s32 $0x10FEDCBA;
	v11 =	vunpack.c.0.s8.s32 v4;
	v12 =	vunpack.c.0.s8.s32 v5;
	s18 =	sadd.s32 $0x177, s9;
	s9 =	sadd.s32 $0x1F4, s9;
	s11 =	simm.s32 $0x1C2A0  }
0xd: {  	v18 =	vunpack.c.0.s8.s32 v18;
	v19 =	vunpack.c.0.s8.s32 v19;
	v3 =	vunpack.c.l.s4.s8 v3;
	s6 =	ssub.s32 s6, s8;
	[dreg:$0x7] =	wrdreg s12;
	s13 =	sshll.u32 s26, $0x4  }
0xe: {  	v20 =	vunpack.c.0.s8.s32 v20;
	s16 =	sshll.u32 s15, $0x4;
	s19 =	sshll.u32 s18, $0x4;
	s8 =	sshll.u32 s15, $0x6;
	v9 =	vunpack.c.0.s8.s32 v2;
	v2 =	vunpack.c.l.s4.s8 v6  }
0xf: {  	s20 =	sshll.u32 s9, $0x4;
	s21 =	sshll.u32 s18, $0x6;
	s22 =	sshll.u32 s9, $0x6;
	v24 =	vcombine.low v19, v18;
	v10 =	vunpack.c.0.s8.s32 v3;
	v3 =	vimm.s32 $0x3210FEDC  }
0x10: {  	s9 =	simm.s32 $0x4;
	s12 =	simm.s32 $0x6;
	s8 =	sadd.s32 s8, s3;
	v20 =	vand.u32 $0xF, v20;
	v13 =	vunpack.c.0.s8.s32 v2;
	v2 =	vunpack.c.l.s4.s8 v3  }
0x11: {  	s7 =	sshrl.u32 s5, $0x3;
	s23 =	sadd.s32 s22, s3;
	[dreg:$0xd] =	wrdreg s8;
	v3 =	vimm.s32 $0xBA987654;
	v4 =	vcombine.low v9, v8;
	v63 =	vcombine.low v8, v9  }
0x12: {  	s22 =	simm.s32 $0x7;
	s2 =	sadd.s32 s7, s2;
	[dreg:$0x10] =	wrdreg s23;
	v9 =	vand.u32 $0xF, v24;
	v5 =	vcombine.low v11, v10;
	v3 =	vunpack.c.l.s4.s8 v3  }
0x13: {  	s18 =	sadd.s32 s0, s7;
	s23 =	simm.s32 $0xDAC0;
	s10 =	sadd.s32 $0x400, s2;
	v11 =	vcombine.low v10, v11;
	v6 =	vcombine.low v13, v12;
	v14 =	vunpack.c.0.s8.s32 v2  }
0x14: {  	s7 =	simm.s32 $0x1D6A0;
	s2 =	sadd.s32 $0xA040, s2;
	[dreg:$0x5] =	wrdreg s10;
	v2 =	vimm.s32 $0x43210FED;
	v12 =	vcombine.low v12, v13;
	v15 =	vunpack.c.0.s8.s32 v3  }
0x15: {  	s8 =	simm.s32 $0x1D6F0;
	s24 =	sadd.s32 $0xA, s18;
	[dreg:$0x6] =	wrdreg s2;
	v7 =	vunpack.c.l.s4.s8 v2;
	v3 =	vand.u32 $0xF, v5;
	v5 =	vunpack.c.l.s4.s8 v16  }
0x16: {  	s25 =	sadd.s32 $0x4D8, s18;
	s2 =	sadd.s32 s1, s13;
	[dreg:$0x11] =	wrdreg s24;
	v10 =	vand.u32 $0xF, v63;
	v2 =	vand.u32 $0xF, v4;
	v11 =	vand.u32 $0xF, v11  }
0x17: {  	s10 =	sshll.u32 s26, $0x6;
	[dreg:$0x12] =	wrdreg s25;
	s26 =	smax.u32 s6, $0x1;
	v4 =	vand.u32 $0xF, v6;
	v16 =	vunpack.c.0.s8.s32 v7;
	v17 =	vunpack.c.0.s8.s32 v5  }
0x18: {  	s24 =	simm.s32 $0x9C40;
	s25 =	simm.s32 $0x1;
	[dreg:$0x8] =	wrdreg s2;
	v5 =	vimm.s32 $0x543210FE;
	v7 =	vimm.s32 $0xDCBA9876;
	v13 =	vcombine.low v14, v15  }
0x19: {  	s6 =	simm.s32 $0x1AEA0;
	s2 =	sadd.s32 s14, s3;
	[dreg:$0x13] =	wrdreg s26;
	v12 =	vand.u32 $0xF, v12;
	v5 =	vunpack.c.l.s4.s8 v5;
	v7 =	vunpack.c.l.s4.s8 v7  }
0x1a: {  	s13 =	simm.s32 $0x5;
	s17 =	sadd.s32 s10, s3;
	[dreg:$0x9] =	wrdreg s2;
	v6 =	vcombine.low v15, v14;
	v14 =	vcombine.low v16, v17;
	v13 =	vand.u32 $0xF, v13  }
0x1b: {  	s10 =	sadd.s32 s1, s19;
	s14 =	simm.s32 $0x0;
	[dreg:$0xb] =	wrdreg s17;
	v22 =	vunpack.c.0.s8.s32 v5;
	v23 =	vunpack.c.0.s8.s32 v7;
	v7 =	vunpack.c.l.s4.s8 v21  }
0x1c: {  	s2 =	sadd.s32 s1, s16;
	[dreg:$0xc] =	wrdreg s10;
	s1 =	sadd.s32 s1, s20;
	v5 =	vand.u32 $0xF, v6;
	v6 =	vcombine.low v17, v16;
	v16 =	vcombine.low v18, v19  }
0x1d: {  	s20 =	simm.s32 $0x13880;
	s10 =	simm.s32 $0x19AA0;
	[dreg:$0xa] =	wrdreg s2;
	v7 =	vunpack.c.0.s8.s32 v7;
	v62 =	vcombine.low v23, v22;
	v15 =	vcombine.low v22, v23  }
0x1e: {  	[dreg:$0xe] =	wrdreg s1;
	s1 =	sadd.s32 s21, s3;
	s21 =	simm.s32 $0x15F90;
	v14 =	vand.u32 $0xF, v14;
	v6 =	vand.u32 $0xF, v6;
	v16 =	vand.u32 $0xF, v16  }
0x1f: {  	s2 =	simm.s32 $0x50;
	[dreg:$0xf] =	wrdreg s1;
	s1 =	simm.s32 $0x186A0;
	v7 =	vcombine.low v20, v7;
	v8 =	vand.u32 $0xF, v62;
	v15 =	vand.u32 $0xF, v15  }
.LBB2_1:
0x20: {  	s15 =	rddreg [dreg:$0x5]  }
0x21: {  	[tilespmem:s20], [sflag:$0x3] =	stream.linear.gather [hbm4b:s15+s4], $0x2710, $0x38;
	[tilespmem:$0x1D740] =	vst v63  }
0x22: {  	s17 =	rddreg [dreg:$0x6]  }
0x23: {  	[tilespmem:s21], [sflag:$0x3] =	stream.linear.gather [hbm4b:s17+s4], $0x2710, $0x38;
	[tilespmem:$0x1D740] =	vst v63  }
0x24: {  	s19 =	rddreg [dreg:$0x7]  }
0x25: {  	[tilespmem:s24], [sflag:$0x1] =	stream.linear.gather [hbm4b:s19+s4], $0x3E80, $0x38;
	[tilespmem:$0x1D740] =	vst v63  }
0x26: {  	_ =	swait.ge [sflag:s25], $0x3E80  }
0x27: {  	[sflag:s25] =	ssyncset.done $0x0  }
0x28: {  	s15 =	simm.s32 $0x9C80;
	s26 =	rddreg [dreg:$0x8];
	[sflag:s25] =	ssyncadd.s32 $0xFFFFC180  }
0x29: {  	[tilespmem:s23], [sflag:$0x2] =	stream.linear.gather [hbm4b:s26+s4], $0x3E80, $0x38;
	[tilespmem:$0x1D740] =	vst v63  }
0x2a: {  	v17 =	vld [tilespmem:s15+$0xFFFFFFC0]  }
0x2b: {  	v18 =	vld [tilespmem:s15+$0xFFFFFFD0];
	_ =	sdelay $0x4  }
0x2c: {  	s16 =	simm.s32 $0x0;
	v17 =	vpack.i.f32.bf16 v18, v17  }
0x2d: {  	[tilespmem:s16+$0x11940] =	vst v17  }
0x2e: {  	v17 =	vld [tilespmem:s15+$0xFFFFFFE0]  }
0x2f: {  	v18 =	vld [tilespmem:s15+$0xFFFFFFF0];
	_ =	sdelay $0x4  }
0x30: {  	v17 =	vpack.i.f32.bf16 v18, v17  }
0x31: {  	[tilespmem:s16+$0x11950] =	vst v17  }
0x32: {  	v17 =	vld [tilespmem:s15+$0x0]  }
0x33: {  	v18 =	vld [tilespmem:s15+$0x10];
	_ =	sdelay $0x4  }
0x34: {  	v17 =	vpack.i.f32.bf16 v18, v17  }
0x35: {  	[tilespmem:s16+$0x11960] =	vst v17  }
0x36: {  	v17 =	vld [tilespmem:s15+$0x20]  }
0x37: {  	s17 =	simm.s32 $0x100;
	v18 =	vld [tilespmem:s15+$0x30]  }
.LBB2_2:
0x38: {  	_ = 	snop  }
0x39: {  	p0 =	sne.s32 s17, $0x7C00  }
0x3a: {  	s15 =	sadd.s32 $0x80, s15;
	s19 =	smov.u32 s17;
	s17 =	sadd.s32 $0x100, s17  }
0x3b: {  	_ = 	snop  }
0x3c: {  	v17 =	vpack.i.f32.bf16 v18, v17  }
0x3d: {  	[tilespmem:s16+$0x11970] =	vst v17  }
0x3e: {  	v17 =	vld [tilespmem:s15+$0xFFFFFFC0]  }
0x3f: {  	v18 =	vld [tilespmem:s15+$0xFFFFFFD0];
	_ =	sdelay $0x4  }
0x40: {  	s16 =	sshra.s32 s19, $0x2;
	v17 =	vpack.i.f32.bf16 v18, v17  }
0x41: {  	[tilespmem:s16+$0x11940] =	vst v17  }
0x42: {  	v17 =	vld [tilespmem:s15+$0xFFFFFFE0]  }
0x43: {  	v18 =	vld [tilespmem:s15+$0xFFFFFFF0];
	_ =	sdelay $0x4  }
0x44: {  	v17 =	vpack.i.f32.bf16 v18, v17  }
0x45: {  	[tilespmem:s16+$0x11950] =	vst v17  }
0x46: {  	v17 =	vld [tilespmem:s15+$0x0]  }
0x47: {  	v18 =	vld [tilespmem:s15+$0x10];
	_ =	sdelay $0x3  }
.Ltmp0:
0x48: {  	(pc) =	sbr.rel @p0 .LBB2_2-.Ltmp0, $4  }
0x49: {  	v17 =	vpack.i.f32.bf16 v18, v17  }
0x4a: {  	[tilespmem:s16+$0x11960] =	vst v17  }
0x4b: {  	v17 =	vld [tilespmem:s15+$0x20]  }
0x4c: {  	v18 =	vld [tilespmem:s15+$0x30]  }
0x4d: {  	_ =	sdelay $0x3  }
0x4e: {  	v17 =	vpack.i.f32.bf16 v18, v17  }
0x4f: {  	s15 =	rddreg [dreg:$0x9];
	[tilespmem:s16+$0x11970] =	vst v17  }
0x50: {  	[spmem:s15] =	stream.linear.scatter [tilespmem:s28], [sflag:$0x8], $0x1F40, $0x38;
	[tilespmem:$0x1D740] =	vst v63  }
0x51: {  	_ =	swait.ge [sflag:s29], $0x1F40  }
0x52: {  	[sflag:s29] =	ssyncset.done $0x0  }
0x53: {  	[sflag:s29] =	ssyncadd.s32 $0xFFFFE0C0  }
0x54: {  	_ =	swait.ge [sflag:s30], $0x3E80  }
0x55: {  	s19 =	simm.s32 $0x0;
	[sflag:s30] =	ssyncset.done $0x0  }
0x56: {  	s15 =	simm.s32 $0xDB00;
	s26 =	rddreg [dreg:$0xa];
	[sflag:s30] =	ssyncadd.s32 $0xFFFFC180  }
0x57: {  	[tilespmem:s24], [sflag:$0x1] =	stream.linear.gather [hbm4b:s26+s19], $0x3E80, $0x38;
	[tilespmem:$0x1D740] =	vst v63  }
0x58: {  	v17 =	vld [tilespmem:s15+$0xFFFFFFC0]  }
0x59: {  	v18 =	vld [tilespmem:s15+$0xFFFFFFD0];
	_ =	sdelay $0x4  }
0x5a: {  	s16 =	simm.s32 $0x0;
	v17 =	vpack.i.f32.bf16 v18, v17  }
0x5b: {  	[tilespmem:s16+$0x11940] =	vst v17  }
0x5c: {  	v17 =	vld [tilespmem:s15+$0xFFFFFFE0]  }
0x5d: {  	v18 =	vld [tilespmem:s15+$0xFFFFFFF0];
	_ =	sdelay $0x4  }
0x5e: {  	v17 =	vpack.i.f32.bf16 v18, v17  }
0x5f: {  	[tilespmem:s16+$0x11950] =	vst v17  }
0x60: {  	v17 =	vld [tilespmem:s15+$0x0]  }
0x61: {  	v18 =	vld [tilespmem:s15+$0x10];
	_ =	sdelay $0x4  }
0x62: {  	v17 =	vpack.i.f32.bf16 v18, v17  }
0x63: {  	[tilespmem:s16+$0x11960] =	vst v17  }
0x64: {  	v17 =	vld [tilespmem:s15+$0x20]  }
0x65: {  	s17 =	simm.s32 $0x100;
	v18 =	vld [tilespmem:s15+$0x30]  }
.LBB2_4:
0x66: {  	_ = 	snop  }
0x67: {  	p0 =	sne.s32 s17, $0x7C00  }
0x68: {  	s15 =	sadd.s32 $0x80, s15;
	s19 =	smov.u32 s17;
	s17 =	sadd.s32 $0x100, s17  }
0x69: {  	_ = 	snop  }
0x6a: {  	v17 =	vpack.i.f32.bf16 v18, v17  }
0x6b: {  	[tilespmem:s16+$0x11970] =	vst v17  }
0x6c: {  	v17 =	vld [tilespmem:s15+$0xFFFFFFC0]  }
0x6d: {  	v18 =	vld [tilespmem:s15+$0xFFFFFFD0];
	_ =	sdelay $0x4  }
0x6e: {  	s16 =	sshra.s32 s19, $0x2;
	v17 =	vpack.i.f32.bf16 v18, v17  }
0x6f: {  	[tilespmem:s16+$0x11940] =	vst v17  }
0x70: {  	v17 =	vld [tilespmem:s15+$0xFFFFFFE0]  }
0x71: {  	v18 =	vld [tilespmem:s15+$0xFFFFFFF0];
	_ =	sdelay $0x4  }
0x72: {  	v17 =	vpack.i.f32.bf16 v18, v17  }
0x73: {  	[tilespmem:s16+$0x11950] =	vst v17  }
0x74: {  	v17 =	vld [tilespmem:s15+$0x0]  }
0x75: {  	v18 =	vld [tilespmem:s15+$0x10];
	_ =	sdelay $0x3  }
.Ltmp1:
0x76: {  	(pc) =	sbr.rel @p0 .LBB2_4-.Ltmp1, $4  }
0x77: {  	v17 =	vpack.i.f32.bf16 v18, v17  }
0x78: {  	[tilespmem:s16+$0x11960] =	vst v17  }
0x79: {  	v17 =	vld [tilespmem:s15+$0x20]  }
0x7a: {  	v18 =	vld [tilespmem:s15+$0x30]  }
0x7b: {  	_ =	sdelay $0x3  }
0x7c: {  	v17 =	vpack.i.f32.bf16 v18, v17  }
0x7d: {  	s15 =	rddreg [dreg:$0xb];
	[tilespmem:s16+$0x11970] =	vst v17  }
0x7e: {  	[spmem:s15] =	stream.linear.scatter [tilespmem:s28], [sflag:$0x8], $0x1F40, $0x38;
	[tilespmem:$0x1D740] =	vst v63  }
0x7f: {  	_ =	swait.ge [sflag:s29], $0x1F40  }
0x80: {  	[sflag:s29] =	ssyncset.done $0x0  }
0x81: {  	[sflag:s29] =	ssyncadd.s32 $0xFFFFE0C0  }
0x82: {  	_ =	swait.ge [sflag:s25], $0x3E80  }
0x83: {  	s19 =	simm.s32 $0x0;
	[sflag:s25] =	ssyncset.done $0x0  }
0x84: {  	s15 =	simm.s32 $0x9C80;
	s26 =	rddreg [dreg:$0xc];
	[sflag:s25] =	ssyncadd.s32 $0xFFFFC180  }
0x85: {  	[tilespmem:s23], [sflag:$0x2] =	stream.linear.gather [hbm4b:s26+s19], $0x3E80, $0x38;
	[tilespmem:$0x1D740] =	vst v63  }
0x86: {  	v17 =	vld [tilespmem:s15+$0xFFFFFFC0]  }
0x87: {  	v18 =	vld [tilespmem:s15+$0xFFFFFFD0];
	_ =	sdelay $0x4  }
0x88: {  	s16 =	simm.s32 $0x0;
	v17 =	vpack.i.f32.bf16 v18, v17  }
0x89: {  	[tilespmem:s16+$0x11940] =	vst v17  }
0x8a: {  	v17 =	vld [tilespmem:s15+$0xFFFFFFE0]  }
0x8b: {  	v18 =	vld [tilespmem:s15+$0xFFFFFFF0];
	_ =	sdelay $0x4  }
0x8c: {  	v17 =	vpack.i.f32.bf16 v18, v17  }
0x8d: {  	[tilespmem:s16+$0x11950] =	vst v17  }
0x8e: {  	v17 =	vld [tilespmem:s15+$0x0]  }
0x8f: {  	v18 =	vld [tilespmem:s15+$0x10];
	_ =	sdelay $0x4  }
0x90: {  	v17 =	vpack.i.f32.bf16 v18, v17  }
0x91: {  	[tilespmem:s16+$0x11960] =	vst v17  }
0x92: {  	v17 =	vld [tilespmem:s15+$0x20]  }
0x93: {  	s17 =	simm.s32 $0x100;
	v18 =	vld [tilespmem:s15+$0x30]  }
.LBB2_6:
0x94: {  	_ = 	snop  }
0x95: {  	p0 =	sne.s32 s17, $0x7C00  }
0x96: {  	s15 =	sadd.s32 $0x80, s15;
	s19 =	smov.u32 s17;
	s17 =	sadd.s32 $0x100, s17  }
0x97: {  	_ = 	snop  }
0x98: {  	v17 =	vpack.i.f32.bf16 v18, v17  }
0x99: {  	[tilespmem:s16+$0x11970] =	vst v17  }
0x9a: {  	v17 =	vld [tilespmem:s15+$0xFFFFFFC0]  }
0x9b: {  	v18 =	vld [tilespmem:s15+$0xFFFFFFD0];
	_ =	sdelay $0x4  }
0x9c: {  	s16 =	sshra.s32 s19, $0x2;
	v17 =	vpack.i.f32.bf16 v18, v17  }
0x9d: {  	[tilespmem:s16+$0x11940] =	vst v17  }
0x9e: {  	v17 =	vld [tilespmem:s15+$0xFFFFFFE0]  }
0x9f: {  	v18 =	vld [tilespmem:s15+$0xFFFFFFF0];
	_ =	sdelay $0x4  }
0xa0: {  	v17 =	vpack.i.f32.bf16 v18, v17  }
0xa1: {  	[tilespmem:s16+$0x11950] =	vst v17  }
0xa2: {  	v17 =	vld [tilespmem:s15+$0x0]  }
0xa3: {  	v18 =	vld [tilespmem:s15+$0x10];
	_ =	sdelay $0x3  }
.Ltmp2:
0xa4: {  	(pc) =	sbr.rel @p0 .LBB2_6-.Ltmp2, $4  }
0xa5: {  	v17 =	vpack.i.f32.bf16 v18, v17  }
0xa6: {  	[tilespmem:s16+$0x11960] =	vst v17  }
0xa7: {  	v17 =	vld [tilespmem:s15+$0x20]  }
0xa8: {  	v18 =	vld [tilespmem:s15+$0x30]  }
0xa9: {  	_ =	sdelay $0x3  }
0xaa: {  	v17 =	vpack.i.f32.bf16 v18, v17  }
0xab: {  	s15 =	rddreg [dreg:$0xd];
	[tilespmem:s16+$0x11970] =	vst v17  }
0xac: {  	[spmem:s15] =	stream.linear.scatter [tilespmem:s28], [sflag:$0x8], $0x1F40, $0x38;
	[tilespmem:$0x1D740] =	vst v63  }
0xad: {  	_ =	swait.ge [sflag:s29], $0x1F40  }
0xae: {  	[sflag:s29] =	ssyncset.done $0x0  }
0xaf: {  	[sflag:s29] =	ssyncadd.s32 $0xFFFFE0C0  }
0xb0: {  	_ =	swait.ge [sflag:s30], $0x3E80  }
0xb1: {  	s23 =	simm.s32 $0x0;
	[sflag:s30] =	ssyncset.done $0x0  }
0xb2: {  	s15 =	simm.s32 $0xDB00;
	s26 =	rddreg [dreg:$0xe];
	[sflag:s30] =	ssyncadd.s32 $0xFFFFC180  }
0xb3: {  	[tilespmem:s24], [sflag:$0x1] =	stream.linear.gather [hbm4b:s26+s23], $0x3E80, $0x38;
	[tilespmem:$0x1D740] =	vst v63  }
0xb4: {  	v17 =	vld [tilespmem:s15+$0xFFFFFFC0]  }
0xb5: {  	v18 =	vld [tilespmem:s15+$0xFFFFFFD0];
	_ =	sdelay $0x4  }
0xb6: {  	s16 =	simm.s32 $0x0;
	v17 =	vpack.i.f32.bf16 v18, v17  }
0xb7: {  	[tilespmem:s16+$0x11940] =	vst v17  }
0xb8: {  	v17 =	vld [tilespmem:s15+$0xFFFFFFE0]  }
0xb9: {  	v18 =	vld [tilespmem:s15+$0xFFFFFFF0];
	_ =	sdelay $0x4  }
0xba: {  	v17 =	vpack.i.f32.bf16 v18, v17  }
0xbb: {  	[tilespmem:s16+$0x11950] =	vst v17  }
0xbc: {  	v17 =	vld [tilespmem:s15+$0x0]  }
0xbd: {  	v18 =	vld [tilespmem:s15+$0x10];
	_ =	sdelay $0x4  }
0xbe: {  	v17 =	vpack.i.f32.bf16 v18, v17  }
0xbf: {  	[tilespmem:s16+$0x11960] =	vst v17  }
0xc0: {  	v17 =	vld [tilespmem:s15+$0x20]  }
0xc1: {  	s17 =	simm.s32 $0x100;
	v18 =	vld [tilespmem:s15+$0x30]  }
.LBB2_8:
0xc2: {  	_ = 	snop  }
0xc3: {  	p0 =	sne.s32 s17, $0x7C00  }
0xc4: {  	s15 =	sadd.s32 $0x80, s15;
	s19 =	smov.u32 s17;
	s17 =	sadd.s32 $0x100, s17  }
0xc5: {  	_ = 	snop  }
0xc6: {  	v17 =	vpack.i.f32.bf16 v18, v17  }
0xc7: {  	[tilespmem:s16+$0x11970] =	vst v17  }
0xc8: {  	v17 =	vld [tilespmem:s15+$0xFFFFFFC0]  }
0xc9: {  	v18 =	vld [tilespmem:s15+$0xFFFFFFD0];
	_ =	sdelay $0x4  }
0xca: {  	s16 =	sshra.s32 s19, $0x2;
	v17 =	vpack.i.f32.bf16 v18, v17  }
0xcb: {  	[tilespmem:s16+$0x11940] =	vst v17  }
0xcc: {  	v17 =	vld [tilespmem:s15+$0xFFFFFFE0]  }
0xcd: {  	v18 =	vld [tilespmem:s15+$0xFFFFFFF0];
	_ =	sdelay $0x4  }
0xce: {  	v17 =	vpack.i.f32.bf16 v18, v17  }
0xcf: {  	[tilespmem:s16+$0x11950] =	vst v17  }
0xd0: {  	v17 =	vld [tilespmem:s15+$0x0]  }
0xd1: {  	v18 =	vld [tilespmem:s15+$0x10];
	_ =	sdelay $0x3  }
.Ltmp3:
0xd2: {  	(pc) =	sbr.rel @p0 .LBB2_8-.Ltmp3, $4  }
0xd3: {  	v17 =	vpack.i.f32.bf16 v18, v17  }
0xd4: {  	[tilespmem:s16+$0x11960] =	vst v17  }
0xd5: {  	v17 =	vld [tilespmem:s15+$0x20]  }
0xd6: {  	v18 =	vld [tilespmem:s15+$0x30]  }
0xd7: {  	_ =	sdelay $0x3  }
0xd8: {  	v17 =	vpack.i.f32.bf16 v18, v17  }
0xd9: {  	s15 =	rddreg [dreg:$0xf];
	[tilespmem:s16+$0x11970] =	vst v17  }
0xda: {  	[spmem:s15] =	stream.linear.scatter [tilespmem:s28], [sflag:$0x8], $0x1F40, $0x38;
	[tilespmem:$0x1D740] =	vst v63  }
0xdb: {  	_ =	swait.ge [sflag:s29], $0x1F40  }
0xdc: {  	[sflag:s29] =	ssyncset.done $0x0  }
0xdd: {  	[sflag:s29] =	ssyncadd.s32 $0xFFFFE0C0  }
0xde: {  	_ =	swait.ge [sflag:s25], $0x3E80  }
0xdf: {  	[sflag:s25] =	ssyncset.done $0x0  }
0xe0: {  	s15 =	simm.s32 $0x9C80;
	[sflag:s25] =	ssyncadd.s32 $0xFFFFC180  }
0xe1: {  	v17 =	vld [tilespmem:s15+$0xFFFFFFC0]  }
0xe2: {  	v18 =	vld [tilespmem:s15+$0xFFFFFFD0];
	_ =	sdelay $0x4  }
0xe3: {  	s16 =	simm.s32 $0x0;
	v17 =	vpack.i.f32.bf16 v18, v17  }
0xe4: {  	[tilespmem:s16+$0x11940] =	vst v17  }
0xe5: {  	v17 =	vld [tilespmem:s15+$0xFFFFFFE0]  }
0xe6: {  	v18 =	vld [tilespmem:s15+$0xFFFFFFF0];
	_ =	sdelay $0x4  }
0xe7: {  	v17 =	vpack.i.f32.bf16 v18, v17  }
0xe8: {  	[tilespmem:s16+$0x11950] =	vst v17  }
0xe9: {  	v17 =	vld [tilespmem:s15+$0x0]  }
0xea: {  	v18 =	vld [tilespmem:s15+$0x10];
	_ =	sdelay $0x4  }
0xeb: {  	v17 =	vpack.i.f32.bf16 v18, v17  }
0xec: {  	[tilespmem:s16+$0x11960] =	vst v17  }
0xed: {  	v17 =	vld [tilespmem:s15+$0x20]  }
0xee: {  	s17 =	simm.s32 $0x100;
	v18 =	vld [tilespmem:s15+$0x30]  }
.LBB2_10:
0xef: {  	_ = 	snop  }
0xf0: {  	p0 =	sne.s32 s17, $0x7C00  }
0xf1: {  	s15 =	sadd.s32 $0x80, s15;
	s19 =	smov.u32 s17;
	s17 =	sadd.s32 $0x100, s17  }
0xf2: {  	_ = 	snop  }
0xf3: {  	v17 =	vpack.i.f32.bf16 v18, v17  }
0xf4: {  	[tilespmem:s16+$0x11970] =	vst v17  }
0xf5: {  	v17 =	vld [tilespmem:s15+$0xFFFFFFC0]  }
0xf6: {  	v18 =	vld [tilespmem:s15+$0xFFFFFFD0];
	_ =	sdelay $0x4  }
0xf7: {  	s16 =	sshra.s32 s19, $0x2;
	v17 =	vpack.i.f32.bf16 v18, v17  }
0xf8: {  	[tilespmem:s16+$0x11940] =	vst v17  }
0xf9: {  	v17 =	vld [tilespmem:s15+$0xFFFFFFE0]  }
0xfa: {  	v18 =	vld [tilespmem:s15+$0xFFFFFFF0];
	_ =	sdelay $0x4  }
0xfb: {  	v17 =	vpack.i.f32.bf16 v18, v17  }
0xfc: {  	[tilespmem:s16+$0x11950] =	vst v17  }
0xfd: {  	v17 =	vld [tilespmem:s15+$0x0]  }
0xfe: {  	v18 =	vld [tilespmem:s15+$0x10];
	_ =	sdelay $0x3  }
.Ltmp4:
0xff: {  	(pc) =	sbr.rel @p0 .LBB2_10-.Ltmp4, $4  }
0x100: {  	v17 =	vpack.i.f32.bf16 v18, v17  }
0x101: {  	[tilespmem:s16+$0x11960] =	vst v17  }
0x102: {  	v17 =	vld [tilespmem:s15+$0x20]  }
0x103: {  	v18 =	vld [tilespmem:s15+$0x30]  }
0x104: {  	_ =	sdelay $0x3  }
0x105: {  	v17 =	vpack.i.f32.bf16 v18, v17  }
0x106: {  	s15 =	rddreg [dreg:$0x10];
	[tilespmem:s16+$0x11970] =	vst v17  }
0x107: {  	[spmem:s15] =	stream.linear.scatter [tilespmem:s28], [sflag:$0x8], $0x1F40, $0x38;
	[tilespmem:$0x1D740] =	vst v63  }
0x108: {  	_ =	swait.ge [sflag:s29], $0x1F40  }
0x109: {  	[sflag:s29] =	ssyncset.done $0x0  }
0x10a: {  	[sflag:s29] =	ssyncadd.s32 $0xFFFFE0C0  }
0x10b: {  	[bflag:$0x0] =	sbarrier.arrive $0xFFFF  }
0x10c: {  	_ =	swait.ge [sflag:s31], $0x2710  }
0x10d: {  	[sflag:s31] =	ssyncset.done $0x0  }
0x10e: {  	[sflag:s31] =	ssyncadd.s32 $0xFFFFD8F0  }
0x10f: {  	_ =	swait.ge [sflag:s31], $0x2710  }
0x110: {  	[sflag:s31] =	ssyncset.done $0x0  }
0x111: {  	[sflag:s31] =	ssyncadd.s32 $0xFFFFD8F0  }
0x112: {  	[tilespmem:s1], [sflag:$0x4] =	stream.indirect.gather [spmem:s3], $0x40, s20, s2, $0xb8;
	[tilespmem:$0x1D740] =	vst v63  }
0x113: {  	_ = 	snop  }
0x114: {  	[tilespmem:s6], [sflag:$0x4] =	stream.indirect.gather [spmem:s3], $0x40, s21, s2, $0xb8;
	[tilespmem:$0x1D740] =	vst v63  }
0x115: {  	s23 =	simm.s32 $0x0  }
0x116: {  	[hbm4b:s18+s23] =	stream.linear.scatter [tilespmem:s7], [sflag:$0x6], $0x50, $0x38;
	[tilespmem:$0x1D740] =	vst v63  }
0x117: {  	s26 =	rddreg [dreg:$0x11]  }
0x118: {  	[hbm4b:s26+s23] =	stream.linear.scatter [tilespmem:s8], [sflag:$0x7], $0x50, $0x38;
	[tilespmem:$0x1D740] =	vst v63  }
.LBB2_12:
0x119: {  	_ =	swait.ge [sflag:s9], $0x1400  }
0x11a: {  	[sflag:s9] =	ssyncset.done $0x0  }
0x11b: {  	[sflag:s9] =	ssyncadd.s32 $0xFFFFEC00  }
0x11c: {  	s26 =	smul.u32 $0xA0, s23;
	_ =	swait.ge [sflag:s9], $0x1400  }
0x11d: {  	[sflag:s9] =	ssyncset.done $0x0  }
0x11e: {  	s15 =	sadd.s32 $0x138D0, s26;
	[sflag:s9] =	ssyncadd.s32 $0xFFFFEC00  }
0x11f: {  	[tilespmem:s10], [sflag:$0x5] =	stream.indirect.gather [spmem:s3], $0x40, s15, s2, $0xb8;
	[tilespmem:$0x1D740] =	vst v63  }
0x120: {  	s21 =	sadd.s32 $0x15FE0, s26  }
0x121: {  	[tilespmem:s11], [sflag:$0x5] =	stream.indirect.gather [spmem:s3], $0x40, s21, s2, $0xb8;
	[tilespmem:$0x1D740] =	vst v63  }
0x122: {  	_ =	swait.ge [sflag:s12], $0x50  }
0x123: {  	[sflag:s12] =	ssyncset.done $0x0  }
0x124: {  	s16 =	simm.s32 $0x0;
	s15 =	sadd.s32 $0x50, s26;
	[sflag:s12] =	ssyncadd.s32 $0xFFFFFFB0  }
.LBB2_13:
0x125: {  	s17 =	sshll.u32 s16, $0x4  }
0x126: {  	v17 =	vmov s17  }
0x127: {  	v17 =	vshll.u32 v17, $0x6  }
0x128: {  	v32 =	vor.u32 v1, v17  }
0x129: {  	s19 =	simm.s32 $0x0;
	v17 =	vor.u32 v2, v32  }
0x12a: {  	v18 =	vor.u32 v0, v32;
	v22 =	vor.u32 s19, v17  }
0x12b: {  	v19 =	vor.u32 v6, v32;
	v23 =	vor.u32 s19, v18  }
0x12c: {  	v24 =	vor.u32 s19, v19;
	_ =	sdelay $0x2  }
0x12d: {  	v20 =	vor.u32 v4, v32;
	v33 =	vld.idx.msk [tilespmem:v22+s6+$0x0], $0xffff  }
0x12e: {  	v25 =	vor.u32 s19, v20;
	v35 =	vld.idx.msk [tilespmem:v23+s6+$0x0], $0xffff  }
0x12f: {  	v21 =	vor.u32 v3, v32;
	v36 =	vld.idx.msk [tilespmem:v24+s1+$0x0], $0xffff  }
0x130: {  	v30 =	vor.u32 s19, v21;
	v37 =	vld.idx.msk [tilespmem:v22+s1+$0x0], $0xffff  }
0x131: {  	v29 =	vor.u32 v12, v32;
	v38 =	vld.idx.msk [tilespmem:v24+s6+$0x0], $0xffff  }
0x132: {  	v34 =	vor.u32 s19, v29;
	v24 =	vor.u32 v9, v32;
	v39 =	vld.idx.msk [tilespmem:v23+s1+$0x0], $0xffff  }
0x133: {  	v41 =	vld.idx.msk [tilespmem:v25+s6+$0x0], $0xffff;
	v42 =	vor.u32 s19, v24  }
0x134: {  	v22 =	vor.u32 v5, v32;
	v43 =	vld.idx.msk [tilespmem:v25+s1+$0x0], $0xffff  }
0x135: {  	v45 =	vimm.f32 $0.0e+00;
	v44 =	vld.idx.msk [tilespmem:v30+s1+$0x0], $0xffff;
	v40 =	vor.u32 s19, v22  }
0x136: {  	v26 =	vor.u32 v7, v32;
	v27 =	vor.u32 v10, v32;
	v28 =	vor.u32 v11, v32;
	v47 =	vld.idx.msk [tilespmem:v30+s6+$0x0], $0xffff  }
0x137: {  	v56 =	vor.u32 s19, v27;
	v25 =	vor.u32 v8, v32;
	v39 =	vmul.bf16 v35, v39;
	v35 =	vld.idx.msk [tilespmem:v34+s6+$0x0], $0xffff  }
0x138: {  	v31 =	vor.u32 v14, v32;
	v53 =	vor.u32 s19, v26;
	v49 =	vor.u32 s19, v25;
	v50 =	vld.idx.msk [tilespmem:v42+s6+$0x0], $0xffff  }
0x139: {  	v23 =	vor.u32 v13, v32;
	v30 =	vor.u32 v15, v32;
	v48 =	vmul.bf16 v33, v37;
	v42 =	vld.idx.msk [tilespmem:v42+s1+$0x0], $0xffff  }
0x13a: {  	v32 =	vor.u32 v16, v32;
	v58 =	vmul.bf16 v38, v36;
	v59 =	vmul.bf16 v41, v43;
	v52 =	vld.idx.msk [tilespmem:v40+s6+$0x0], $0xffff  }
0x13b: {  	v41 =	vmul.bf16 v47, v44;
	v43 =	vor.u32 s19, v31;
	v60 =	vld.idx.msk [tilespmem:v40+s1+$0x0], $0xffff;
	v33 =	vunpack.i.u.bf16.f32 v48  }
0x13c: {  	v47 =	vld.idx.msk [tilespmem:v56+s1+$0x0], $0xffff;
	v38 =	vor.u32 s19, v28;
	v37 =	vunpack.i.l.bf16.f32 v39;
	v61 =	vadd.f32 v33, v45  }
0x13d: {  	v40 =	vld.idx.msk [tilespmem:v49+s1+$0x0], $0xffff;
	v54 =	vunpack.i.u.bf16.f32 v58;
	v36 =	vunpack.i.l.bf16.f32 v58;
	v51 =	vunpack.i.u.bf16.f32 v59  }
0x13e: {  	v49 =	vld.idx.msk [tilespmem:v49+s6+$0x0], $0xffff;
	v62 =	vadd.f32 v51, v61;
	v42 =	vmul.bf16 v50, v42;
	v50 =	vor.u32 s19, v32  }
0x13f: {  	v46 =	vunpack.i.l.bf16.f32 v59;
	v63 =	vunpack.i.l.bf16.f32 v48;
	v33 =	vld.idx.msk [tilespmem:v53+s1+$0x0], $0xffff;
	v51 =	vunpack.i.u.bf16.f32 v39  }
0x140: {  	v39 =	vld.idx.msk [tilespmem:v56+s6+$0x0], $0xffff;
	v55 =	vmul.bf16 v52, v60;
	v48 =	vadd.f32 v54, v62;
	v54 =	vadd.f32 v63, v45  }
0x141: {  	s20 =	simm.s32 $0x10;
	v52 =	vunpack.i.u.bf16.f32 v42;
	v44 =	vunpack.i.l.bf16.f32 v42;
	v42 =	vld.idx.msk [tilespmem:v53+s6+$0x0], $0xffff;
	v53 =	vimm.f32 $0.0e+00  }
.LBB2_14:
0x142: {  	p0 =	sne.s32 s20, $0x30;
	v45 =	vadd.f32 v51, v45;
	v51 =	vunpack.i.u.bf16.f32 v55;
	v55 =	vunpack.i.l.bf16.f32 v55;
	v34 =	vld.idx.msk [tilespmem:v34+s1+$0x0], $0xffff;
	s21 =	smov.u32 s20;
	s20 =	sadd.s32 $0x10, s20  }
0x143: {  	v37 =	vadd.f32 v37, v53;
	v46 =	vadd.f32 v46, v54;
	v53 =	vor.u32 s19, v30;
	v54 =	vld.idx.msk [tilespmem:v50+s6+$0x0], $0xffff  }
0x144: {  	v56 =	vunpack.i.u.bf16.f32 v41;
	v41 =	vunpack.i.l.bf16.f32 v41;
	v48 =	vadd.f32 v52, v48;
	v50 =	vld.idx.msk [tilespmem:v50+s1+$0x0], $0xffff  }
0x145: {  	v36 =	vadd.f32 v36, v46;
	v40 =	vmul.bf16 v49, v40;
	v46 =	vor.u32 s19, v23;
	s19 =	smov.u32 s21;
	v49 =	vld.idx.msk [tilespmem:v43+s1+$0x0], $0xffff  }
0x146: {  	v52 =	vor.u32 s19, v18;
	v57 =	vor.u32 s19, v17;
	v39 =	vmul.bf16 v39, v47;
	v47 =	vld.idx.msk [tilespmem:v38+s6+$0x0], $0xffff  }
0x147: {  	v37 =	vadd.f32 v41, v37;
	v41 =	vunpack.i.u.bf16.f32 v40;
	v40 =	vunpack.i.l.bf16.f32 v40;
	v43 =	vld.idx.msk [tilespmem:v43+s6+$0x0], $0xffff  }
0x148: {  	v58 =	vor.u32 s19, v21;
	v36 =	vadd.f32 v44, v36;
	v34 =	vmul.bf16 v35, v34;
	v35 =	vld.idx.msk [tilespmem:v53+s6+$0x0], $0xffff  }
0x149: {  	v33 =	vmul.bf16 v42, v33;
	v42 =	vunpack.i.u.bf16.f32 v39;
	v39 =	vunpack.i.l.bf16.f32 v39;
	v44 =	vld.idx.msk [tilespmem:v53+s1+$0x0], $0xffff  }
0x14a: {  	v59 =	vor.u32 s19, v19;
	v36 =	vadd.f32 v39, v36;
	v53 =	vor.u32 s19, v20;
	v38 =	vld.idx.msk [tilespmem:v38+s1+$0x0], $0xffff  }
0x14b: {  	v39 =	vadd.f32 v56, v45;
	v45 =	vunpack.i.u.bf16.f32 v33;
	v56 =	vunpack.i.l.bf16.f32 v34;
	v60 =	vld.idx.msk [tilespmem:v46+s1+$0x0], $0xffff  }
0x14c: {  	v37 =	vadd.f32 v55, v37;
	v33 =	vunpack.i.l.bf16.f32 v33;
	v36 =	vadd.f32 v56, v36;
	v46 =	vld.idx.msk [tilespmem:v46+s6+$0x0], $0xffff  }
0x14d: {  	v42 =	vadd.f32 v42, v48;
	v34 =	vunpack.i.u.bf16.f32 v34;
	v39 =	vadd.f32 v51, v39;
	v55 =	vld.idx.msk [tilespmem:v57+s6+$0x0], $0xffff  }
0x14e: {  	v37 =	vadd.f32 v40, v37;
	v40 =	vmul.bf16 v43, v49;
	v43 =	vmul.bf16 v54, v50;
	v48 =	vld.idx.msk [tilespmem:v52+s6+$0x0], $0xffff  }
0x14f: {  	v39 =	vadd.f32 v41, v39;
	v41 =	vadd.f32 v34, v42;
	v34 =	vmul.bf16 v35, v44;
	v49 =	vld.idx.msk [tilespmem:v59+s1+$0x0], $0xffff  }
0x150: {  	v33 =	vadd.f32 v33, v37;
	v37 =	vunpack.i.u.bf16.f32 v40;
	v42 =	vunpack.i.u.bf16.f32 v43;
	v35 =	vld.idx.msk [tilespmem:v57+s1+$0x0], $0xffff  }
0x151: {  	v56 =	vor.u32 s19, v26;
	v39 =	vadd.f32 v45, v39;
	v54 =	vunpack.i.l.bf16.f32 v34;
	v44 =	vld.idx.msk [tilespmem:v59+s6+$0x0], $0xffff  }
0x152: {  	v50 =	vor.u32 s19, v22;
	v40 =	vunpack.i.l.bf16.f32 v40;
	v38 =	vmul.bf16 v47, v38;
	v45 =	vld.idx.msk [tilespmem:v52+s1+$0x0], $0xffff  }
0x153: {  	v51 =	vor.u32 s19, v24;
	v43 =	vunpack.i.l.bf16.f32 v43;
	v46 =	vmul.bf16 v46, v60;
	v47 =	vld.idx.msk [tilespmem:v53+s6+$0x0], $0xffff  }
0x154: {  	v36 =	vadd.f32 v40, v36;
	v57 =	vunpack.i.u.bf16.f32 v34;
	v52 =	vld.idx.msk [tilespmem:v53+s1+$0x0], $0xffff;
	v53 =	vunpack.i.l.bf16.f32 v38  }
0x155: {  	v37 =	vadd.f32 v37, v41;
	v34 =	vor.u32 s19, v29;
	v38 =	vunpack.i.u.bf16.f32 v38;
	v40 =	vld.idx.msk [tilespmem:v58+s1+$0x0], $0xffff  }
0x156: {  	v43 =	vadd.f32 v43, v36;
	v55 =	vmul.bf16 v55, v35;
	v53 =	vadd.f32 v53, v33;
	v41 =	vld.idx.msk [tilespmem:v58+s6+$0x0], $0xffff  }
0x157: {  	v59 =	vor.u32 s19, v25;
	v33 =	vadd.f32 v38, v39;
	v35 =	vadd.f32 v42, v37;
	v58 =	vld.idx.msk [tilespmem:v50+s6+$0x0], $0xffff  }
0x158: {  	v60 =	vor.u32 s19, v27;
	v39 =	vunpack.i.l.bf16.f32 v46;
	v38 =	vmul.bf16 v48, v45;
	v42 =	vld.idx.msk [tilespmem:v51+s6+$0x0], $0xffff  }
0x159: {  	v44 =	vmul.bf16 v44, v49;
	v36 =	vunpack.i.u.bf16.f32 v55;
	v45 =	vunpack.i.u.bf16.f32 v46;
	v61 =	vld.idx.msk [tilespmem:v51+s1+$0x0], $0xffff  }
0x15a: {  	v45 =	vadd.f32 v45, v33;
	v37 =	vunpack.i.l.bf16.f32 v38;
	v46 =	vmul.bf16 v47, v52;
	v47 =	vld.idx.msk [tilespmem:v50+s1+$0x0], $0xffff  }
0x15b: {  	v48 =	vadd.f32 v36, v35;
	v49 =	vunpack.i.u.bf16.f32 v44;
	v36 =	vunpack.i.l.bf16.f32 v44;
	v33 =	vld.idx.msk [tilespmem:v56+s1+$0x0], $0xffff  }
0x15c: {  	v52 =	vadd.f32 v39, v53;
	v44 =	vunpack.i.u.bf16.f32 v46;
	v46 =	vunpack.i.l.bf16.f32 v46;
	v35 =	vld.idx.msk [tilespmem:v34+s6+$0x0], $0xffff  }
.Ltmp5:
0x15d: {  	v45 =	vadd.f32 v57, v45;
	v41 =	vmul.bf16 v41, v40;
	v44 =	vadd.f32 v44, v48;
	v40 =	vld.idx.msk [tilespmem:v59+s1+$0x0], $0xffff;
	(pc) =	sbr.rel @p0 .LBB2_14-.Ltmp5, $4  }
0x15e: {  	v51 =	vunpack.i.u.bf16.f32 v38;
	v50 =	vor.u32 s19, v32;
	v53 =	vadd.f32 v54, v52;
	v39 =	vld.idx.msk [tilespmem:v60+s6+$0x0], $0xffff  }
0x15f: {  	v38 =	vunpack.i.l.bf16.f32 v55;
	v48 =	vadd.f32 v49, v44;
	v42 =	vmul.bf16 v42, v61;
	v49 =	vld.idx.msk [tilespmem:v59+s6+$0x0], $0xffff  }
0x160: {  	v54 =	vadd.f32 v38, v43;
	v43 =	vor.u32 s19, v31;
	v55 =	vmul.bf16 v58, v47;
	v47 =	vld.idx.msk [tilespmem:v60+s1+$0x0], $0xffff  }
0x161: {  	v38 =	vor.u32 s19, v28;
	v52 =	vunpack.i.u.bf16.f32 v42;
	v44 =	vunpack.i.l.bf16.f32 v42;
	v42 =	vld.idx.msk [tilespmem:v56+s6+$0x0], $0xffff  }
0x162: {  	_ =	sdelay $0x3  }
0x163: {  	v17 =	vld.idx.msk [tilespmem:v34+s1+$0x0], $0xffff  }
0x164: {  	v20 =	vld.idx.msk [tilespmem:v50+s6+$0x0], $0xffff  }
0x165: {  	v18 =	vadd.f32 v46, v54;
	v19 =	vor.u32 s19, v30;
	v25 =	vld.idx.msk [tilespmem:v50+s1+$0x0], $0xffff  }
0x166: {  	v21 =	vadd.f32 v51, v45;
	v22 =	vunpack.i.u.bf16.f32 v55;
	v24 =	vunpack.i.l.bf16.f32 v55;
	v28 =	vld.idx.msk [tilespmem:v43+s1+$0x0], $0xffff  }
0x167: {  	v26 =	vadd.f32 v37, v53;
	v27 =	vunpack.i.u.bf16.f32 v41;
	v29 =	vunpack.i.l.bf16.f32 v41;
	v31 =	vld.idx.msk [tilespmem:v38+s6+$0x0], $0xffff  }
0x168: {  	v32 =	vadd.f32 v52, v48;
	v46 =	vld.idx.msk [tilespmem:v43+s6+$0x0], $0xffff;
	v18 =	vadd.f32 v36, v18;
	v41 =	vmul.bf16 v49, v40  }
0x169: {  	v23 =	vor.u32 s19, v23;
	v50 =	vld.idx.msk [tilespmem:v38+s1+$0x0], $0xffff;
	v26 =	vadd.f32 v29, v26;
	v21 =	vadd.f32 v27, v21  }
0x16a: {  	v45 =	vmul.bf16 v39, v47;
	v47 =	vunpack.i.u.bf16.f32 v41;
	v30 =	vunpack.i.l.bf16.f32 v41  }
0x16b: {  	v18 =	vadd.f32 v44, v18;
	v33 =	vmul.bf16 v42, v33;
	v24 =	vadd.f32 v24, v26  }
0x16c: {  	v21 =	vadd.f32 v22, v21;
	v17 =	vmul.bf16 v35, v17;
	v49 =	vunpack.i.l.bf16.f32 v45  }
0x16d: {  	v48 =	vld.idx.msk [tilespmem:v19+s6+$0x0], $0xffff;
	v34 =	vunpack.i.u.bf16.f32 v45;
	v28 =	vmul.bf16 v46, v28;
	v20 =	vmul.bf16 v20, v25  }
0x16e: {  	v53 =	vld.idx.msk [tilespmem:v23+s1+$0x0], $0xffff;
	v58 =	vmul.bf16 v31, v50;
	v18 =	vadd.f32 v49, v18;
	v51 =	vunpack.i.u.bf16.f32 v33  }
0x16f: {  	v23 =	vld.idx.msk [tilespmem:v23+s6+$0x0], $0xffff;
	v54 =	vunpack.i.l.bf16.f32 v33;
	v55 =	vadd.f32 v34, v32;
	v24 =	vadd.f32 v30, v24  }
0x170: {  	v19 =	vld.idx.msk [tilespmem:v19+s1+$0x0], $0xffff;
	v21 =	vadd.f32 v47, v21;
	v52 =	vunpack.i.l.bf16.f32 v17;
	v17 =	vunpack.i.u.bf16.f32 v17  }
0x171: {  	v57 =	vunpack.i.u.bf16.f32 v28;
	v25 =	vunpack.i.u.bf16.f32 v20;
	v59 =	vunpack.i.l.bf16.f32 v28  }
0x172: {  	v60 =	vunpack.i.l.bf16.f32 v58;
	v26 =	vunpack.i.u.bf16.f32 v58;
	v18 =	vadd.f32 v52, v18  }
0x173: {  	v20 =	vunpack.i.l.bf16.f32 v20;
	v56 =	vadd.f32 v54, v24;
	v21 =	vadd.f32 v51, v21  }
0x174: {  	v17 =	vadd.f32 v17, v55;
	v23 =	vmul.bf16 v23, v53;
	v18 =	vadd.f32 v59, v18  }
0x175: {  	v19 =	vmul.bf16 v48, v19;
	v22 =	vadd.f32 v60, v56;
	v21 =	vadd.f32 v26, v21  }
0x176: {  	v17 =	vadd.f32 v57, v17;
	v62 =	vunpack.i.l.bf16.f32 v23;
	v23 =	vunpack.i.u.bf16.f32 v23  }
0x177: {  	v61 =	vunpack.i.l.bf16.f32 v19;
	v21 =	vadd.f32 v23, v21;
	v22 =	vadd.f32 v62, v22  }
0x178: {  	v19 =	vunpack.i.u.bf16.f32 v19;
	v18 =	vadd.f32 v20, v18;
	v17 =	vadd.f32 v25, v17  }
0x179: {  	s16 =	sadd.s32 $0x1, s16;
	v19 =	vadd.f32 v19, v21;
	v63 =	vadd.f32 v61, v22  }
0x17a: {  	p0 =	sne.s32 s16, $0x5  }
.Ltmp6:
0x17b: {  	v17 =	vadd.f32 v17, v18;
	v19 =	vadd.f32 v19, v63;
	(pc) =	sbr.rel @p0 .LBB2_13-.Ltmp6, $3  }
0x17c: {  	_ = 	snop  }
0x17d: {  	v17 =	vadd.f32 v17, v19;
	_ =	sdelay $0x1  }
0x17e: {  	[tilespmem:s17+$0x1D6A0] =	vst v17  }
0x17f: {  	s16 =	sadd.s32 s5, s26  }
0x180: {  	s16 =	sshrl.u32 s16, $0x3  }
0x181: {  	s17 =	sadd.s32 s0, s16;
	s16 =	simm.s32 $0x0  }
0x182: {  	[hbm4b:s17+s16] =	stream.linear.scatter [tilespmem:s7], [sflag:$0x6], $0x50, $0x38;
	[tilespmem:$0x1D740] =	vst v63  }
0x183: {  	_ =	swait.ge [sflag:s13], $0x1400  }
0x184: {  	[sflag:s13] =	ssyncset.done $0x0  }
0x185: {  	[sflag:s13] =	ssyncadd.s32 $0xFFFFEC00  }
0x186: {  	_ =	swait.ge [sflag:s13], $0x1400  }
0x187: {  	[sflag:s13] =	ssyncset.done $0x0  }
0x188: {  	s21 =	sadd.s32 $0x13920, s26;
	[sflag:s13] =	ssyncadd.s32 $0xFFFFEC00  }
0x189: {  	[tilespmem:s1], [sflag:$0x4] =	stream.indirect.gather [spmem:s3], $0x40, s21, s2, $0xb8;
	[tilespmem:$0x1D740] =	vst v63  }
0x18a: {  	s26 =	sadd.s32 $0x16030, s26  }
0x18b: {  	[tilespmem:s6], [sflag:$0x4] =	stream.indirect.gather [spmem:s3], $0x40, s26, s2, $0xb8;
	[tilespmem:$0x1D740] =	vst v63  }
0x18c: {  	_ =	swait.ge [sflag:s22], $0x50  }
0x18d: {  	[sflag:s22] =	ssyncset.done $0x0  }
0x18e: {  	s26 =	simm.s32 $0x0;
	[sflag:s22] =	ssyncadd.s32 $0xFFFFFFB0  }
.LBB2_17:
0x18f: {  	s17 =	sshll.u32 s26, $0x4  }
0x190: {  	v17 =	vmov s17  }
0x191: {  	v17 =	vshll.u32 v17, $0x6  }
0x192: {  	v32 =	vor.u32 v1, v17  }
0x193: {  	v17 =	vor.u32 v2, v32  }
0x194: {  	v18 =	vor.u32 v0, v32;
	v22 =	vor.u32 s16, v17  }
0x195: {  	v19 =	vor.u32 v6, v32;
	v23 =	vor.u32 s16, v18  }
0x196: {  	v24 =	vor.u32 s16, v19;
	_ =	sdelay $0x2  }
0x197: {  	v20 =	vor.u32 v4, v32;
	v33 =	vld.idx.msk [tilespmem:v22+s11+$0x0], $0xffff  }
0x198: {  	v25 =	vor.u32 s16, v20;
	v35 =	vld.idx.msk [tilespmem:v23+s11+$0x0], $0xffff  }
0x199: {  	v21 =	vor.u32 v3, v32;
	v36 =	vld.idx.msk [tilespmem:v24+s10+$0x0], $0xffff  }
0x19a: {  	v30 =	vor.u32 s16, v21;
	v37 =	vld.idx.msk [tilespmem:v22+s10+$0x0], $0xffff  }
0x19b: {  	v29 =	vor.u32 v12, v32;
	v38 =	vld.idx.msk [tilespmem:v24+s11+$0x0], $0xffff  }
0x19c: {  	v34 =	vor.u32 s16, v29;
	v24 =	vor.u32 v9, v32;
	v39 =	vld.idx.msk [tilespmem:v23+s10+$0x0], $0xffff  }
0x19d: {  	v41 =	vld.idx.msk [tilespmem:v25+s11+$0x0], $0xffff;
	v42 =	vor.u32 s16, v24  }
0x19e: {  	v22 =	vor.u32 v5, v32;
	v43 =	vld.idx.msk [tilespmem:v25+s10+$0x0], $0xffff  }
0x19f: {  	v45 =	vimm.f32 $0.0e+00;
	v44 =	vld.idx.msk [tilespmem:v30+s10+$0x0], $0xffff;
	v40 =	vor.u32 s16, v22  }
0x1a0: {  	v26 =	vor.u32 v7, v32;
	v27 =	vor.u32 v10, v32;
	v28 =	vor.u32 v11, v32;
	v47 =	vld.idx.msk [tilespmem:v30+s11+$0x0], $0xffff  }
0x1a1: {  	v56 =	vor.u32 s16, v27;
	v25 =	vor.u32 v8, v32;
	v39 =	vmul.bf16 v35, v39;
	v35 =	vld.idx.msk [tilespmem:v34+s11+$0x0], $0xffff  }
0x1a2: {  	v31 =	vor.u32 v14, v32;
	v53 =	vor.u32 s16, v26;
	v49 =	vor.u32 s16, v25;
	v50 =	vld.idx.msk [tilespmem:v42+s11+$0x0], $0xffff  }
0x1a3: {  	v23 =	vor.u32 v13, v32;
	v30 =	vor.u32 v15, v32;
	v48 =	vmul.bf16 v33, v37;
	v42 =	vld.idx.msk [tilespmem:v42+s10+$0x0], $0xffff  }
0x1a4: {  	v32 =	vor.u32 v16, v32;
	v58 =	vmul.bf16 v38, v36;
	v59 =	vmul.bf16 v41, v43;
	v52 =	vld.idx.msk [tilespmem:v40+s11+$0x0], $0xffff  }
0x1a5: {  	v41 =	vmul.bf16 v47, v44;
	v43 =	vor.u32 s16, v31;
	v60 =	vld.idx.msk [tilespmem:v40+s10+$0x0], $0xffff;
	v33 =	vunpack.i.u.bf16.f32 v48  }
0x1a6: {  	v47 =	vld.idx.msk [tilespmem:v56+s10+$0x0], $0xffff;
	v38 =	vor.u32 s16, v28;
	v37 =	vunpack.i.l.bf16.f32 v39;
	v61 =	vadd.f32 v33, v45  }
0x1a7: {  	v40 =	vld.idx.msk [tilespmem:v49+s10+$0x0], $0xffff;
	v54 =	vunpack.i.u.bf16.f32 v58;
	v36 =	vunpack.i.l.bf16.f32 v58;
	v51 =	vunpack.i.u.bf16.f32 v59  }
0x1a8: {  	v49 =	vld.idx.msk [tilespmem:v49+s11+$0x0], $0xffff;
	v62 =	vadd.f32 v51, v61;
	v42 =	vmul.bf16 v50, v42;
	v50 =	vor.u32 s16, v32  }
0x1a9: {  	v46 =	vunpack.i.l.bf16.f32 v59;
	v63 =	vunpack.i.l.bf16.f32 v48;
	v33 =	vld.idx.msk [tilespmem:v53+s10+$0x0], $0xffff;
	v51 =	vunpack.i.u.bf16.f32 v39  }
0x1aa: {  	v39 =	vld.idx.msk [tilespmem:v56+s11+$0x0], $0xffff;
	v55 =	vmul.bf16 v52, v60;
	v48 =	vadd.f32 v54, v62;
	v54 =	vadd.f32 v63, v45  }
0x1ab: {  	s20 =	simm.s32 $0x10;
	s19 =	simm.s32 $0x0;
	v52 =	vunpack.i.u.bf16.f32 v42;
	v44 =	vunpack.i.l.bf16.f32 v42;
	v42 =	vld.idx.msk [tilespmem:v53+s11+$0x0], $0xffff;
	v53 =	vimm.f32 $0.0e+00  }
.LBB2_18:
0x1ac: {  	p0 =	sne.s32 s20, $0x30;
	v45 =	vadd.f32 v51, v45;
	v51 =	vunpack.i.u.bf16.f32 v55;
	v55 =	vunpack.i.l.bf16.f32 v55;
	v34 =	vld.idx.msk [tilespmem:v34+s10+$0x0], $0xffff;
	s21 =	smov.u32 s20;
	s20 =	sadd.s32 $0x10, s20  }
0x1ad: {  	v37 =	vadd.f32 v37, v53;
	v46 =	vadd.f32 v46, v54;
	v53 =	vor.u32 s19, v30;
	v54 =	vld.idx.msk [tilespmem:v50+s11+$0x0], $0xffff  }
0x1ae: {  	v56 =	vunpack.i.u.bf16.f32 v41;
	v41 =	vunpack.i.l.bf16.f32 v41;
	v48 =	vadd.f32 v52, v48;
	v50 =	vld.idx.msk [tilespmem:v50+s10+$0x0], $0xffff  }
0x1af: {  	v36 =	vadd.f32 v36, v46;
	v40 =	vmul.bf16 v49, v40;
	v46 =	vor.u32 s19, v23;
	s19 =	smov.u32 s21;
	v49 =	vld.idx.msk [tilespmem:v43+s10+$0x0], $0xffff  }
0x1b0: {  	v52 =	vor.u32 s19, v18;
	v57 =	vor.u32 s19, v17;
	v39 =	vmul.bf16 v39, v47;
	v47 =	vld.idx.msk [tilespmem:v38+s11+$0x0], $0xffff  }
0x1b1: {  	v37 =	vadd.f32 v41, v37;
	v41 =	vunpack.i.u.bf16.f32 v40;
	v40 =	vunpack.i.l.bf16.f32 v40;
	v43 =	vld.idx.msk [tilespmem:v43+s11+$0x0], $0xffff  }
0x1b2: {  	v58 =	vor.u32 s19, v21;
	v36 =	vadd.f32 v44, v36;
	v34 =	vmul.bf16 v35, v34;
	v35 =	vld.idx.msk [tilespmem:v53+s11+$0x0], $0xffff  }
0x1b3: {  	v33 =	vmul.bf16 v42, v33;
	v42 =	vunpack.i.u.bf16.f32 v39;
	v39 =	vunpack.i.l.bf16.f32 v39;
	v44 =	vld.idx.msk [tilespmem:v53+s10+$0x0], $0xffff  }
0x1b4: {  	v59 =	vor.u32 s19, v19;
	v36 =	vadd.f32 v39, v36;
	v53 =	vor.u32 s19, v20;
	v38 =	vld.idx.msk [tilespmem:v38+s10+$0x0], $0xffff  }
0x1b5: {  	v39 =	vadd.f32 v56, v45;
	v45 =	vunpack.i.u.bf16.f32 v33;
	v56 =	vunpack.i.l.bf16.f32 v34;
	v60 =	vld.idx.msk [tilespmem:v46+s10+$0x0], $0xffff  }
0x1b6: {  	v37 =	vadd.f32 v55, v37;
	v33 =	vunpack.i.l.bf16.f32 v33;
	v36 =	vadd.f32 v56, v36;
	v46 =	vld.idx.msk [tilespmem:v46+s11+$0x0], $0xffff  }
0x1b7: {  	v42 =	vadd.f32 v42, v48;
	v34 =	vunpack.i.u.bf16.f32 v34;
	v39 =	vadd.f32 v51, v39;
	v55 =	vld.idx.msk [tilespmem:v57+s11+$0x0], $0xffff  }
0x1b8: {  	v37 =	vadd.f32 v40, v37;
	v40 =	vmul.bf16 v43, v49;
	v43 =	vmul.bf16 v54, v50;
	v48 =	vld.idx.msk [tilespmem:v52+s11+$0x0], $0xffff  }
0x1b9: {  	v39 =	vadd.f32 v41, v39;
	v41 =	vadd.f32 v34, v42;
	v34 =	vmul.bf16 v35, v44;
	v49 =	vld.idx.msk [tilespmem:v59+s10+$0x0], $0xffff  }
0x1ba: {  	v33 =	vadd.f32 v33, v37;
	v37 =	vunpack.i.u.bf16.f32 v40;
	v42 =	vunpack.i.u.bf16.f32 v43;
	v35 =	vld.idx.msk [tilespmem:v57+s10+$0x0], $0xffff  }
0x1bb: {  	v56 =	vor.u32 s19, v26;
	v39 =	vadd.f32 v45, v39;
	v54 =	vunpack.i.l.bf16.f32 v34;
	v44 =	vld.idx.msk [tilespmem:v59+s11+$0x0], $0xffff  }
0x1bc: {  	v50 =	vor.u32 s19, v22;
	v40 =	vunpack.i.l.bf16.f32 v40;
	v38 =	vmul.bf16 v47, v38;
	v45 =	vld.idx.msk [tilespmem:v52+s10+$0x0], $0xffff  }
0x1bd: {  	v51 =	vor.u32 s19, v24;
	v43 =	vunpack.i.l.bf16.f32 v43;
	v46 =	vmul.bf16 v46, v60;
	v47 =	vld.idx.msk [tilespmem:v53+s11+$0x0], $0xffff  }
0x1be: {  	v36 =	vadd.f32 v40, v36;
	v57 =	vunpack.i.u.bf16.f32 v34;
	v52 =	vld.idx.msk [tilespmem:v53+s10+$0x0], $0xffff;
	v53 =	vunpack.i.l.bf16.f32 v38  }
0x1bf: {  	v37 =	vadd.f32 v37, v41;
	v34 =	vor.u32 s19, v29;
	v38 =	vunpack.i.u.bf16.f32 v38;
	v40 =	vld.idx.msk [tilespmem:v58+s10+$0x0], $0xffff  }
0x1c0: {  	v43 =	vadd.f32 v43, v36;
	v55 =	vmul.bf16 v55, v35;
	v53 =	vadd.f32 v53, v33;
	v41 =	vld.idx.msk [tilespmem:v58+s11+$0x0], $0xffff  }
0x1c1: {  	v59 =	vor.u32 s19, v25;
	v33 =	vadd.f32 v38, v39;
	v35 =	vadd.f32 v42, v37;
	v58 =	vld.idx.msk [tilespmem:v50+s11+$0x0], $0xffff  }
0x1c2: {  	v60 =	vor.u32 s19, v27;
	v39 =	vunpack.i.l.bf16.f32 v46;
	v38 =	vmul.bf16 v48, v45;
	v42 =	vld.idx.msk [tilespmem:v51+s11+$0x0], $0xffff  }
0x1c3: {  	v44 =	vmul.bf16 v44, v49;
	v36 =	vunpack.i.u.bf16.f32 v55;
	v45 =	vunpack.i.u.bf16.f32 v46;
	v61 =	vld.idx.msk [tilespmem:v51+s10+$0x0], $0xffff  }
0x1c4: {  	v45 =	vadd.f32 v45, v33;
	v37 =	vunpack.i.l.bf16.f32 v38;
	v46 =	vmul.bf16 v47, v52;
	v47 =	vld.idx.msk [tilespmem:v50+s10+$0x0], $0xffff  }
0x1c5: {  	v48 =	vadd.f32 v36, v35;
	v49 =	vunpack.i.u.bf16.f32 v44;
	v36 =	vunpack.i.l.bf16.f32 v44;
	v33 =	vld.idx.msk [tilespmem:v56+s10+$0x0], $0xffff  }
0x1c6: {  	v52 =	vadd.f32 v39, v53;
	v44 =	vunpack.i.u.bf16.f32 v46;
	v46 =	vunpack.i.l.bf16.f32 v46;
	v35 =	vld.idx.msk [tilespmem:v34+s11+$0x0], $0xffff  }
.Ltmp7:
0x1c7: {  	v45 =	vadd.f32 v57, v45;
	v41 =	vmul.bf16 v41, v40;
	v44 =	vadd.f32 v44, v48;
	v40 =	vld.idx.msk [tilespmem:v59+s10+$0x0], $0xffff;
	(pc) =	sbr.rel @p0 .LBB2_18-.Ltmp7, $4  }
0x1c8: {  	v51 =	vunpack.i.u.bf16.f32 v38;
	v50 =	vor.u32 s19, v32;
	v53 =	vadd.f32 v54, v52;
	v39 =	vld.idx.msk [tilespmem:v60+s11+$0x0], $0xffff  }
0x1c9: {  	v38 =	vunpack.i.l.bf16.f32 v55;
	v48 =	vadd.f32 v49, v44;
	v42 =	vmul.bf16 v42, v61;
	v49 =	vld.idx.msk [tilespmem:v59+s11+$0x0], $0xffff  }
0x1ca: {  	v54 =	vadd.f32 v38, v43;
	v43 =	vor.u32 s19, v31;
	v55 =	vmul.bf16 v58, v47;
	v47 =	vld.idx.msk [tilespmem:v60+s10+$0x0], $0xffff  }
0x1cb: {  	v38 =	vor.u32 s19, v28;
	v52 =	vunpack.i.u.bf16.f32 v42;
	v44 =	vunpack.i.l.bf16.f32 v42;
	v42 =	vld.idx.msk [tilespmem:v56+s11+$0x0], $0xffff  }
0x1cc: {  	_ =	sdelay $0x3  }
0x1cd: {  	v17 =	vld.idx.msk [tilespmem:v34+s10+$0x0], $0xffff  }
0x1ce: {  	v20 =	vld.idx.msk [tilespmem:v50+s11+$0x0], $0xffff  }
0x1cf: {  	v18 =	vadd.f32 v46, v54;
	v19 =	vor.u32 s19, v30;
	v25 =	vld.idx.msk [tilespmem:v50+s10+$0x0], $0xffff  }
0x1d0: {  	v21 =	vadd.f32 v51, v45;
	v22 =	vunpack.i.u.bf16.f32 v55;
	v24 =	vunpack.i.l.bf16.f32 v55;
	v28 =	vld.idx.msk [tilespmem:v43+s10+$0x0], $0xffff  }
0x1d1: {  	v26 =	vadd.f32 v37, v53;
	v27 =	vunpack.i.u.bf16.f32 v41;
	v29 =	vunpack.i.l.bf16.f32 v41;
	v31 =	vld.idx.msk [tilespmem:v38+s11+$0x0], $0xffff  }
0x1d2: {  	v32 =	vadd.f32 v52, v48;
	v46 =	vld.idx.msk [tilespmem:v43+s11+$0x0], $0xffff;
	v18 =	vadd.f32 v36, v18;
	v41 =	vmul.bf16 v49, v40  }
0x1d3: {  	v23 =	vor.u32 s19, v23;
	v50 =	vld.idx.msk [tilespmem:v38+s10+$0x0], $0xffff;
	v26 =	vadd.f32 v29, v26;
	v21 =	vadd.f32 v27, v21  }
0x1d4: {  	v45 =	vmul.bf16 v39, v47;
	v47 =	vunpack.i.u.bf16.f32 v41;
	v30 =	vunpack.i.l.bf16.f32 v41  }
0x1d5: {  	v18 =	vadd.f32 v44, v18;
	v33 =	vmul.bf16 v42, v33;
	v24 =	vadd.f32 v24, v26  }
0x1d6: {  	v21 =	vadd.f32 v22, v21;
	v17 =	vmul.bf16 v35, v17;
	v49 =	vunpack.i.l.bf16.f32 v45  }
0x1d7: {  	v48 =	vld.idx.msk [tilespmem:v19+s11+$0x0], $0xffff;
	v34 =	vunpack.i.u.bf16.f32 v45;
	v28 =	vmul.bf16 v46, v28;
	v20 =	vmul.bf16 v20, v25  }
0x1d8: {  	v53 =	vld.idx.msk [tilespmem:v23+s10+$0x0], $0xffff;
	v58 =	vmul.bf16 v31, v50;
	v18 =	vadd.f32 v49, v18;
	v51 =	vunpack.i.u.bf16.f32 v33  }
0x1d9: {  	v23 =	vld.idx.msk [tilespmem:v23+s11+$0x0], $0xffff;
	v54 =	vunpack.i.l.bf16.f32 v33;
	v55 =	vadd.f32 v34, v32;
	v24 =	vadd.f32 v30, v24  }
0x1da: {  	v19 =	vld.idx.msk [tilespmem:v19+s10+$0x0], $0xffff;
	v21 =	vadd.f32 v47, v21;
	v52 =	vunpack.i.l.bf16.f32 v17;
	v17 =	vunpack.i.u.bf16.f32 v17  }
0x1db: {  	v57 =	vunpack.i.u.bf16.f32 v28;
	v25 =	vunpack.i.u.bf16.f32 v20;
	v59 =	vunpack.i.l.bf16.f32 v28  }
0x1dc: {  	v60 =	vunpack.i.l.bf16.f32 v58;
	v26 =	vunpack.i.u.bf16.f32 v58;
	v18 =	vadd.f32 v52, v18  }
0x1dd: {  	v20 =	vunpack.i.l.bf16.f32 v20;
	v56 =	vadd.f32 v54, v24;
	v21 =	vadd.f32 v51, v21  }
0x1de: {  	v17 =	vadd.f32 v17, v55;
	v23 =	vmul.bf16 v23, v53;
	v18 =	vadd.f32 v59, v18  }
0x1df: {  	v19 =	vmul.bf16 v48, v19;
	v22 =	vadd.f32 v60, v56;
	v21 =	vadd.f32 v26, v21  }
0x1e0: {  	v17 =	vadd.f32 v57, v17;
	v62 =	vunpack.i.l.bf16.f32 v23;
	v23 =	vunpack.i.u.bf16.f32 v23  }
0x1e1: {  	v61 =	vunpack.i.l.bf16.f32 v19;
	v21 =	vadd.f32 v23, v21;
	v22 =	vadd.f32 v62, v22  }
0x1e2: {  	v19 =	vunpack.i.u.bf16.f32 v19;
	v18 =	vadd.f32 v20, v18;
	v17 =	vadd.f32 v25, v17  }
0x1e3: {  	s26 =	sadd.s32 $0x1, s26;
	v19 =	vadd.f32 v19, v21;
	v63 =	vadd.f32 v61, v22  }
0x1e4: {  	p0 =	sne.s32 s26, $0x5  }
.Ltmp8:
0x1e5: {  	v17 =	vadd.f32 v17, v18;
	v19 =	vadd.f32 v19, v63;
	(pc) =	sbr.rel @p0 .LBB2_17-.Ltmp8, $3  }
0x1e6: {  	_ = 	snop  }
0x1e7: {  	v17 =	vadd.f32 v17, v19;
	_ =	sdelay $0x1  }
0x1e8: {  	[tilespmem:s17+$0x1D6F0] =	vst v17  }
0x1e9: {  	s23 =	sadd.s32 $0x1, s23  }
0x1ea: {  	p0 =	sne.s32 s23, $0x3E  }
.Ltmp9:
0x1eb: {  	_ = 	snop;
	(pc) =	sbr.rel @p0 .LBB2_12-.Ltmp9, $4  }
0x1ec: {  	s15 =	sadd.s32 s5, s15  }
0x1ed: {  	s15 =	sshrl.u32 s15, $0x3  }
0x1ee: {  	s15 =	sadd.s32 s0, s15  }
0x1ef: {  	[hbm4b:s15+s4] =	stream.linear.scatter [tilespmem:s8], [sflag:$0x7], $0x50, $0x38;
	[tilespmem:$0x1D740] =	vst v63  }
0x1f0: {  	_ =	swait.ge [sflag:s9], $0x1400  }
0x1f1: {  	[sflag:s9] =	ssyncset.done $0x0  }
0x1f2: {  	[sflag:s9] =	ssyncadd.s32 $0xFFFFEC00  }
0x1f3: {  	_ =	swait.ge [sflag:s9], $0x1400  }
0x1f4: {  	[sflag:s9] =	ssyncset.done $0x0  }
0x1f5: {  	[sflag:s9] =	ssyncadd.s32 $0xFFFFEC00  }
0x1f6: {  	_ =	swait.ge [sflag:s12], $0x50  }
0x1f7: {  	s15 =	simm.s32 $0x0;
	[sflag:s12] =	ssyncset.done $0x0  }
0x1f8: {  	s16 =	simm.s32 $0x0;
	s23 =	simm.s32 $0xDAC0;
	[sflag:s12] =	ssyncadd.s32 $0xFFFFFFB0  }
.LBB2_22:
0x1f9: {  	s17 =	sshll.u32 s16, $0x4  }
0x1fa: {  	v17 =	vmov s17  }
0x1fb: {  	v17 =	vshll.u32 v17, $0x6  }
0x1fc: {  	v32 =	vor.u32 v1, v17  }
0x1fd: {  	v17 =	vor.u32 v2, v32  }
0x1fe: {  	v18 =	vor.u32 v0, v32;
	v22 =	vor.u32 s15, v17  }
0x1ff: {  	v19 =	vor.u32 v6, v32;
	v23 =	vor.u32 s15, v18  }
0x200: {  	v24 =	vor.u32 s15, v19;
	_ =	sdelay $0x2  }
0x201: {  	v20 =	vor.u32 v4, v32;
	v33 =	vld.idx.msk [tilespmem:v22+s6+$0x0], $0xffff  }
0x202: {  	v25 =	vor.u32 s15, v20;
	v35 =	vld.idx.msk [tilespmem:v23+s6+$0x0], $0xffff  }
0x203: {  	v21 =	vor.u32 v3, v32;
	v36 =	vld.idx.msk [tilespmem:v24+s1+$0x0], $0xffff  }
0x204: {  	v30 =	vor.u32 s15, v21;
	v37 =	vld.idx.msk [tilespmem:v22+s1+$0x0], $0xffff  }
0x205: {  	v29 =	vor.u32 v12, v32;
	v38 =	vld.idx.msk [tilespmem:v24+s6+$0x0], $0xffff  }
0x206: {  	v34 =	vor.u32 s15, v29;
	v24 =	vor.u32 v9, v32;
	v39 =	vld.idx.msk [tilespmem:v23+s1+$0x0], $0xffff  }
0x207: {  	v41 =	vld.idx.msk [tilespmem:v25+s6+$0x0], $0xffff;
	v42 =	vor.u32 s15, v24  }
0x208: {  	v22 =	vor.u32 v5, v32;
	v43 =	vld.idx.msk [tilespmem:v25+s1+$0x0], $0xffff  }
0x209: {  	v45 =	vimm.f32 $0.0e+00;
	v44 =	vld.idx.msk [tilespmem:v30+s1+$0x0], $0xffff;
	v40 =	vor.u32 s15, v22  }
0x20a: {  	v26 =	vor.u32 v7, v32;
	v27 =	vor.u32 v10, v32;
	v28 =	vor.u32 v11, v32;
	v47 =	vld.idx.msk [tilespmem:v30+s6+$0x0], $0xffff  }
0x20b: {  	v56 =	vor.u32 s15, v27;
	v25 =	vor.u32 v8, v32;
	v39 =	vmul.bf16 v35, v39;
	v35 =	vld.idx.msk [tilespmem:v34+s6+$0x0], $0xffff  }
0x20c: {  	v31 =	vor.u32 v14, v32;
	v53 =	vor.u32 s15, v26;
	v49 =	vor.u32 s15, v25;
	v50 =	vld.idx.msk [tilespmem:v42+s6+$0x0], $0xffff  }
0x20d: {  	v23 =	vor.u32 v13, v32;
	v30 =	vor.u32 v15, v32;
	v48 =	vmul.bf16 v33, v37;
	v42 =	vld.idx.msk [tilespmem:v42+s1+$0x0], $0xffff  }
0x20e: {  	v32 =	vor.u32 v16, v32;
	v58 =	vmul.bf16 v38, v36;
	v59 =	vmul.bf16 v41, v43;
	v52 =	vld.idx.msk [tilespmem:v40+s6+$0x0], $0xffff  }
0x20f: {  	v41 =	vmul.bf16 v47, v44;
	v43 =	vor.u32 s15, v31;
	v60 =	vld.idx.msk [tilespmem:v40+s1+$0x0], $0xffff;
	v33 =	vunpack.i.u.bf16.f32 v48  }
0x210: {  	v47 =	vld.idx.msk [tilespmem:v56+s1+$0x0], $0xffff;
	v38 =	vor.u32 s15, v28;
	v37 =	vunpack.i.l.bf16.f32 v39;
	v61 =	vadd.f32 v33, v45  }
0x211: {  	v40 =	vld.idx.msk [tilespmem:v49+s1+$0x0], $0xffff;
	v54 =	vunpack.i.u.bf16.f32 v58;
	v36 =	vunpack.i.l.bf16.f32 v58;
	v51 =	vunpack.i.u.bf16.f32 v59  }
0x212: {  	v49 =	vld.idx.msk [tilespmem:v49+s6+$0x0], $0xffff;
	v62 =	vadd.f32 v51, v61;
	v42 =	vmul.bf16 v50, v42;
	v50 =	vor.u32 s15, v32  }
0x213: {  	v46 =	vunpack.i.l.bf16.f32 v59;
	v63 =	vunpack.i.l.bf16.f32 v48;
	v33 =	vld.idx.msk [tilespmem:v53+s1+$0x0], $0xffff;
	v51 =	vunpack.i.u.bf16.f32 v39  }
0x214: {  	v39 =	vld.idx.msk [tilespmem:v56+s6+$0x0], $0xffff;
	v55 =	vmul.bf16 v52, v60;
	v48 =	vadd.f32 v54, v62;
	v54 =	vadd.f32 v63, v45  }
0x215: {  	s20 =	simm.s32 $0x10;
	s19 =	simm.s32 $0x0;
	v52 =	vunpack.i.u.bf16.f32 v42;
	v44 =	vunpack.i.l.bf16.f32 v42;
	v42 =	vld.idx.msk [tilespmem:v53+s6+$0x0], $0xffff;
	v53 =	vimm.f32 $0.0e+00  }
.LBB2_23:
0x216: {  	p0 =	sne.s32 s20, $0x30;
	v45 =	vadd.f32 v51, v45;
	v51 =	vunpack.i.u.bf16.f32 v55;
	v55 =	vunpack.i.l.bf16.f32 v55;
	v34 =	vld.idx.msk [tilespmem:v34+s1+$0x0], $0xffff;
	s21 =	smov.u32 s20;
	s20 =	sadd.s32 $0x10, s20  }
0x217: {  	v37 =	vadd.f32 v37, v53;
	v46 =	vadd.f32 v46, v54;
	v53 =	vor.u32 s19, v30;
	v54 =	vld.idx.msk [tilespmem:v50+s6+$0x0], $0xffff  }
0x218: {  	v56 =	vunpack.i.u.bf16.f32 v41;
	v41 =	vunpack.i.l.bf16.f32 v41;
	v48 =	vadd.f32 v52, v48;
	v50 =	vld.idx.msk [tilespmem:v50+s1+$0x0], $0xffff  }
0x219: {  	v36 =	vadd.f32 v36, v46;
	v40 =	vmul.bf16 v49, v40;
	v46 =	vor.u32 s19, v23;
	s19 =	smov.u32 s21;
	v49 =	vld.idx.msk [tilespmem:v43+s1+$0x0], $0xffff  }
0x21a: {  	v52 =	vor.u32 s19, v18;
	v57 =	vor.u32 s19, v17;
	v39 =	vmul.bf16 v39, v47;
	v47 =	vld.idx.msk [tilespmem:v38+s6+$0x0], $0xffff  }
0x21b: {  	v37 =	vadd.f32 v41, v37;
	v41 =	vunpack.i.u.bf16.f32 v40;
	v40 =	vunpack.i.l.bf16.f32 v40;
	v43 =	vld.idx.msk [tilespmem:v43+s6+$0x0], $0xffff  }
0x21c: {  	v58 =	vor.u32 s19, v21;
	v36 =	vadd.f32 v44, v36;
	v34 =	vmul.bf16 v35, v34;
	v35 =	vld.idx.msk [tilespmem:v53+s6+$0x0], $0xffff  }
0x21d: {  	v33 =	vmul.bf16 v42, v33;
	v42 =	vunpack.i.u.bf16.f32 v39;
	v39 =	vunpack.i.l.bf16.f32 v39;
	v44 =	vld.idx.msk [tilespmem:v53+s1+$0x0], $0xffff  }
0x21e: {  	v59 =	vor.u32 s19, v19;
	v36 =	vadd.f32 v39, v36;
	v53 =	vor.u32 s19, v20;
	v38 =	vld.idx.msk [tilespmem:v38+s1+$0x0], $0xffff  }
0x21f: {  	v39 =	vadd.f32 v56, v45;
	v45 =	vunpack.i.u.bf16.f32 v33;
	v56 =	vunpack.i.l.bf16.f32 v34;
	v60 =	vld.idx.msk [tilespmem:v46+s1+$0x0], $0xffff  }
0x220: {  	v37 =	vadd.f32 v55, v37;
	v33 =	vunpack.i.l.bf16.f32 v33;
	v36 =	vadd.f32 v56, v36;
	v46 =	vld.idx.msk [tilespmem:v46+s6+$0x0], $0xffff  }
0x221: {  	v42 =	vadd.f32 v42, v48;
	v34 =	vunpack.i.u.bf16.f32 v34;
	v39 =	vadd.f32 v51, v39;
	v55 =	vld.idx.msk [tilespmem:v57+s6+$0x0], $0xffff  }
0x222: {  	v37 =	vadd.f32 v40, v37;
	v40 =	vmul.bf16 v43, v49;
	v43 =	vmul.bf16 v54, v50;
	v48 =	vld.idx.msk [tilespmem:v52+s6+$0x0], $0xffff  }
0x223: {  	v39 =	vadd.f32 v41, v39;
	v41 =	vadd.f32 v34, v42;
	v34 =	vmul.bf16 v35, v44;
	v49 =	vld.idx.msk [tilespmem:v59+s1+$0x0], $0xffff  }
0x224: {  	v33 =	vadd.f32 v33, v37;
	v37 =	vunpack.i.u.bf16.f32 v40;
	v42 =	vunpack.i.u.bf16.f32 v43;
	v35 =	vld.idx.msk [tilespmem:v57+s1+$0x0], $0xffff  }
0x225: {  	v56 =	vor.u32 s19, v26;
	v39 =	vadd.f32 v45, v39;
	v54 =	vunpack.i.l.bf16.f32 v34;
	v44 =	vld.idx.msk [tilespmem:v59+s6+$0x0], $0xffff  }
0x226: {  	v50 =	vor.u32 s19, v22;
	v40 =	vunpack.i.l.bf16.f32 v40;
	v38 =	vmul.bf16 v47, v38;
	v45 =	vld.idx.msk [tilespmem:v52+s1+$0x0], $0xffff  }
0x227: {  	v51 =	vor.u32 s19, v24;
	v43 =	vunpack.i.l.bf16.f32 v43;
	v46 =	vmul.bf16 v46, v60;
	v47 =	vld.idx.msk [tilespmem:v53+s6+$0x0], $0xffff  }
0x228: {  	v36 =	vadd.f32 v40, v36;
	v57 =	vunpack.i.u.bf16.f32 v34;
	v52 =	vld.idx.msk [tilespmem:v53+s1+$0x0], $0xffff;
	v53 =	vunpack.i.l.bf16.f32 v38  }
0x229: {  	v37 =	vadd.f32 v37, v41;
	v34 =	vor.u32 s19, v29;
	v38 =	vunpack.i.u.bf16.f32 v38;
	v40 =	vld.idx.msk [tilespmem:v58+s1+$0x0], $0xffff  }
0x22a: {  	v43 =	vadd.f32 v43, v36;
	v55 =	vmul.bf16 v55, v35;
	v53 =	vadd.f32 v53, v33;
	v41 =	vld.idx.msk [tilespmem:v58+s6+$0x0], $0xffff  }
0x22b: {  	v59 =	vor.u32 s19, v25;
	v33 =	vadd.f32 v38, v39;
	v35 =	vadd.f32 v42, v37;
	v58 =	vld.idx.msk [tilespmem:v50+s6+$0x0], $0xffff  }
0x22c: {  	v60 =	vor.u32 s19, v27;
	v39 =	vunpack.i.l.bf16.f32 v46;
	v38 =	vmul.bf16 v48, v45;
	v42 =	vld.idx.msk [tilespmem:v51+s6+$0x0], $0xffff  }
0x22d: {  	v44 =	vmul.bf16 v44, v49;
	v36 =	vunpack.i.u.bf16.f32 v55;
	v45 =	vunpack.i.u.bf16.f32 v46;
	v61 =	vld.idx.msk [tilespmem:v51+s1+$0x0], $0xffff  }
0x22e: {  	v45 =	vadd.f32 v45, v33;
	v37 =	vunpack.i.l.bf16.f32 v38;
	v46 =	vmul.bf16 v47, v52;
	v47 =	vld.idx.msk [tilespmem:v50+s1+$0x0], $0xffff  }
0x22f: {  	v48 =	vadd.f32 v36, v35;
	v49 =	vunpack.i.u.bf16.f32 v44;
	v36 =	vunpack.i.l.bf16.f32 v44;
	v33 =	vld.idx.msk [tilespmem:v56+s1+$0x0], $0xffff  }
0x230: {  	v52 =	vadd.f32 v39, v53;
	v44 =	vunpack.i.u.bf16.f32 v46;
	v46 =	vunpack.i.l.bf16.f32 v46;
	v35 =	vld.idx.msk [tilespmem:v34+s6+$0x0], $0xffff  }
.Ltmp10:
0x231: {  	v45 =	vadd.f32 v57, v45;
	v41 =	vmul.bf16 v41, v40;
	v44 =	vadd.f32 v44, v48;
	v40 =	vld.idx.msk [tilespmem:v59+s1+$0x0], $0xffff;
	(pc) =	sbr.rel @p0 .LBB2_23-.Ltmp10, $4  }
0x232: {  	v51 =	vunpack.i.u.bf16.f32 v38;
	v50 =	vor.u32 s19, v32;
	v53 =	vadd.f32 v54, v52;
	v39 =	vld.idx.msk [tilespmem:v60+s6+$0x0], $0xffff  }
0x233: {  	v38 =	vunpack.i.l.bf16.f32 v55;
	v48 =	vadd.f32 v49, v44;
	v42 =	vmul.bf16 v42, v61;
	v49 =	vld.idx.msk [tilespmem:v59+s6+$0x0], $0xffff  }
0x234: {  	v54 =	vadd.f32 v38, v43;
	v43 =	vor.u32 s19, v31;
	v55 =	vmul.bf16 v58, v47;
	v47 =	vld.idx.msk [tilespmem:v60+s1+$0x0], $0xffff  }
0x235: {  	v38 =	vor.u32 s19, v28;
	v52 =	vunpack.i.u.bf16.f32 v42;
	v44 =	vunpack.i.l.bf16.f32 v42;
	v42 =	vld.idx.msk [tilespmem:v56+s6+$0x0], $0xffff  }
0x236: {  	_ =	sdelay $0x3  }
0x237: {  	v17 =	vld.idx.msk [tilespmem:v34+s1+$0x0], $0xffff  }
0x238: {  	v20 =	vld.idx.msk [tilespmem:v50+s6+$0x0], $0xffff  }
0x239: {  	v18 =	vadd.f32 v46, v54;
	v19 =	vor.u32 s19, v30;
	v25 =	vld.idx.msk [tilespmem:v50+s1+$0x0], $0xffff  }
0x23a: {  	v21 =	vadd.f32 v51, v45;
	v22 =	vunpack.i.u.bf16.f32 v55;
	v24 =	vunpack.i.l.bf16.f32 v55;
	v28 =	vld.idx.msk [tilespmem:v43+s1+$0x0], $0xffff  }
0x23b: {  	v26 =	vadd.f32 v37, v53;
	v27 =	vunpack.i.u.bf16.f32 v41;
	v29 =	vunpack.i.l.bf16.f32 v41;
	v31 =	vld.idx.msk [tilespmem:v38+s6+$0x0], $0xffff  }
0x23c: {  	v32 =	vadd.f32 v52, v48;
	v46 =	vld.idx.msk [tilespmem:v43+s6+$0x0], $0xffff;
	v18 =	vadd.f32 v36, v18;
	v41 =	vmul.bf16 v49, v40  }
0x23d: {  	v23 =	vor.u32 s19, v23;
	v50 =	vld.idx.msk [tilespmem:v38+s1+$0x0], $0xffff;
	v26 =	vadd.f32 v29, v26;
	v21 =	vadd.f32 v27, v21  }
0x23e: {  	v45 =	vmul.bf16 v39, v47;
	v47 =	vunpack.i.u.bf16.f32 v41;
	v30 =	vunpack.i.l.bf16.f32 v41  }
0x23f: {  	v18 =	vadd.f32 v44, v18;
	v33 =	vmul.bf16 v42, v33;
	v24 =	vadd.f32 v24, v26  }
0x240: {  	v21 =	vadd.f32 v22, v21;
	v17 =	vmul.bf16 v35, v17;
	v49 =	vunpack.i.l.bf16.f32 v45  }
0x241: {  	v48 =	vld.idx.msk [tilespmem:v19+s6+$0x0], $0xffff;
	v34 =	vunpack.i.u.bf16.f32 v45;
	v28 =	vmul.bf16 v46, v28;
	v20 =	vmul.bf16 v20, v25  }
0x242: {  	v53 =	vld.idx.msk [tilespmem:v23+s1+$0x0], $0xffff;
	v58 =	vmul.bf16 v31, v50;
	v18 =	vadd.f32 v49, v18;
	v51 =	vunpack.i.u.bf16.f32 v33  }
0x243: {  	v23 =	vld.idx.msk [tilespmem:v23+s6+$0x0], $0xffff;
	v54 =	vunpack.i.l.bf16.f32 v33;
	v55 =	vadd.f32 v34, v32;
	v24 =	vadd.f32 v30, v24  }
0x244: {  	v19 =	vld.idx.msk [tilespmem:v19+s1+$0x0], $0xffff;
	v21 =	vadd.f32 v47, v21;
	v52 =	vunpack.i.l.bf16.f32 v17;
	v17 =	vunpack.i.u.bf16.f32 v17  }
0x245: {  	v57 =	vunpack.i.u.bf16.f32 v28;
	v25 =	vunpack.i.u.bf16.f32 v20;
	v59 =	vunpack.i.l.bf16.f32 v28  }
0x246: {  	v60 =	vunpack.i.l.bf16.f32 v58;
	v26 =	vunpack.i.u.bf16.f32 v58;
	v18 =	vadd.f32 v52, v18  }
0x247: {  	v20 =	vunpack.i.l.bf16.f32 v20;
	v56 =	vadd.f32 v54, v24;
	v21 =	vadd.f32 v51, v21  }
0x248: {  	v17 =	vadd.f32 v17, v55;
	v23 =	vmul.bf16 v23, v53;
	v18 =	vadd.f32 v59, v18  }
0x249: {  	v19 =	vmul.bf16 v48, v19;
	v22 =	vadd.f32 v60, v56;
	v21 =	vadd.f32 v26, v21  }
0x24a: {  	v17 =	vadd.f32 v57, v17;
	v62 =	vunpack.i.l.bf16.f32 v23;
	v23 =	vunpack.i.u.bf16.f32 v23  }
0x24b: {  	v61 =	vunpack.i.l.bf16.f32 v19;
	v21 =	vadd.f32 v23, v21;
	v22 =	vadd.f32 v62, v22  }
0x24c: {  	v19 =	vunpack.i.u.bf16.f32 v19;
	v18 =	vadd.f32 v20, v18;
	v17 =	vadd.f32 v25, v17  }
0x24d: {  	s16 =	sadd.s32 $0x1, s16;
	v19 =	vadd.f32 v19, v21;
	v63 =	vadd.f32 v61, v22  }
0x24e: {  	p0 =	sne.s32 s16, $0x5  }
.Ltmp11:
0x24f: {  	v17 =	vadd.f32 v17, v18;
	v19 =	vadd.f32 v19, v63;
	(pc) =	sbr.rel @p0 .LBB2_22-.Ltmp11, $3  }
0x250: {  	_ = 	snop  }
0x251: {  	v17 =	vadd.f32 v17, v19;
	_ =	sdelay $0x1  }
0x252: {  	[tilespmem:s17+$0x1D6A0] =	vst v17  }
0x253: {  	s15 =	rddreg [dreg:$0x12]  }
0x254: {  	[hbm4b:s15+s4] =	stream.linear.scatter [tilespmem:s7], [sflag:$0x6], $0x50, $0x38;
	[tilespmem:$0x1D740] =	vst v63  }
0x255: {  	_ =	swait.ge [sflag:s12], $0x50  }
0x256: {  	[sflag:s12] =	ssyncset.done $0x0  }
0x257: {  	[sflag:s12] =	ssyncadd.s32 $0xFFFFFFB0  }
0x258: {  	_ =	swait.ge [sflag:s22], $0x50  }
0x259: {  	s14 =	sadd.s32 $0x1, s14;
	s26 =	rddreg [dreg:$0x13]  }
0x25a: {  	p0 =	sne.s32 s14, s26  }
.Ltmp12:
0x25b: {  	_ = 	snop;
	(pc) =	sbr.rel @p0 .LBB2_1-.Ltmp12, $3  }
0x25c: {  	_ =	sdelay $0x1  }
0x25d: {  	[sflag:s22] =	ssyncset.done $0x0  }
0x25e: {  	s20 =	simm.s32 $0x13880;
	s21 =	simm.s32 $0x15F90;
	[sflag:s22] =	ssyncadd.s32 $0xFFFFFFB0  }
0x25f: {  	_ =	sfence.sel $0x180000  }
0x260: {  	[bflag:$0x0] =	sbarrier.arrive $0xFFFF  }
0x261: {  	_ =	strace $0x90000047  }
0x262: {  	s0 =	stileid.u32;
	[bflag:$0x2] =	sbarrier.arrive $0xFFFF  }
0x263: {  	p0 =	sne.s32 s0, $0x0;
	s0 =	rddreg [dreg:$0x4]  }
0x264: {  	s0 =	sadd.s32 @!p0 $0x100000, s0  }
0x265: {  	[sflag:s0] =	ssyncadd.tile.s32 @!p0 $0x1;
	_ =	shalt  }
.Lfunc_end2:
_tile_overlayer_lowered:
.L_overlay_start_2:
0x266: {  	(tag) =	ssettag $0x2  }
0x267: {  	s0 =	rddreg [dreg:$0x0];
	s2 =	stileid.u32  }
0x268: {  	s1 =	rddreg [dreg:$0x1];
	p0 =	sne.s32 s2, $0x0  }
0x269: {  	s3 =	rddreg [dreg:$0x2];
	[bflag:$0x3] =	sbarrier.arrive $0xFFFF;
	s2 =	simm.s32 @!p0 $0x1C08  }
0x26a: {  	[timem:s3], [sflag:s2] =	dma.local @!p0 [hbm:s0], s1  }
0x26b: {  	s0 =	simm.s32 @!p0 $0x8  }
0x26c: {  	_ =	swait.ge @!p0 [sflag:s0], s1  }
0x26d: {  	s1 =	ssub.s32 @!p0 $0x0, s1;
	[sflag:s0] =	ssyncset.done @!p0 $0x0  }
0x26e: {  	[sflag:s0] =	ssyncadd.s32 @!p0 s1  }
0x26f: {  	[bflag:$0x3] =	sbarrier.arrive $0xFFFF  }
0x270: {  	_ =	shalt  }

</sc_bundles>
